<compile_context>
chip_gen: v7x
topology: tpu7x:2x2x1
jax: 0.10.2.dev20260603
libtpu: 0.0.44.dev20260713+nightly
codegen_flags: <defaults>
</compile_context>

<pallas_src>
import jax
import jax.numpy as jnp
from jax import lax
from jax.experimental import pallas as pl
from jax.experimental.pallas import tpu as pltpu
from jax.experimental.pallas import tpu_sc as plsc

N_ROWS = 100000
D = 128
NSEG = 64
CHUNK = 128
N_FULL = N_ROWS // CHUNK
TAIL = N_ROWS - N_FULL * CHUNK
NC, NS = 2, 16
NW = NC * NS
MAXC = -(-N_FULL // NW)
HI = N_FULL - (MAXC - 1) * NW
NBUF = 7


def _body(nodes, ids, zeros, out,
          ibufs, bufs, tidx_v, tail_v, acc_sh, semns, semis, semscs, sem_t):
    c = lax.axis_index("c")
    s = lax.axis_index("s")
    wid = s * NC + c

    def gather(j):
        b = j % NBUF
        r0 = (wid + j * NW) * CHUNK
        pltpu.async_copy(nodes.at[pl.ds(r0, CHUNK)], bufs[b], semns[b])
        pltpu.async_copy(ids.at[pl.ds(r0, CHUNK)], ibufs[b], semis[b])

    def gather_wait(j):
        b = j % NBUF
        pltpu.make_async_copy(nodes.at[pl.ds(0, CHUNK)], bufs[b], semns[b]).wait()
        pltpu.make_async_copy(ids.at[pl.ds(0, CHUNK)], ibufs[b], semis[b]).wait()

    def scatter(j):
        b = j % NBUF
        pltpu.async_copy(bufs[b], acc_sh.at[ibufs[b]], semscs[b], add=True)

    def scatter_wait(j):
        b = j % NBUF
        pltpu.make_async_copy(bufs[b], acc_sh.at[ibufs[b]], semscs[b]).wait()

    for j0 in range(NBUF - 2):
        gather(j0)

    @pl.when(s == 0)
    def _init():
        pltpu.sync_copy(zeros, acc_sh)

    plsc.subcore_barrier()

    for i in range(MAXC):
        if i >= 2:
            scatter_wait(i - 2)

        def step(i=i):
            j = i + NBUF - 2
            if j < MAXC:
                if j == MAXC - 1:
                    @pl.when(wid < HI)
                    def _():
                        gather(j)
                else:
                    gather(j)
            gather_wait(i)
            scatter(i)

        if i == MAXC - 1:
            @pl.when(wid < HI)
            def _():
                step()
        else:
            step()

    scatter_wait(MAXC - 2)

    @pl.when(wid < HI)
    def _last():
        scatter_wait(MAXC - 1)

    @pl.when(wid == NW - 1)
    def _tail():
        r0 = N_FULL * CHUNK
        pltpu.sync_copy(ids.at[pl.ds(r0, TAIL)], tidx_v)
        pltpu.async_copy(nodes.at[pl.ds(r0, TAIL)], tail_v, sem_t).wait()
        pltpu.sync_copy(tail_v, acc_sh.at[tidx_v], add=True)

    plsc.subcore_barrier()

    @pl.when(s == 0)
    def _flush():
        pltpu.sync_copy(acc_sh, out.at[c])


@jax.jit
def _segsum(nodes, ids32, zeros):
    mesh = plsc.VectorSubcoreMesh(core_axis_name="c", subcore_axis_name="s")
    partials = pl.kernel(
        _body,
        out_type=jax.ShapeDtypeStruct((NC, NSEG, D), jnp.float32),
        mesh=mesh,
        scratch_types=[
            [pltpu.VMEM((CHUNK,), jnp.int32) for _ in range(NBUF)],
            [pltpu.VMEM((CHUNK, D), jnp.float32) for _ in range(NBUF)],
            pltpu.VMEM((TAIL,), jnp.int32),
            pltpu.VMEM((TAIL, D), jnp.float32),
            pltpu.VMEM_SHARED((NSEG, D), jnp.float32),
            [pltpu.SemaphoreType.DMA for _ in range(NBUF)],
            [pltpu.SemaphoreType.DMA for _ in range(NBUF)],
            [pltpu.SemaphoreType.DMA for _ in range(NBUF)],
            pltpu.SemaphoreType.DMA,
        ],
    )(nodes, ids32, zeros)
    return partials[0] + partials[1]


def kernel(nodes, segment_ids, num_graphs):
    del num_graphs
    ids32 = segment_ids.astype(jnp.int32)
    zeros = jnp.zeros((NSEG, D), jnp.float32)
    return _segsum(nodes, ids32, zeros)

# --- scband reference (transcript-rebuilt; emitter-appended) ---
"""Pipeline reference for scband-nodes-to-globals-aggregator-83631603188039 (READ-ONLY COPY).

The authoritative reference and input builder live on the scoring server;
editing this copy changes nothing except your own understanding.
"""

import jax, jax.numpy as jnp
import numpy as np

N_NODES = 100000
D_FEAT = 128
NUM_GRAPHS = 64

def setup_inputs(seed: int = 0) -> dict:
    key = jax.random.key(seed)
    k1, k2 = jax.random.split(key)
    nodes = jax.random.normal(k1, (N_NODES, D_FEAT), dtype=jnp.float32)
    segment_ids = jnp.sort(jax.random.randint(k2, (N_NODES,), 0, NUM_GRAPHS, dtype=jnp.int64))
    return {"nodes": nodes, "segment_ids": segment_ids, "num_graphs": NUM_GRAPHS}

def reference(nodes, segment_ids, num_graphs):
    # NodesToGlobalsAggregator with reducer='sum':
    # unsorted_segment_sum over node features, one segment per graph in the batch.
    num_graphs = jnp.asarray(num_graphs)
    ids = segment_ids + (num_graphs - num_graphs).astype(segment_ids.dtype)
    return jax.ops.segment_sum(nodes, ids, num_segments=NUM_GRAPHS)

if __name__ == "__main__":
    import jax
    _d = setup_inputs()
    print(jax.jit(kernel)(*tuple(_d.values())))

</pallas_src>

<mosaic_0001>
#map = affine_map<(d0, d1) -> (0, 0)>
#map1 = affine_map<(d0, d1) -> (0)>
#map2 = affine_map<(d0, d1) -> (0, 0, 0)>
module attributes {stable_mosaic.version = 14 : i64} {
  func.func @_body(%arg0: i32, %arg1: i32, %arg2: memref<100000x128xf32, #tpu.memory_space<hbm>>, %arg3: memref<100000xi32, #tpu.memory_space<hbm>>, %arg4: memref<64x128xf32, #tpu.memory_space<hbm>>, %arg5: memref<2x64x128xf32, #tpu.memory_space<hbm>>, %arg6: memref<128xi32, #tpu.memory_space<vmem>>, %arg7: memref<128xi32, #tpu.memory_space<vmem>>, %arg8: memref<128xi32, #tpu.memory_space<vmem>>, %arg9: memref<128xi32, #tpu.memory_space<vmem>>, %arg10: memref<128xi32, #tpu.memory_space<vmem>>, %arg11: memref<128xi32, #tpu.memory_space<vmem>>, %arg12: memref<128xi32, #tpu.memory_space<vmem>>, %arg13: memref<128x128xf32, #tpu.memory_space<vmem>>, %arg14: memref<128x128xf32, #tpu.memory_space<vmem>>, %arg15: memref<128x128xf32, #tpu.memory_space<vmem>>, %arg16: memref<128x128xf32, #tpu.memory_space<vmem>>, %arg17: memref<128x128xf32, #tpu.memory_space<vmem>>, %arg18: memref<128x128xf32, #tpu.memory_space<vmem>>, %arg19: memref<128x128xf32, #tpu.memory_space<vmem>>, %arg20: memref<32xi32, #tpu.memory_space<vmem>>, %arg21: memref<32x128xf32, #tpu.memory_space<vmem>>, %arg22: memref<64x128xf32, #tpu.memory_space<vmem_shared>>, %arg23: memref<!tpu.dma_semaphore, #tpu.memory_space<semaphore_mem>>, %arg24: memref<!tpu.dma_semaphore, #tpu.memory_space<semaphore_mem>>, %arg25: memref<!tpu.dma_semaphore, #tpu.memory_space<semaphore_mem>>, %arg26: memref<!tpu.dma_semaphore, #tpu.memory_space<semaphore_mem>>, %arg27: memref<!tpu.dma_semaphore, #tpu.memory_space<semaphore_mem>>, %arg28: memref<!tpu.dma_semaphore, #tpu.memory_space<semaphore_mem>>, %arg29: memref<!tpu.dma_semaphore, #tpu.memory_space<semaphore_mem>>, %arg30: memref<!tpu.dma_semaphore, #tpu.memory_space<semaphore_mem>>, %arg31: memref<!tpu.dma_semaphore, #tpu.memory_space<semaphore_mem>>, %arg32: memref<!tpu.dma_semaphore, #tpu.memory_space<semaphore_mem>>, %arg33: memref<!tpu.dma_semaphore, #tpu.memory_space<semaphore_mem>>, %arg34: memref<!tpu.dma_semaphore, #tpu.memory_space<semaphore_mem>>, %arg35: memref<!tpu.dma_semaphore, #tpu.memory_space<semaphore_mem>>, %arg36: memref<!tpu.dma_semaphore, #tpu.memory_space<semaphore_mem>>, %arg37: memref<!tpu.dma_semaphore, #tpu.memory_space<semaphore_mem>>, %arg38: memref<!tpu.dma_semaphore, #tpu.memory_space<semaphore_mem>>, %arg39: memref<!tpu.dma_semaphore, #tpu.memory_space<semaphore_mem>>, %arg40: memref<!tpu.dma_semaphore, #tpu.memory_space<semaphore_mem>>, %arg41: memref<!tpu.dma_semaphore, #tpu.memory_space<semaphore_mem>>, %arg42: memref<!tpu.dma_semaphore, #tpu.memory_space<semaphore_mem>>, %arg43: memref<!tpu.dma_semaphore, #tpu.memory_space<semaphore_mem>>, %arg44: memref<!tpu.dma_semaphore, #tpu.memory_space<semaphore_mem>>) attributes {dimension_semantics = [#tpu.dimension_semantics<core_parallel>, #tpu.dimension_semantics<subcore_parallel>], iteration_bounds = array<i64: 2, 16>, scalar_prefetch = 0 : i64, scratch_operands = 39 : i64, tpu.core_type = #tpu.core_type<sc_vector_subcore>, window_params = [{transform_indices = #map}, {transform_indices = #map1}, {transform_indices = #map}, {transform_indices = #map2}]} {
    %mul3A = arith.constant 2 : i32
    %mul3A_0 = arith.muli %arg1, %mul3A : i32
    %add3A = arith.addi %mul3A_0, %arg0 : i32
    %add3A_1 = arith.constant 0 : i32
    %add3A_2 = arith.addi %add3A, %add3A_1 : i32
    %mul3A_3 = arith.constant 128 : i32
    %mul3A_4 = arith.muli %add3A_2, %mul3A_3 : i32
    %dma_start3A = arith.constant 0 : i32
    %dma_start3A_5 = tpu.memref_slice %arg2[%mul3A_4, %dma_start3A] : memref<100000x128xf32, #tpu.memory_space<hbm>> -> memref<128x128xf32, #tpu.memory_space<hbm>>
    %dma_start3A_6 = arith.constant 0 : i32
    %dma_start3A_7 = tpu.memref_slice %arg2[%mul3A_4, %dma_start3A_6] : memref<100000x128xf32, #tpu.memory_space<hbm>> -> memref<128x128xf32, #tpu.memory_space<hbm>>
    tpu.enqueue_dma source(%dma_start3A_7 : memref<128x128xf32, #tpu.memory_space<hbm>>) target(%arg13 : memref<128x128xf32, #tpu.memory_space<vmem>>) target_semaphore(%arg23 : memref<!tpu.dma_semaphore, #tpu.memory_space<semaphore_mem>>)
    %dma_start3A_8 = tpu.memref_slice %arg3[%mul3A_4] : memref<100000xi32, #tpu.memory_space<hbm>> -> memref<128xi32, #tpu.memory_space<hbm>>
    %dma_start3A_9 = tpu.memref_slice %arg3[%mul3A_4] : memref<100000xi32, #tpu.memory_space<hbm>> -> memref<128xi32, #tpu.memory_space<hbm>>
    tpu.enqueue_dma source(%dma_start3A_9 : memref<128xi32, #tpu.memory_space<hbm>>) target(%arg6 : memref<128xi32, #tpu.memory_space<vmem>>) target_semaphore(%arg30 : memref<!tpu.dma_semaphore, #tpu.memory_space<semaphore_mem>>)
    %add3A_10 = arith.constant 32 : i32
    %add3A_11 = arith.addi %add3A, %add3A_10 : i32
    %mul3A_12 = arith.constant 128 : i32
    %mul3A_13 = arith.muli %add3A_11, %mul3A_12 : i32
    %dma_start3A_14 = arith.constant 0 : i32
    %dma_start3A_15 = tpu.memref_slice %arg2[%mul3A_13, %dma_start3A_14] : memref<100000x128xf32, #tpu.memory_space<hbm>> -> memref<128x128xf32, #tpu.memory_space<hbm>>
    %dma_start3A_16 = arith.constant 0 : i32
    %dma_start3A_17 = tpu.memref_slice %arg2[%mul3A_13, %dma_start3A_16] : memref<100000x128xf32, #tpu.memory_space<hbm>> -> memref<128x128xf32, #tpu.memory_space<hbm>>
    tpu.enqueue_dma source(%dma_start3A_17 : memref<128x128xf32, #tpu.memory_space<hbm>>) target(%arg14 : memref<128x128xf32, #tpu.memory_space<vmem>>) target_semaphore(%arg24 : memref<!tpu.dma_semaphore, #tpu.memory_space<semaphore_mem>>)
    %dma_start3A_18 = tpu.memref_slice %arg3[%mul3A_13] : memref<100000xi32, #tpu.memory_space<hbm>> -> memref<128xi32, #tpu.memory_space<hbm>>
    %dma_start3A_19 = tpu.memref_slice %arg3[%mul3A_13] : memref<100000xi32, #tpu.memory_space<hbm>> -> memref<128xi32, #tpu.memory_space<hbm>>
    tpu.enqueue_dma source(%dma_start3A_19 : memref<128xi32, #tpu.memory_space<hbm>>) target(%arg7 : memref<128xi32, #tpu.memory_space<vmem>>) target_semaphore(%arg31 : memref<!tpu.dma_semaphore, #tpu.memory_space<semaphore_mem>>)
    %add3A_20 = arith.constant 64 : i32
    %add3A_21 = arith.addi %add3A, %add3A_20 : i32
    %mul3A_22 = arith.constant 128 : i32
    %mul3A_23 = arith.muli %add3A_21, %mul3A_22 : i32
    %dma_start3A_24 = arith.constant 0 : i32
    %dma_start3A_25 = tpu.memref_slice %arg2[%mul3A_23, %dma_start3A_24] : memref<100000x128xf32, #tpu.memory_space<hbm>> -> memref<128x128xf32, #tpu.memory_space<hbm>>
    %dma_start3A_26 = arith.constant 0 : i32
    %dma_start3A_27 = tpu.memref_slice %arg2[%mul3A_23, %dma_start3A_26] : memref<100000x128xf32, #tpu.memory_space<hbm>> -> memref<128x128xf32, #tpu.memory_space<hbm>>
    tpu.enqueue_dma source(%dma_start3A_27 : memref<128x128xf32, #tpu.memory_space<hbm>>) target(%arg15 : memref<128x128xf32, #tpu.memory_space<vmem>>) target_semaphore(%arg25 : memref<!tpu.dma_semaphore, #tpu.memory_space<semaphore_mem>>)
    %dma_start3A_28 = tpu.memref_slice %arg3[%mul3A_23] : memref<100000xi32, #tpu.memory_space<hbm>> -> memref<128xi32, #tpu.memory_space<hbm>>
    %dma_start3A_29 = tpu.memref_slice %arg3[%mul3A_23] : memref<100000xi32, #tpu.memory_space<hbm>> -> memref<128xi32, #tpu.memory_space<hbm>>
    tpu.enqueue_dma source(%dma_start3A_29 : memref<128xi32, #tpu.memory_space<hbm>>) target(%arg8 : memref<128xi32, #tpu.memory_space<vmem>>) target_semaphore(%arg32 : memref<!tpu.dma_semaphore, #tpu.memory_space<semaphore_mem>>)
    %add3A_30 = arith.constant 96 : i32
    %add3A_31 = arith.addi %add3A, %add3A_30 : i32
    %mul3A_32 = arith.constant 128 : i32
    %mul3A_33 = arith.muli %add3A_31, %mul3A_32 : i32
    %dma_start3A_34 = arith.constant 0 : i32
    %dma_start3A_35 = tpu.memref_slice %arg2[%mul3A_33, %dma_start3A_34] : memref<100000x128xf32, #tpu.memory_space<hbm>> -> memref<128x128xf32, #tpu.memory_space<hbm>>
    %dma_start3A_36 = arith.constant 0 : i32
    %dma_start3A_37 = tpu.memref_slice %arg2[%mul3A_33, %dma_start3A_36] : memref<100000x128xf32, #tpu.memory_space<hbm>> -> memref<128x128xf32, #tpu.memory_space<hbm>>
    tpu.enqueue_dma source(%dma_start3A_37 : memref<128x128xf32, #tpu.memory_space<hbm>>) target(%arg16 : memref<128x128xf32, #tpu.memory_space<vmem>>) target_semaphore(%arg26 : memref<!tpu.dma_semaphore, #tpu.memory_space<semaphore_mem>>)
    %dma_start3A_38 = tpu.memref_slice %arg3[%mul3A_33] : memref<100000xi32, #tpu.memory_space<hbm>> -> memref<128xi32, #tpu.memory_space<hbm>>
    %dma_start3A_39 = tpu.memref_slice %arg3[%mul3A_33] : memref<100000xi32, #tpu.memory_space<hbm>> -> memref<128xi32, #tpu.memory_space<hbm>>
    tpu.enqueue_dma source(%dma_start3A_39 : memref<128xi32, #tpu.memory_space<hbm>>) target(%arg9 : memref<128xi32, #tpu.memory_space<vmem>>) target_semaphore(%arg33 : memref<!tpu.dma_semaphore, #tpu.memory_space<semaphore_mem>>)
    %add3A_40 = arith.constant 128 : i32
    %add3A_41 = arith.addi %add3A, %add3A_40 : i32
    %mul3A_42 = arith.constant 128 : i32
    %mul3A_43 = arith.muli %add3A_41, %mul3A_42 : i32
    %dma_start3A_44 = arith.constant 0 : i32
    %dma_start3A_45 = tpu.memref_slice %arg2[%mul3A_43, %dma_start3A_44] : memref<100000x128xf32, #tpu.memory_space<hbm>> -> memref<128x128xf32, #tpu.memory_space<hbm>>
    %dma_start3A_46 = arith.constant 0 : i32
    %dma_start3A_47 = tpu.memref_slice %arg2[%mul3A_43, %dma_start3A_46] : memref<100000x128xf32, #tpu.memory_space<hbm>> -> memref<128x128xf32, #tpu.memory_space<hbm>>
    tpu.enqueue_dma source(%dma_start3A_47 : memref<128x128xf32, #tpu.memory_space<hbm>>) target(%arg17 : memref<128x128xf32, #tpu.memory_space<vmem>>) target_semaphore(%arg27 : memref<!tpu.dma_semaphore, #tpu.memory_space<semaphore_mem>>)
    %dma_start3A_48 = tpu.memref_slice %arg3[%mul3A_43] : memref<100000xi32, #tpu.memory_space<hbm>> -> memref<128xi32, #tpu.memory_space<hbm>>
    %dma_start3A_49 = tpu.memref_slice %arg3[%mul3A_43] : memref<100000xi32, #tpu.memory_space<hbm>> -> memref<128xi32, #tpu.memory_space<hbm>>
    tpu.enqueue_dma source(%dma_start3A_49 : memref<128xi32, #tpu.memory_space<hbm>>) target(%arg10 : memref<128xi32, #tpu.memory_space<vmem>>) target_semaphore(%arg34 : memref<!tpu.dma_semaphore, #tpu.memory_space<semaphore_mem>>)
    %eq3A = arith.constant 0 : i32
    %eq3A_50 = arith.cmpi eq, %arg1, %eq3A : i32
    %convert_element_type3A = arith.extui %eq3A_50 : i1 to i32
    %cond3A = arith.constant 0 : i32
    %cond3A_51 = arith.cmpi ne, %convert_element_type3A, %cond3A : i32
    scf.if %cond3A_51 {
      "tpu.region"() ({
        %run_scoped3A = tpu.sem_alloc : memref<!tpu.dma_semaphore, #tpu.memory_space<semaphore_mem>>
        tpu.enqueue_dma source(%arg4 : memref<64x128xf32, #tpu.memory_space<hbm>>) target(%arg22 : memref<64x128xf32, #tpu.memory_space<vmem_shared>>) target_semaphore(%run_scoped3A : memref<!tpu.dma_semaphore, #tpu.memory_space<semaphore_mem>>)
        tpu.wait_dma2 semaphore(%run_scoped3A : memref<!tpu.dma_semaphore, #tpu.memory_space<semaphore_mem>>) src(%arg4 : memref<64x128xf32, #tpu.memory_space<hbm>>) dst(%arg22 : memref<64x128xf32, #tpu.memory_space<vmem_shared>>)
        tpu.yield
      }) : () -> ()
    } else {
    }
    %barrier3A = arith.constant 0 : index
    tpu.barrier barrier_id(%barrier3A)
    %add3A_52 = arith.constant 160 : i32
    %add3A_53 = arith.addi %add3A, %add3A_52 : i32
    %mul3A_54 = arith.constant 128 : i32
    %mul3A_55 = arith.muli %add3A_53, %mul3A_54 : i32
    %dma_start3A_56 = arith.constant 0 : i32
    %dma_start3A_57 = tpu.memref_slice %arg2[%mul3A_55, %dma_start3A_56] : memref<100000x128xf32, #tpu.memory_space<hbm>> -> memref<128x128xf32, #tpu.memory_space<hbm>>
    %dma_start3A_58 = arith.constant 0 : i32
    %dma_start3A_59 = tpu.memref_slice %arg2[%mul3A_55, %dma_start3A_58] : memref<100000x128xf32, #tpu.memory_space<hbm>> -> memref<128x128xf32, #tpu.memory_space<hbm>>
    tpu.enqueue_dma source(%dma_start3A_59 : memref<128x128xf32, #tpu.memory_space<hbm>>) target(%arg18 : memref<128x128xf32, #tpu.memory_space<vmem>>) target_semaphore(%arg28 : memref<!tpu.dma_semaphore, #tpu.memory_space<semaphore_mem>>)
    %dma_start3A_60 = tpu.memref_slice %arg3[%mul3A_55] : memref<100000xi32, #tpu.memory_space<hbm>> -> memref<128xi32, #tpu.memory_space<hbm>>
    %dma_start3A_61 = tpu.memref_slice %arg3[%mul3A_55] : memref<100000xi32, #tpu.memory_space<hbm>> -> memref<128xi32, #tpu.memory_space<hbm>>
    tpu.enqueue_dma source(%dma_start3A_61 : memref<128xi32, #tpu.memory_space<hbm>>) target(%arg11 : memref<128xi32, #tpu.memory_space<vmem>>) target_semaphore(%arg35 : memref<!tpu.dma_semaphore, #tpu.memory_space<semaphore_mem>>)
    %dma_wait3A = arith.constant 0 : i32
    %dma_wait3A_62 = arith.constant 0 : i32
    %dma_wait3A_63 = tpu.memref_slice %arg2[%dma_wait3A, %dma_wait3A_62] : memref<100000x128xf32, #tpu.memory_space<hbm>> -> memref<128x128xf32, #tpu.memory_space<hbm>>
    %dma_wait3A_64 = arith.constant 0 : i32
    %dma_wait3A_65 = arith.constant 0 : i32
    %dma_wait3A_66 = tpu.memref_slice %arg2[%dma_wait3A_64, %dma_wait3A_65] : memref<100000x128xf32, #tpu.memory_space<hbm>> -> memref<128x128xf32, #tpu.memory_space<hbm>>
    tpu.wait_dma2 semaphore(%arg23 : memref<!tpu.dma_semaphore, #tpu.memory_space<semaphore_mem>>) src(%dma_wait3A_66 : memref<128x128xf32, #tpu.memory_space<hbm>>) dst(%arg13 : memref<128x128xf32, #tpu.memory_space<vmem>>)
    %dma_wait3A_67 = arith.constant 0 : i32
    %dma_wait3A_68 = tpu.memref_slice %arg3[%dma_wait3A_67] : memref<100000xi32, #tpu.memory_space<hbm>> -> memref<128xi32, #tpu.memory_space<hbm>>
    %dma_wait3A_69 = arith.constant 0 : i32
    %dma_wait3A_70 = tpu.memref_slice %arg3[%dma_wait3A_69] : memref<100000xi32, #tpu.memory_space<hbm>> -> memref<128xi32, #tpu.memory_space<hbm>>
    tpu.wait_dma2 semaphore(%arg30 : memref<!tpu.dma_semaphore, #tpu.memory_space<semaphore_mem>>) src(%dma_wait3A_70 : memref<128xi32, #tpu.memory_space<hbm>>) dst(%arg6 : memref<128xi32, #tpu.memory_space<vmem>>)
    %dma_start3A_71 = arith.constant 0 : i32
    %dma_start3A_72 = arith.constant 0 : i32
    %dma_start3A_73 = tpu.memref_slice %arg22[%dma_start3A_71, %dma_start3A_72] : memref<64x128xf32, #tpu.memory_space<vmem_shared>> -> memref<64x128xf32, #tpu.memory_space<vmem_shared>>
    tpu.enqueue_indirect_dma source(%arg13 : memref<128x128xf32, #tpu.memory_space<vmem>>) target(%dma_start3A_73 : memref<64x128xf32, #tpu.memory_space<vmem_shared>>) offsets(%arg6 : memref<128xi32, #tpu.memory_space<vmem>>) semaphore(%arg37 : memref<!tpu.dma_semaphore, #tpu.memory_space<semaphore_mem>>) {add = true}
    %add3A_74 = arith.constant 192 : i32
    %add3A_75 = arith.addi %add3A, %add3A_74 : i32
    %mul3A_76 = arith.constant 128 : i32
    %mul3A_77 = arith.muli %add3A_75, %mul3A_76 : i32
    %dma_start3A_78 = arith.constant 0 : i32
    %dma_start3A_79 = tpu.memref_slice %arg2[%mul3A_77, %dma_start3A_78] : memref<100000x128xf32, #tpu.memory_space<hbm>> -> memref<128x128xf32, #tpu.memory_space<hbm>>
    %dma_start3A_80 = arith.constant 0 : i32
    %dma_start3A_81 = tpu.memref_slice %arg2[%mul3A_77, %dma_start3A_80] : memref<100000x128xf32, #tpu.memory_space<hbm>> -> memref<128x128xf32, #tpu.memory_space<hbm>>
    tpu.enqueue_dma source(%dma_start3A_81 : memref<128x128xf32, #tpu.memory_space<hbm>>) target(%arg19 : memref<128x128xf32, #tpu.memory_space<vmem>>) target_semaphore(%arg29 : memref<!tpu.dma_semaphore, #tpu.memory_space<semaphore_mem>>)
    %dma_start3A_82 = tpu.memref_slice %arg3[%mul3A_77] : memref<100000xi32, #tpu.memory_space<hbm>> -> memref<128xi32, #tpu.memory_space<hbm>>
    %dma_start3A_83 = tpu.memref_slice %arg3[%mul3A_77] : memref<100000xi32, #tpu.memory_space<hbm>> -> memref<128xi32, #tpu.memory_space<hbm>>
    tpu.enqueue_dma source(%dma_start3A_83 : memref<128xi32, #tpu.memory_space<hbm>>) target(%arg12 : memref<128xi32, #tpu.memory_space<vmem>>) target_semaphore(%arg36 : memref<!tpu.dma_semaphore, #tpu.memory_space<semaphore_mem>>)
    %dma_wait3A_84 = arith.constant 0 : i32
    %dma_wait3A_85 = arith.constant 0 : i32
    %dma_wait3A_86 = tpu.memref_slice %arg2[%dma_wait3A_84, %dma_wait3A_85] : memref<100000x128xf32, #tpu.memory_space<hbm>> -> memref<128x128xf32, #tpu.memory_space<hbm>>
    %dma_wait3A_87 = arith.constant 0 : i32
    %dma_wait3A_88 = arith.constant 0 : i32
    %dma_wait3A_89 = tpu.memref_slice %arg2[%dma_wait3A_87, %dma_wait3A_88] : memref<100000x128xf32, #tpu.memory_space<hbm>> -> memref<128x128xf32, #tpu.memory_space<hbm>>
    tpu.wait_dma2 semaphore(%arg24 : memref<!tpu.dma_semaphore, #tpu.memory_space<semaphore_mem>>) src(%dma_wait3A_89 : memref<128x128xf32, #tpu.memory_space<hbm>>) dst(%arg14 : memref<128x128xf32, #tpu.memory_space<vmem>>)
    %dma_wait3A_90 = arith.constant 0 : i32
    %dma_wait3A_91 = tpu.memref_slice %arg3[%dma_wait3A_90] : memref<100000xi32, #tpu.memory_space<hbm>> -> memref<128xi32, #tpu.memory_space<hbm>>
    %dma_wait3A_92 = arith.constant 0 : i32
    %dma_wait3A_93 = tpu.memref_slice %arg3[%dma_wait3A_92] : memref<100000xi32, #tpu.memory_space<hbm>> -> memref<128xi32, #tpu.memory_space<hbm>>
    tpu.wait_dma2 semaphore(%arg31 : memref<!tpu.dma_semaphore, #tpu.memory_space<semaphore_mem>>) src(%dma_wait3A_93 : memref<128xi32, #tpu.memory_space<hbm>>) dst(%arg7 : memref<128xi32, #tpu.memory_space<vmem>>)
    %dma_start3A_94 = arith.constant 0 : i32
    %dma_start3A_95 = arith.constant 0 : i32
    %dma_start3A_96 = tpu.memref_slice %arg22[%dma_start3A_94, %dma_start3A_95] : memref<64x128xf32, #tpu.memory_space<vmem_shared>> -> memref<64x128xf32, #tpu.memory_space<vmem_shared>>
    tpu.enqueue_indirect_dma source(%arg14 : memref<128x128xf32, #tpu.memory_space<vmem>>) target(%dma_start3A_96 : memref<64x128xf32, #tpu.memory_space<vmem_shared>>) offsets(%arg7 : memref<128xi32, #tpu.memory_space<vmem>>) semaphore(%arg38 : memref<!tpu.dma_semaphore, #tpu.memory_space<semaphore_mem>>) {add = true}
    %dma_wait3A_97 = arith.constant 0 : i32
    %dma_wait3A_98 = arith.constant 0 : i32
    %dma_wait3A_99 = tpu.memref_slice %arg22[%dma_wait3A_97, %dma_wait3A_98] : memref<64x128xf32, #tpu.memory_space<vmem_shared>> -> memref<64x128xf32, #tpu.memory_space<vmem_shared>>
    tpu.wait_indirect_dma semaphore(%arg37 : memref<!tpu.dma_semaphore, #tpu.memory_space<semaphore_mem>>) src(%arg13 : memref<128x128xf32, #tpu.memory_space<vmem>>) dst(%dma_wait3A_99 : memref<64x128xf32, #tpu.memory_space<vmem_shared>>)
    %add3A_100 = arith.constant 224 : i32
    %add3A_101 = arith.addi %add3A, %add3A_100 : i32
    %mul3A_102 = arith.constant 128 : i32
    %mul3A_103 = arith.muli %add3A_101, %mul3A_102 : i32
    %dma_start3A_104 = arith.constant 0 : i32
    %dma_start3A_105 = tpu.memref_slice %arg2[%mul3A_103, %dma_start3A_104] : memref<100000x128xf32, #tpu.memory_space<hbm>> -> memref<128x128xf32, #tpu.memory_space<hbm>>
    %dma_start3A_106 = arith.constant 0 : i32
    %dma_start3A_107 = tpu.memref_slice %arg2[%mul3A_103, %dma_start3A_106] : memref<100000x128xf32, #tpu.memory_space<hbm>> -> memref<128x128xf32, #tpu.memory_space<hbm>>
    tpu.enqueue_dma source(%dma_start3A_107 : memref<128x128xf32, #tpu.memory_space<hbm>>) target(%arg13 : memref<128x128xf32, #tpu.memory_space<vmem>>) target_semaphore(%arg23 : memref<!tpu.dma_semaphore, #tpu.memory_space<semaphore_mem>>)
    %dma_start3A_108 = tpu.memref_slice %arg3[%mul3A_103] : memref<100000xi32, #tpu.memory_space<hbm>> -> memref<128xi32, #tpu.memory_space<hbm>>
    %dma_start3A_109 = tpu.memref_slice %arg3[%mul3A_103] : memref<100000xi32, #tpu.memory_space<hbm>> -> memref<128xi32, #tpu.memory_space<hbm>>
    tpu.enqueue_dma source(%dma_start3A_109 : memref<128xi32, #tpu.memory_space<hbm>>) target(%arg6 : memref<128xi32, #tpu.memory_space<vmem>>) target_semaphore(%arg30 : memref<!tpu.dma_semaphore, #tpu.memory_space<semaphore_mem>>)
    %dma_wait3A_110 = arith.constant 0 : i32
    %dma_wait3A_111 = arith.constant 0 : i32
    %dma_wait3A_112 = tpu.memref_slice %arg2[%dma_wait3A_110, %dma_wait3A_111] : memref<100000x128xf32, #tpu.memory_space<hbm>> -> memref<128x128xf32, #tpu.memory_space<hbm>>
    %dma_wait3A_113 = arith.constant 0 : i32
    %dma_wait3A_114 = arith.constant 0 : i32
    %dma_wait3A_115 = tpu.memref_slice %arg2[%dma_wait3A_113, %dma_wait3A_114] : memref<100000x128xf32, #tpu.memory_space<hbm>> -> memref<128x128xf32, #tpu.memory_space<hbm>>
    tpu.wait_dma2 semaphore(%arg25 : memref<!tpu.dma_semaphore, #tpu.memory_space<semaphore_mem>>) src(%dma_wait3A_115 : memref<128x128xf32, #tpu.memory_space<hbm>>) dst(%arg15 : memref<128x128xf32, #tpu.memory_space<vmem>>)
    %dma_wait3A_116 = arith.constant 0 : i32
    %dma_wait3A_117 = tpu.memref_slice %arg3[%dma_wait3A_116] : memref<100000xi32, #tpu.memory_space<hbm>> -> memref<128xi32, #tpu.memory_space<hbm>>
    %dma_wait3A_118 = arith.constant 0 : i32
    %dma_wait3A_119 = tpu.memref_slice %arg3[%dma_wait3A_118] : memref<100000xi32, #tpu.memory_space<hbm>> -> memref<128xi32, #tpu.memory_space<hbm>>
    tpu.wait_dma2 semaphore(%arg32 : memref<!tpu.dma_semaphore, #tpu.memory_space<semaphore_mem>>) src(%dma_wait3A_119 : memref<128xi32, #tpu.memory_space<hbm>>) dst(%arg8 : memref<128xi32, #tpu.memory_space<vmem>>)
    %dma_start3A_120 = arith.constant 0 : i32
    %dma_start3A_121 = arith.constant 0 : i32
    %dma_start3A_122 = tpu.memref_slice %arg22[%dma_start3A_120, %dma_start3A_121] : memref<64x128xf32, #tpu.memory_space<vmem_shared>> -> memref<64x128xf32, #tpu.memory_space<vmem_shared>>
    tpu.enqueue_indirect_dma source(%arg15 : memref<128x128xf32, #tpu.memory_space<vmem>>) target(%dma_start3A_122 : memref<64x128xf32, #tpu.memory_space<vmem_shared>>) offsets(%arg8 : memref<128xi32, #tpu.memory_space<vmem>>) semaphore(%arg39 : memref<!tpu.dma_semaphore, #tpu.memory_space<semaphore_mem>>) {add = true}
    %dma_wait3A_123 = arith.constant 0 : i32
    %dma_wait3A_124 = arith.constant 0 : i32
    %dma_wait3A_125 = tpu.memref_slice %arg22[%dma_wait3A_123, %dma_wait3A_124] : memref<64x128xf32, #tpu.memory_space<vmem_shared>> -> memref<64x128xf32, #tpu.memory_space<vmem_shared>>
    tpu.wait_indirect_dma semaphore(%arg38 : memref<!tpu.dma_semaphore, #tpu.memory_space<semaphore_mem>>) src(%arg14 : memref<128x128xf32, #tpu.memory_space<vmem>>) dst(%dma_wait3A_125 : memref<64x128xf32, #tpu.memory_space<vmem_shared>>)
    %add3A_126 = arith.constant 256 : i32
    %add3A_127 = arith.addi %add3A, %add3A_126 : i32
    %mul3A_128 = arith.constant 128 : i32
    %mul3A_129 = arith.muli %add3A_127, %mul3A_128 : i32
    %dma_start3A_130 = arith.constant 0 : i32
    %dma_start3A_131 = tpu.memref_slice %arg2[%mul3A_129, %dma_start3A_130] : memref<100000x128xf32, #tpu.memory_space<hbm>> -> memref<128x128xf32, #tpu.memory_space<hbm>>
    %dma_start3A_132 = arith.constant 0 : i32
    %dma_start3A_133 = tpu.memref_slice %arg2[%mul3A_129, %dma_start3A_132] : memref<100000x128xf32, #tpu.memory_space<hbm>> -> memref<128x128xf32, #tpu.memory_space<hbm>>
    tpu.enqueue_dma source(%dma_start3A_133 : memref<128x128xf32, #tpu.memory_space<hbm>>) target(%arg14 : memref<128x128xf32, #tpu.memory_space<vmem>>) target_semaphore(%arg24 : memref<!tpu.dma_semaphore, #tpu.memory_space<semaphore_mem>>)
    %dma_start3A_134 = tpu.memref_slice %arg3[%mul3A_129] : memref<100000xi32, #tpu.memory_space<hbm>> -> memref<128xi32, #tpu.memory_space<hbm>>
    %dma_start3A_135 = tpu.memref_slice %arg3[%mul3A_129] : memref<100000xi32, #tpu.memory_space<hbm>> -> memref<128xi32, #tpu.memory_space<hbm>>
    tpu.enqueue_dma source(%dma_start3A_135 : memref<128xi32, #tpu.memory_space<hbm>>) target(%arg7 : memref<128xi32, #tpu.memory_space<vmem>>) target_semaphore(%arg31 : memref<!tpu.dma_semaphore, #tpu.memory_space<semaphore_mem>>)
    %dma_wait3A_136 = arith.constant 0 : i32
    %dma_wait3A_137 = arith.constant 0 : i32
    %dma_wait3A_138 = tpu.memref_slice %arg2[%dma_wait3A_136, %dma_wait3A_137] : memref<100000x128xf32, #tpu.memory_space<hbm>> -> memref<128x128xf32, #tpu.memory_space<hbm>>
    %dma_wait3A_139 = arith.constant 0 : i32
    %dma_wait3A_140 = arith.constant 0 : i32
    %dma_wait3A_141 = tpu.memref_slice %arg2[%dma_wait3A_139, %dma_wait3A_140] : memref<100000x128xf32, #tpu.memory_space<hbm>> -> memref<128x128xf32, #tpu.memory_space<hbm>>
    tpu.wait_dma2 semaphore(%arg26 : memref<!tpu.dma_semaphore, #tpu.memory_space<semaphore_mem>>) src(%dma_wait3A_141 : memref<128x128xf32, #tpu.memory_space<hbm>>) dst(%arg16 : memref<128x128xf32, #tpu.memory_space<vmem>>)
    %dma_wait3A_142 = arith.constant 0 : i32
    %dma_wait3A_143 = tpu.memref_slice %arg3[%dma_wait3A_142] : memref<100000xi32, #tpu.memory_space<hbm>> -> memref<128xi32, #tpu.memory_space<hbm>>
    %dma_wait3A_144 = arith.constant 0 : i32
    %dma_wait3A_145 = tpu.memref_slice %arg3[%dma_wait3A_144] : memref<100000xi32, #tpu.memory_space<hbm>> -> memref<128xi32, #tpu.memory_space<hbm>>
    tpu.wait_dma2 semaphore(%arg33 : memref<!tpu.dma_semaphore, #tpu.memory_space<semaphore_mem>>) src(%dma_wait3A_145 : memref<128xi32, #tpu.memory_space<hbm>>) dst(%arg9 : memref<128xi32, #tpu.memory_space<vmem>>)
    %dma_start3A_146 = arith.constant 0 : i32
    %dma_start3A_147 = arith.constant 0 : i32
    %dma_start3A_148 = tpu.memref_slice %arg22[%dma_start3A_146, %dma_start3A_147] : memref<64x128xf32, #tpu.memory_space<vmem_shared>> -> memref<64x128xf32, #tpu.memory_space<vmem_shared>>
    tpu.enqueue_indirect_dma source(%arg16 : memref<128x128xf32, #tpu.memory_space<vmem>>) target(%dma_start3A_148 : memref<64x128xf32, #tpu.memory_space<vmem_shared>>) offsets(%arg9 : memref<128xi32, #tpu.memory_space<vmem>>) semaphore(%arg40 : memref<!tpu.dma_semaphore, #tpu.memory_space<semaphore_mem>>) {add = true}
    %dma_wait3A_149 = arith.constant 0 : i32
    %dma_wait3A_150 = arith.constant 0 : i32
    %dma_wait3A_151 = tpu.memref_slice %arg22[%dma_wait3A_149, %dma_wait3A_150] : memref<64x128xf32, #tpu.memory_space<vmem_shared>> -> memref<64x128xf32, #tpu.memory_space<vmem_shared>>
    tpu.wait_indirect_dma semaphore(%arg39 : memref<!tpu.dma_semaphore, #tpu.memory_space<semaphore_mem>>) src(%arg15 : memref<128x128xf32, #tpu.memory_space<vmem>>) dst(%dma_wait3A_151 : memref<64x128xf32, #tpu.memory_space<vmem_shared>>)
    %add3A_152 = arith.constant 288 : i32
    %add3A_153 = arith.addi %add3A, %add3A_152 : i32
    %mul3A_154 = arith.constant 128 : i32
    %mul3A_155 = arith.muli %add3A_153, %mul3A_154 : i32
    %dma_start3A_156 = arith.constant 0 : i32
    %dma_start3A_157 = tpu.memref_slice %arg2[%mul3A_155, %dma_start3A_156] : memref<100000x128xf32, #tpu.memory_space<hbm>> -> memref<128x128xf32, #tpu.memory_space<hbm>>
    %dma_start3A_158 = arith.constant 0 : i32
    %dma_start3A_159 = tpu.memref_slice %arg2[%mul3A_155, %dma_start3A_158] : memref<100000x128xf32, #tpu.memory_space<hbm>> -> memref<128x128xf32, #tpu.memory_space<hbm>>
    tpu.enqueue_dma source(%dma_start3A_159 : memref<128x128xf32, #tpu.memory_space<hbm>>) target(%arg15 : memref<128x128xf32, #tpu.memory_space<vmem>>) target_semaphore(%arg25 : memref<!tpu.dma_semaphore, #tpu.memory_space<semaphore_mem>>)
    %dma_start3A_160 = tpu.memref_slice %arg3[%mul3A_155] : memref<100000xi32, #tpu.memory_space<hbm>> -> memref<128xi32, #tpu.memory_space<hbm>>
    %dma_start3A_161 = tpu.memref_slice %arg3[%mul3A_155] : memref<100000xi32, #tpu.memory_space<hbm>> -> memref<128xi32, #tpu.memory_space<hbm>>
    tpu.enqueue_dma source(%dma_start3A_161 : memref<128xi32, #tpu.memory_space<hbm>>) target(%arg8 : memref<128xi32, #tpu.memory_space<vmem>>) target_semaphore(%arg32 : memref<!tpu.dma_semaphore, #tpu.memory_space<semaphore_mem>>)
    %dma_wait3A_162 = arith.constant 0 : i32
    %dma_wait3A_163 = arith.constant 0 : i32
    %dma_wait3A_164 = tpu.memref_slice %arg2[%dma_wait3A_162, %dma_wait3A_163] : memref<100000x128xf32, #tpu.memory_space<hbm>> -> memref<128x128xf32, #tpu.memory_space<hbm>>
    %dma_wait3A_165 = arith.constant 0 : i32
    %dma_wait3A_166 = arith.constant 0 : i32
    %dma_wait3A_167 = tpu.memref_slice %arg2[%dma_wait3A_165, %dma_wait3A_166] : memref<100000x128xf32, #tpu.memory_space<hbm>> -> memref<128x128xf32, #tpu.memory_space<hbm>>
    tpu.wait_dma2 semaphore(%arg27 : memref<!tpu.dma_semaphore, #tpu.memory_space<semaphore_mem>>) src(%dma_wait3A_167 : memref<128x128xf32, #tpu.memory_space<hbm>>) dst(%arg17 : memref<128x128xf32, #tpu.memory_space<vmem>>)
    %dma_wait3A_168 = arith.constant 0 : i32
    %dma_wait3A_169 = tpu.memref_slice %arg3[%dma_wait3A_168] : memref<100000xi32, #tpu.memory_space<hbm>> -> memref<128xi32, #tpu.memory_space<hbm>>
    %dma_wait3A_170 = arith.constant 0 : i32
    %dma_wait3A_171 = tpu.memref_slice %arg3[%dma_wait3A_170] : memref<100000xi32, #tpu.memory_space<hbm>> -> memref<128xi32, #tpu.memory_space<hbm>>
    tpu.wait_dma2 semaphore(%arg34 : memref<!tpu.dma_semaphore, #tpu.memory_space<semaphore_mem>>) src(%dma_wait3A_171 : memref<128xi32, #tpu.memory_space<hbm>>) dst(%arg10 : memref<128xi32, #tpu.memory_space<vmem>>)
    %dma_start3A_172 = arith.constant 0 : i32
    %dma_start3A_173 = arith.constant 0 : i32
    %dma_start3A_174 = tpu.memref_slice %arg22[%dma_start3A_172, %dma_start3A_173] : memref<64x128xf32, #tpu.memory_space<vmem_shared>> -> memref<64x128xf32, #tpu.memory_space<vmem_shared>>
    tpu.enqueue_indirect_dma source(%arg17 : memref<128x128xf32, #tpu.memory_space<vmem>>) target(%dma_start3A_174 : memref<64x128xf32, #tpu.memory_space<vmem_shared>>) offsets(%arg10 : memref<128xi32, #tpu.memory_space<vmem>>) semaphore(%arg41 : memref<!tpu.dma_semaphore, #tpu.memory_space<semaphore_mem>>) {add = true}
    %dma_wait3A_175 = arith.constant 0 : i32
    %dma_wait3A_176 = arith.constant 0 : i32
    %dma_wait3A_177 = tpu.memref_slice %arg22[%dma_wait3A_175, %dma_wait3A_176] : memref<64x128xf32, #tpu.memory_space<vmem_shared>> -> memref<64x128xf32, #tpu.memory_space<vmem_shared>>
    tpu.wait_indirect_dma semaphore(%arg40 : memref<!tpu.dma_semaphore, #tpu.memory_space<semaphore_mem>>) src(%arg16 : memref<128x128xf32, #tpu.memory_space<vmem>>) dst(%dma_wait3A_177 : memref<64x128xf32, #tpu.memory_space<vmem_shared>>)
    %add3A_178 = arith.constant 320 : i32
    %add3A_179 = arith.addi %add3A, %add3A_178 : i32
    %mul3A_180 = arith.constant 128 : i32
    %mul3A_181 = arith.muli %add3A_179, %mul3A_180 : i32
    %dma_start3A_182 = arith.constant 0 : i32
    %dma_start3A_183 = tpu.memref_slice %arg2[%mul3A_181, %dma_start3A_182] : memref<100000x128xf32, #tpu.memory_space<hbm>> -> memref<128x128xf32, #tpu.memory_space<hbm>>
    %dma_start3A_184 = arith.constant 0 : i32
    %dma_start3A_185 = tpu.memref_slice %arg2[%mul3A_181, %dma_start3A_184] : memref<100000x128xf32, #tpu.memory_space<hbm>> -> memref<128x128xf32, #tpu.memory_space<hbm>>
    tpu.enqueue_dma source(%dma_start3A_185 : memref<128x128xf32, #tpu.memory_space<hbm>>) target(%arg16 : memref<128x128xf32, #tpu.memory_space<vmem>>) target_semaphore(%arg26 : memref<!tpu.dma_semaphore, #tpu.memory_space<semaphore_mem>>)
    %dma_start3A_186 = tpu.memref_slice %arg3[%mul3A_181] : memref<100000xi32, #tpu.memory_space<hbm>> -> memref<128xi32, #tpu.memory_space<hbm>>
    %dma_start3A_187 = tpu.memref_slice %arg3[%mul3A_181] : memref<100000xi32, #tpu.memory_space<hbm>> -> memref<128xi32, #tpu.memory_space<hbm>>
    tpu.enqueue_dma source(%dma_start3A_187 : memref<128xi32, #tpu.memory_space<hbm>>) target(%arg9 : memref<128xi32, #tpu.memory_space<vmem>>) target_semaphore(%arg33 : memref<!tpu.dma_semaphore, #tpu.memory_space<semaphore_mem>>)
    %dma_wait3A_188 = arith.constant 0 : i32
    %dma_wait3A_189 = arith.constant 0 : i32
    %dma_wait3A_190 = tpu.memref_slice %arg2[%dma_wait3A_188, %dma_wait3A_189] : memref<100000x128xf32, #tpu.memory_space<hbm>> -> memref<128x128xf32, #tpu.memory_space<hbm>>
    %dma_wait3A_191 = arith.constant 0 : i32
    %dma_wait3A_192 = arith.constant 0 : i32
    %dma_wait3A_193 = tpu.memref_slice %arg2[%dma_wait3A_191, %dma_wait3A_192] : memref<100000x128xf32, #tpu.memory_space<hbm>> -> memref<128x128xf32, #tpu.memory_space<hbm>>
    tpu.wait_dma2 semaphore(%arg28 : memref<!tpu.dma_semaphore, #tpu.memory_space<semaphore_mem>>) src(%dma_wait3A_193 : memref<128x128xf32, #tpu.memory_space<hbm>>) dst(%arg18 : memref<128x128xf32, #tpu.memory_space<vmem>>)
    %dma_wait3A_194 = arith.constant 0 : i32
    %dma_wait3A_195 = tpu.memref_slice %arg3[%dma_wait3A_194] : memref<100000xi32, #tpu.memory_space<hbm>> -> memref<128xi32, #tpu.memory_space<hbm>>
    %dma_wait3A_196 = arith.constant 0 : i32
    %dma_wait3A_197 = tpu.memref_slice %arg3[%dma_wait3A_196] : memref<100000xi32, #tpu.memory_space<hbm>> -> memref<128xi32, #tpu.memory_space<hbm>>
    tpu.wait_dma2 semaphore(%arg35 : memref<!tpu.dma_semaphore, #tpu.memory_space<semaphore_mem>>) src(%dma_wait3A_197 : memref<128xi32, #tpu.memory_space<hbm>>) dst(%arg11 : memref<128xi32, #tpu.memory_space<vmem>>)
    %dma_start3A_198 = arith.constant 0 : i32
    %dma_start3A_199 = arith.constant 0 : i32
    %dma_start3A_200 = tpu.memref_slice %arg22[%dma_start3A_198, %dma_start3A_199] : memref<64x128xf32, #tpu.memory_space<vmem_shared>> -> memref<64x128xf32, #tpu.memory_space<vmem_shared>>
    tpu.enqueue_indirect_dma source(%arg18 : memref<128x128xf32, #tpu.memory_space<vmem>>) target(%dma_start3A_200 : memref<64x128xf32, #tpu.memory_space<vmem_shared>>) offsets(%arg11 : memref<128xi32, #tpu.memory_space<vmem>>) semaphore(%arg42 : memref<!tpu.dma_semaphore, #tpu.memory_space<semaphore_mem>>) {add = true}
    %dma_wait3A_201 = arith.constant 0 : i32
    %dma_wait3A_202 = arith.constant 0 : i32
    %dma_wait3A_203 = tpu.memref_slice %arg22[%dma_wait3A_201, %dma_wait3A_202] : memref<64x128xf32, #tpu.memory_space<vmem_shared>> -> memref<64x128xf32, #tpu.memory_space<vmem_shared>>
    tpu.wait_indirect_dma semaphore(%arg41 : memref<!tpu.dma_semaphore, #tpu.memory_space<semaphore_mem>>) src(%arg17 : memref<128x128xf32, #tpu.memory_space<vmem>>) dst(%dma_wait3A_203 : memref<64x128xf32, #tpu.memory_space<vmem_shared>>)
    %add3A_204 = arith.constant 352 : i32
    %add3A_205 = arith.addi %add3A, %add3A_204 : i32
    %mul3A_206 = arith.constant 128 : i32
    %mul3A_207 = arith.muli %add3A_205, %mul3A_206 : i32
    %dma_start3A_208 = arith.constant 0 : i32
    %dma_start3A_209 = tpu.memref_slice %arg2[%mul3A_207, %dma_start3A_208] : memref<100000x128xf32, #tpu.memory_space<hbm>> -> memref<128x128xf32, #tpu.memory_space<hbm>>
    %dma_start3A_210 = arith.constant 0 : i32
    %dma_start3A_211 = tpu.memref_slice %arg2[%mul3A_207, %dma_start3A_210] : memref<100000x128xf32, #tpu.memory_space<hbm>> -> memref<128x128xf32, #tpu.memory_space<hbm>>
    tpu.enqueue_dma source(%dma_start3A_211 : memref<128x128xf32, #tpu.memory_space<hbm>>) target(%arg17 : memref<128x128xf32, #tpu.memory_space<vmem>>) target_semaphore(%arg27 : memref<!tpu.dma_semaphore, #tpu.memory_space<semaphore_mem>>)
    %dma_start3A_212 = tpu.memref_slice %arg3[%mul3A_207] : memref<100000xi32, #tpu.memory_space<hbm>> -> memref<128xi32, #tpu.memory_space<hbm>>
    %dma_start3A_213 = tpu.memref_slice %arg3[%mul3A_207] : memref<100000xi32, #tpu.memory_space<hbm>> -> memref<128xi32, #tpu.memory_space<hbm>>
    tpu.enqueue_dma source(%dma_start3A_213 : memref<128xi32, #tpu.memory_space<hbm>>) target(%arg10 : memref<128xi32, #tpu.memory_space<vmem>>) target_semaphore(%arg34 : memref<!tpu.dma_semaphore, #tpu.memory_space<semaphore_mem>>)
    %dma_wait3A_214 = arith.constant 0 : i32
    %dma_wait3A_215 = arith.constant 0 : i32
    %dma_wait3A_216 = tpu.memref_slice %arg2[%dma_wait3A_214, %dma_wait3A_215] : memref<100000x128xf32, #tpu.memory_space<hbm>> -> memref<128x128xf32, #tpu.memory_space<hbm>>
    %dma_wait3A_217 = arith.constant 0 : i32
    %dma_wait3A_218 = arith.constant 0 : i32
    %dma_wait3A_219 = tpu.memref_slice %arg2[%dma_wait3A_217, %dma_wait3A_218] : memref<100000x128xf32, #tpu.memory_space<hbm>> -> memref<128x128xf32, #tpu.memory_space<hbm>>
    tpu.wait_dma2 semaphore(%arg29 : memref<!tpu.dma_semaphore, #tpu.memory_space<semaphore_mem>>) src(%dma_wait3A_219 : memref<128x128xf32, #tpu.memory_space<hbm>>) dst(%arg19 : memref<128x128xf32, #tpu.memory_space<vmem>>)
    %dma_wait3A_220 = arith.constant 0 : i32
    %dma_wait3A_221 = tpu.memref_slice %arg3[%dma_wait3A_220] : memref<100000xi32, #tpu.memory_space<hbm>> -> memref<128xi32, #tpu.memory_space<hbm>>
    %dma_wait3A_222 = arith.constant 0 : i32
    %dma_wait3A_223 = tpu.memref_slice %arg3[%dma_wait3A_222] : memref<100000xi32, #tpu.memory_space<hbm>> -> memref<128xi32, #tpu.memory_space<hbm>>
    tpu.wait_dma2 semaphore(%arg36 : memref<!tpu.dma_semaphore, #tpu.memory_space<semaphore_mem>>) src(%dma_wait3A_223 : memref<128xi32, #tpu.memory_space<hbm>>) dst(%arg12 : memref<128xi32, #tpu.memory_space<vmem>>)
    %dma_start3A_224 = arith.constant 0 : i32
    %dma_start3A_225 = arith.constant 0 : i32
    %dma_start3A_226 = tpu.memref_slice %arg22[%dma_start3A_224, %dma_start3A_225] : memref<64x128xf32, #tpu.memory_space<vmem_shared>> -> memref<64x128xf32, #tpu.memory_space<vmem_shared>>
    tpu.enqueue_indirect_dma source(%arg19 : memref<128x128xf32, #tpu.memory_space<vmem>>) target(%dma_start3A_226 : memref<64x128xf32, #tpu.memory_space<vmem_shared>>) offsets(%arg12 : memref<128xi32, #tpu.memory_space<vmem>>) semaphore(%arg43 : memref<!tpu.dma_semaphore, #tpu.memory_space<semaphore_mem>>) {add = true}
    %dma_wait3A_227 = arith.constant 0 : i32
    %dma_wait3A_228 = arith.constant 0 : i32
    %dma_wait3A_229 = tpu.memref_slice %arg22[%dma_wait3A_227, %dma_wait3A_228] : memref<64x128xf32, #tpu.memory_space<vmem_shared>> -> memref<64x128xf32, #tpu.memory_space<vmem_shared>>
    tpu.wait_indirect_dma semaphore(%arg42 : memref<!tpu.dma_semaphore, #tpu.memory_space<semaphore_mem>>) src(%arg18 : memref<128x128xf32, #tpu.memory_space<vmem>>) dst(%dma_wait3A_229 : memref<64x128xf32, #tpu.memory_space<vmem_shared>>)
    %add3A_230 = arith.constant 384 : i32
    %add3A_231 = arith.addi %add3A, %add3A_230 : i32
    %mul3A_232 = arith.constant 128 : i32
    %mul3A_233 = arith.muli %add3A_231, %mul3A_232 : i32
    %dma_start3A_234 = arith.constant 0 : i32
    %dma_start3A_235 = tpu.memref_slice %arg2[%mul3A_233, %dma_start3A_234] : memref<100000x128xf32, #tpu.memory_space<hbm>> -> memref<128x128xf32, #tpu.memory_space<hbm>>
    %dma_start3A_236 = arith.constant 0 : i32
    %dma_start3A_237 = tpu.memref_slice %arg2[%mul3A_233, %dma_start3A_236] : memref<100000x128xf32, #tpu.memory_space<hbm>> -> memref<128x128xf32, #tpu.memory_space<hbm>>
    tpu.enqueue_dma source(%dma_start3A_237 : memref<128x128xf32, #tpu.memory_space<hbm>>) target(%arg18 : memref<128x128xf32, #tpu.memory_space<vmem>>) target_semaphore(%arg28 : memref<!tpu.dma_semaphore, #tpu.memory_space<semaphore_mem>>)
    %dma_start3A_238 = tpu.memref_slice %arg3[%mul3A_233] : memref<100000xi32, #tpu.memory_space<hbm>> -> memref<128xi32, #tpu.memory_space<hbm>>
    %dma_start3A_239 = tpu.memref_slice %arg3[%mul3A_233] : memref<100000xi32, #tpu.memory_space<hbm>> -> memref<128xi32, #tpu.memory_space<hbm>>
    tpu.enqueue_dma source(%dma_start3A_239 : memref<128xi32, #tpu.memory_space<hbm>>) target(%arg11 : memref<128xi32, #tpu.memory_space<vmem>>) target_semaphore(%arg35 : memref<!tpu.dma_semaphore, #tpu.memory_space<semaphore_mem>>)
    %dma_wait3A_240 = arith.constant 0 : i32
    %dma_wait3A_241 = arith.constant 0 : i32
    %dma_wait3A_242 = tpu.memref_slice %arg2[%dma_wait3A_240, %dma_wait3A_241] : memref<100000x128xf32, #tpu.memory_space<hbm>> -> memref<128x128xf32, #tpu.memory_space<hbm>>
    %dma_wait3A_243 = arith.constant 0 : i32
    %dma_wait3A_244 = arith.constant 0 : i32
    %dma_wait3A_245 = tpu.memref_slice %arg2[%dma_wait3A_243, %dma_wait3A_244] : memref<100000x128xf32, #tpu.memory_space<hbm>> -> memref<128x128xf32, #tpu.memory_space<hbm>>
    tpu.wait_dma2 semaphore(%arg23 : memref<!tpu.dma_semaphore, #tpu.memory_space<semaphore_mem>>) src(%dma_wait3A_245 : memref<128x128xf32, #tpu.memory_space<hbm>>) dst(%arg13 : memref<128x128xf32, #tpu.memory_space<vmem>>)
    %dma_wait3A_246 = arith.constant 0 : i32
    %dma_wait3A_247 = tpu.memref_slice %arg3[%dma_wait3A_246] : memref<100000xi32, #tpu.memory_space<hbm>> -> memref<128xi32, #tpu.memory_space<hbm>>
    %dma_wait3A_248 = arith.constant 0 : i32
    %dma_wait3A_249 = tpu.memref_slice %arg3[%dma_wait3A_248] : memref<100000xi32, #tpu.memory_space<hbm>> -> memref<128xi32, #tpu.memory_space<hbm>>
    tpu.wait_dma2 semaphore(%arg30 : memref<!tpu.dma_semaphore, #tpu.memory_space<semaphore_mem>>) src(%dma_wait3A_249 : memref<128xi32, #tpu.memory_space<hbm>>) dst(%arg6 : memref<128xi32, #tpu.memory_space<vmem>>)
    %dma_start3A_250 = arith.constant 0 : i32
    %dma_start3A_251 = arith.constant 0 : i32
    %dma_start3A_252 = tpu.memref_slice %arg22[%dma_start3A_250, %dma_start3A_251] : memref<64x128xf32, #tpu.memory_space<vmem_shared>> -> memref<64x128xf32, #tpu.memory_space<vmem_shared>>
    tpu.enqueue_indirect_dma source(%arg13 : memref<128x128xf32, #tpu.memory_space<vmem>>) target(%dma_start3A_252 : memref<64x128xf32, #tpu.memory_space<vmem_shared>>) offsets(%arg6 : memref<128xi32, #tpu.memory_space<vmem>>) semaphore(%arg37 : memref<!tpu.dma_semaphore, #tpu.memory_space<semaphore_mem>>) {add = true}
    %dma_wait3A_253 = arith.constant 0 : i32
    %dma_wait3A_254 = arith.constant 0 : i32
    %dma_wait3A_255 = tpu.memref_slice %arg22[%dma_wait3A_253, %dma_wait3A_254] : memref<64x128xf32, #tpu.memory_space<vmem_shared>> -> memref<64x128xf32, #tpu.memory_space<vmem_shared>>
    tpu.wait_indirect_dma semaphore(%arg43 : memref<!tpu.dma_semaphore, #tpu.memory_space<semaphore_mem>>) src(%arg19 : memref<128x128xf32, #tpu.memory_space<vmem>>) dst(%dma_wait3A_255 : memref<64x128xf32, #tpu.memory_space<vmem_shared>>)
    %add3A_256 = arith.constant 416 : i32
    %add3A_257 = arith.addi %add3A, %add3A_256 : i32
    %mul3A_258 = arith.constant 128 : i32
    %mul3A_259 = arith.muli %add3A_257, %mul3A_258 : i32
    %dma_start3A_260 = arith.constant 0 : i32
    %dma_start3A_261 = tpu.memref_slice %arg2[%mul3A_259, %dma_start3A_260] : memref<100000x128xf32, #tpu.memory_space<hbm>> -> memref<128x128xf32, #tpu.memory_space<hbm>>
    %dma_start3A_262 = arith.constant 0 : i32
    %dma_start3A_263 = tpu.memref_slice %arg2[%mul3A_259, %dma_start3A_262] : memref<100000x128xf32, #tpu.memory_space<hbm>> -> memref<128x128xf32, #tpu.memory_space<hbm>>
    tpu.enqueue_dma source(%dma_start3A_263 : memref<128x128xf32, #tpu.memory_space<hbm>>) target(%arg19 : memref<128x128xf32, #tpu.memory_space<vmem>>) target_semaphore(%arg29 : memref<!tpu.dma_semaphore, #tpu.memory_space<semaphore_mem>>)
    %dma_start3A_264 = tpu.memref_slice %arg3[%mul3A_259] : memref<100000xi32, #tpu.memory_space<hbm>> -> memref<128xi32, #tpu.memory_space<hbm>>
    %dma_start3A_265 = tpu.memref_slice %arg3[%mul3A_259] : memref<100000xi32, #tpu.memory_space<hbm>> -> memref<128xi32, #tpu.memory_space<hbm>>
    tpu.enqueue_dma source(%dma_start3A_265 : memref<128xi32, #tpu.memory_space<hbm>>) target(%arg12 : memref<128xi32, #tpu.memory_space<vmem>>) target_semaphore(%arg36 : memref<!tpu.dma_semaphore, #tpu.memory_space<semaphore_mem>>)
    %dma_wait3A_266 = arith.constant 0 : i32
    %dma_wait3A_267 = arith.constant 0 : i32
    %dma_wait3A_268 = tpu.memref_slice %arg2[%dma_wait3A_266, %dma_wait3A_267] : memref<100000x128xf32, #tpu.memory_space<hbm>> -> memref<128x128xf32, #tpu.memory_space<hbm>>
    %dma_wait3A_269 = arith.constant 0 : i32
    %dma_wait3A_270 = arith.constant 0 : i32
    %dma_wait3A_271 = tpu.memref_slice %arg2[%dma_wait3A_269, %dma_wait3A_270] : memref<100000x128xf32, #tpu.memory_space<hbm>> -> memref<128x128xf32, #tpu.memory_space<hbm>>
    tpu.wait_dma2 semaphore(%arg24 : memref<!tpu.dma_semaphore, #tpu.memory_space<semaphore_mem>>) src(%dma_wait3A_271 : memref<128x128xf32, #tpu.memory_space<hbm>>) dst(%arg14 : memref<128x128xf32, #tpu.memory_space<vmem>>)
    %dma_wait3A_272 = arith.constant 0 : i32
    %dma_wait3A_273 = tpu.memref_slice %arg3[%dma_wait3A_272] : memref<100000xi32, #tpu.memory_space<hbm>> -> memref<128xi32, #tpu.memory_space<hbm>>
    %dma_wait3A_274 = arith.constant 0 : i32
    %dma_wait3A_275 = tpu.memref_slice %arg3[%dma_wait3A_274] : memref<100000xi32, #tpu.memory_space<hbm>> -> memref<128xi32, #tpu.memory_space<hbm>>
    tpu.wait_dma2 semaphore(%arg31 : memref<!tpu.dma_semaphore, #tpu.memory_space<semaphore_mem>>) src(%dma_wait3A_275 : memref<128xi32, #tpu.memory_space<hbm>>) dst(%arg7 : memref<128xi32, #tpu.memory_space<vmem>>)
    %dma_start3A_276 = arith.constant 0 : i32
    %dma_start3A_277 = arith.constant 0 : i32
    %dma_start3A_278 = tpu.memref_slice %arg22[%dma_start3A_276, %dma_start3A_277] : memref<64x128xf32, #tpu.memory_space<vmem_shared>> -> memref<64x128xf32, #tpu.memory_space<vmem_shared>>
    tpu.enqueue_indirect_dma source(%arg14 : memref<128x128xf32, #tpu.memory_space<vmem>>) target(%dma_start3A_278 : memref<64x128xf32, #tpu.memory_space<vmem_shared>>) offsets(%arg7 : memref<128xi32, #tpu.memory_space<vmem>>) semaphore(%arg38 : memref<!tpu.dma_semaphore, #tpu.memory_space<semaphore_mem>>) {add = true}
    %dma_wait3A_279 = arith.constant 0 : i32
    %dma_wait3A_280 = arith.constant 0 : i32
    %dma_wait3A_281 = tpu.memref_slice %arg22[%dma_wait3A_279, %dma_wait3A_280] : memref<64x128xf32, #tpu.memory_space<vmem_shared>> -> memref<64x128xf32, #tpu.memory_space<vmem_shared>>
    tpu.wait_indirect_dma semaphore(%arg37 : memref<!tpu.dma_semaphore, #tpu.memory_space<semaphore_mem>>) src(%arg13 : memref<128x128xf32, #tpu.memory_space<vmem>>) dst(%dma_wait3A_281 : memref<64x128xf32, #tpu.memory_space<vmem_shared>>)
    %add3A_282 = arith.constant 448 : i32
    %add3A_283 = arith.addi %add3A, %add3A_282 : i32
    %mul3A_284 = arith.constant 128 : i32
    %mul3A_285 = arith.muli %add3A_283, %mul3A_284 : i32
    %dma_start3A_286 = arith.constant 0 : i32
    %dma_start3A_287 = tpu.memref_slice %arg2[%mul3A_285, %dma_start3A_286] : memref<100000x128xf32, #tpu.memory_space<hbm>> -> memref<128x128xf32, #tpu.memory_space<hbm>>
    %dma_start3A_288 = arith.constant 0 : i32
    %dma_start3A_289 = tpu.memref_slice %arg2[%mul3A_285, %dma_start3A_288] : memref<100000x128xf32, #tpu.memory_space<hbm>> -> memref<128x128xf32, #tpu.memory_space<hbm>>
    tpu.enqueue_dma source(%dma_start3A_289 : memref<128x128xf32, #tpu.memory_space<hbm>>) target(%arg13 : memref<128x128xf32, #tpu.memory_space<vmem>>) target_semaphore(%arg23 : memref<!tpu.dma_semaphore, #tpu.memory_space<semaphore_mem>>)
    %dma_start3A_290 = tpu.memref_slice %arg3[%mul3A_285] : memref<100000xi32, #tpu.memory_space<hbm>> -> memref<128xi32, #tpu.memory_space<hbm>>
    %dma_start3A_291 = tpu.memref_slice %arg3[%mul3A_285] : memref<100000xi32, #tpu.memory_space<hbm>> -> memref<128xi32, #tpu.memory_space<hbm>>
    tpu.enqueue_dma source(%dma_start3A_291 : memref<128xi32, #tpu.memory_space<hbm>>) target(%arg6 : memref<128xi32, #tpu.memory_space<vmem>>) target_semaphore(%arg30 : memref<!tpu.dma_semaphore, #tpu.memory_space<semaphore_mem>>)
    %dma_wait3A_292 = arith.constant 0 : i32
    %dma_wait3A_293 = arith.constant 0 : i32
    %dma_wait3A_294 = tpu.memref_slice %arg2[%dma_wait3A_292, %dma_wait3A_293] : memref<100000x128xf32, #tpu.memory_space<hbm>> -> memref<128x128xf32, #tpu.memory_space<hbm>>
    %dma_wait3A_295 = arith.constant 0 : i32
    %dma_wait3A_296 = arith.constant 0 : i32
    %dma_wait3A_297 = tpu.memref_slice %arg2[%dma_wait3A_295, %dma_wait3A_296] : memref<100000x128xf32, #tpu.memory_space<hbm>> -> memref<128x128xf32, #tpu.memory_space<hbm>>
    tpu.wait_dma2 semaphore(%arg25 : memref<!tpu.dma_semaphore, #tpu.memory_space<semaphore_mem>>) src(%dma_wait3A_297 : memref<128x128xf32, #tpu.memory_space<hbm>>) dst(%arg15 : memref<128x128xf32, #tpu.memory_space<vmem>>)
    %dma_wait3A_298 = arith.constant 0 : i32
    %dma_wait3A_299 = tpu.memref_slice %arg3[%dma_wait3A_298] : memref<100000xi32, #tpu.memory_space<hbm>> -> memref<128xi32, #tpu.memory_space<hbm>>
    %dma_wait3A_300 = arith.constant 0 : i32
    %dma_wait3A_301 = tpu.memref_slice %arg3[%dma_wait3A_300] : memref<100000xi32, #tpu.memory_space<hbm>> -> memref<128xi32, #tpu.memory_space<hbm>>
    tpu.wait_dma2 semaphore(%arg32 : memref<!tpu.dma_semaphore, #tpu.memory_space<semaphore_mem>>) src(%dma_wait3A_301 : memref<128xi32, #tpu.memory_space<hbm>>) dst(%arg8 : memref<128xi32, #tpu.memory_space<vmem>>)
    %dma_start3A_302 = arith.constant 0 : i32
    %dma_start3A_303 = arith.constant 0 : i32
    %dma_start3A_304 = tpu.memref_slice %arg22[%dma_start3A_302, %dma_start3A_303] : memref<64x128xf32, #tpu.memory_space<vmem_shared>> -> memref<64x128xf32, #tpu.memory_space<vmem_shared>>
    tpu.enqueue_indirect_dma source(%arg15 : memref<128x128xf32, #tpu.memory_space<vmem>>) target(%dma_start3A_304 : memref<64x128xf32, #tpu.memory_space<vmem_shared>>) offsets(%arg8 : memref<128xi32, #tpu.memory_space<vmem>>) semaphore(%arg39 : memref<!tpu.dma_semaphore, #tpu.memory_space<semaphore_mem>>) {add = true}
    %dma_wait3A_305 = arith.constant 0 : i32
    %dma_wait3A_306 = arith.constant 0 : i32
    %dma_wait3A_307 = tpu.memref_slice %arg22[%dma_wait3A_305, %dma_wait3A_306] : memref<64x128xf32, #tpu.memory_space<vmem_shared>> -> memref<64x128xf32, #tpu.memory_space<vmem_shared>>
    tpu.wait_indirect_dma semaphore(%arg38 : memref<!tpu.dma_semaphore, #tpu.memory_space<semaphore_mem>>) src(%arg14 : memref<128x128xf32, #tpu.memory_space<vmem>>) dst(%dma_wait3A_307 : memref<64x128xf32, #tpu.memory_space<vmem_shared>>)
    %add3A_308 = arith.constant 480 : i32
    %add3A_309 = arith.addi %add3A, %add3A_308 : i32
    %mul3A_310 = arith.constant 128 : i32
    %mul3A_311 = arith.muli %add3A_309, %mul3A_310 : i32
    %dma_start3A_312 = arith.constant 0 : i32
    %dma_start3A_313 = tpu.memref_slice %arg2[%mul3A_311, %dma_start3A_312] : memref<100000x128xf32, #tpu.memory_space<hbm>> -> memref<128x128xf32, #tpu.memory_space<hbm>>
    %dma_start3A_314 = arith.constant 0 : i32
    %dma_start3A_315 = tpu.memref_slice %arg2[%mul3A_311, %dma_start3A_314] : memref<100000x128xf32, #tpu.memory_space<hbm>> -> memref<128x128xf32, #tpu.memory_space<hbm>>
    tpu.enqueue_dma source(%dma_start3A_315 : memref<128x128xf32, #tpu.memory_space<hbm>>) target(%arg14 : memref<128x128xf32, #tpu.memory_space<vmem>>) target_semaphore(%arg24 : memref<!tpu.dma_semaphore, #tpu.memory_space<semaphore_mem>>)
    %dma_start3A_316 = tpu.memref_slice %arg3[%mul3A_311] : memref<100000xi32, #tpu.memory_space<hbm>> -> memref<128xi32, #tpu.memory_space<hbm>>
    %dma_start3A_317 = tpu.memref_slice %arg3[%mul3A_311] : memref<100000xi32, #tpu.memory_space<hbm>> -> memref<128xi32, #tpu.memory_space<hbm>>
    tpu.enqueue_dma source(%dma_start3A_317 : memref<128xi32, #tpu.memory_space<hbm>>) target(%arg7 : memref<128xi32, #tpu.memory_space<vmem>>) target_semaphore(%arg31 : memref<!tpu.dma_semaphore, #tpu.memory_space<semaphore_mem>>)
    %dma_wait3A_318 = arith.constant 0 : i32
    %dma_wait3A_319 = arith.constant 0 : i32
    %dma_wait3A_320 = tpu.memref_slice %arg2[%dma_wait3A_318, %dma_wait3A_319] : memref<100000x128xf32, #tpu.memory_space<hbm>> -> memref<128x128xf32, #tpu.memory_space<hbm>>
    %dma_wait3A_321 = arith.constant 0 : i32
    %dma_wait3A_322 = arith.constant 0 : i32
    %dma_wait3A_323 = tpu.memref_slice %arg2[%dma_wait3A_321, %dma_wait3A_322] : memref<100000x128xf32, #tpu.memory_space<hbm>> -> memref<128x128xf32, #tpu.memory_space<hbm>>
    tpu.wait_dma2 semaphore(%arg26 : memref<!tpu.dma_semaphore, #tpu.memory_space<semaphore_mem>>) src(%dma_wait3A_323 : memref<128x128xf32, #tpu.memory_space<hbm>>) dst(%arg16 : memref<128x128xf32, #tpu.memory_space<vmem>>)
    %dma_wait3A_324 = arith.constant 0 : i32
    %dma_wait3A_325 = tpu.memref_slice %arg3[%dma_wait3A_324] : memref<100000xi32, #tpu.memory_space<hbm>> -> memref<128xi32, #tpu.memory_space<hbm>>
    %dma_wait3A_326 = arith.constant 0 : i32
    %dma_wait3A_327 = tpu.memref_slice %arg3[%dma_wait3A_326] : memref<100000xi32, #tpu.memory_space<hbm>> -> memref<128xi32, #tpu.memory_space<hbm>>
    tpu.wait_dma2 semaphore(%arg33 : memref<!tpu.dma_semaphore, #tpu.memory_space<semaphore_mem>>) src(%dma_wait3A_327 : memref<128xi32, #tpu.memory_space<hbm>>) dst(%arg9 : memref<128xi32, #tpu.memory_space<vmem>>)
    %dma_start3A_328 = arith.constant 0 : i32
    %dma_start3A_329 = arith.constant 0 : i32
    %dma_start3A_330 = tpu.memref_slice %arg22[%dma_start3A_328, %dma_start3A_329] : memref<64x128xf32, #tpu.memory_space<vmem_shared>> -> memref<64x128xf32, #tpu.memory_space<vmem_shared>>
    tpu.enqueue_indirect_dma source(%arg16 : memref<128x128xf32, #tpu.memory_space<vmem>>) target(%dma_start3A_330 : memref<64x128xf32, #tpu.memory_space<vmem_shared>>) offsets(%arg9 : memref<128xi32, #tpu.memory_space<vmem>>) semaphore(%arg40 : memref<!tpu.dma_semaphore, #tpu.memory_space<semaphore_mem>>) {add = true}
    %dma_wait3A_331 = arith.constant 0 : i32
    %dma_wait3A_332 = arith.constant 0 : i32
    %dma_wait3A_333 = tpu.memref_slice %arg22[%dma_wait3A_331, %dma_wait3A_332] : memref<64x128xf32, #tpu.memory_space<vmem_shared>> -> memref<64x128xf32, #tpu.memory_space<vmem_shared>>
    tpu.wait_indirect_dma semaphore(%arg39 : memref<!tpu.dma_semaphore, #tpu.memory_space<semaphore_mem>>) src(%arg15 : memref<128x128xf32, #tpu.memory_space<vmem>>) dst(%dma_wait3A_333 : memref<64x128xf32, #tpu.memory_space<vmem_shared>>)
    %add3A_334 = arith.constant 512 : i32
    %add3A_335 = arith.addi %add3A, %add3A_334 : i32
    %mul3A_336 = arith.constant 128 : i32
    %mul3A_337 = arith.muli %add3A_335, %mul3A_336 : i32
    %dma_start3A_338 = arith.constant 0 : i32
    %dma_start3A_339 = tpu.memref_slice %arg2[%mul3A_337, %dma_start3A_338] : memref<100000x128xf32, #tpu.memory_space<hbm>> -> memref<128x128xf32, #tpu.memory_space<hbm>>
    %dma_start3A_340 = arith.constant 0 : i32
    %dma_start3A_341 = tpu.memref_slice %arg2[%mul3A_337, %dma_start3A_340] : memref<100000x128xf32, #tpu.memory_space<hbm>> -> memref<128x128xf32, #tpu.memory_space<hbm>>
    tpu.enqueue_dma source(%dma_start3A_341 : memref<128x128xf32, #tpu.memory_space<hbm>>) target(%arg15 : memref<128x128xf32, #tpu.memory_space<vmem>>) target_semaphore(%arg25 : memref<!tpu.dma_semaphore, #tpu.memory_space<semaphore_mem>>)
    %dma_start3A_342 = tpu.memref_slice %arg3[%mul3A_337] : memref<100000xi32, #tpu.memory_space<hbm>> -> memref<128xi32, #tpu.memory_space<hbm>>
    %dma_start3A_343 = tpu.memref_slice %arg3[%mul3A_337] : memref<100000xi32, #tpu.memory_space<hbm>> -> memref<128xi32, #tpu.memory_space<hbm>>
    tpu.enqueue_dma source(%dma_start3A_343 : memref<128xi32, #tpu.memory_space<hbm>>) target(%arg8 : memref<128xi32, #tpu.memory_space<vmem>>) target_semaphore(%arg32 : memref<!tpu.dma_semaphore, #tpu.memory_space<semaphore_mem>>)
    %dma_wait3A_344 = arith.constant 0 : i32
    %dma_wait3A_345 = arith.constant 0 : i32
    %dma_wait3A_346 = tpu.memref_slice %arg2[%dma_wait3A_344, %dma_wait3A_345] : memref<100000x128xf32, #tpu.memory_space<hbm>> -> memref<128x128xf32, #tpu.memory_space<hbm>>
    %dma_wait3A_347 = arith.constant 0 : i32
    %dma_wait3A_348 = arith.constant 0 : i32
    %dma_wait3A_349 = tpu.memref_slice %arg2[%dma_wait3A_347, %dma_wait3A_348] : memref<100000x128xf32, #tpu.memory_space<hbm>> -> memref<128x128xf32, #tpu.memory_space<hbm>>
    tpu.wait_dma2 semaphore(%arg27 : memref<!tpu.dma_semaphore, #tpu.memory_space<semaphore_mem>>) src(%dma_wait3A_349 : memref<128x128xf32, #tpu.memory_space<hbm>>) dst(%arg17 : memref<128x128xf32, #tpu.memory_space<vmem>>)
    %dma_wait3A_350 = arith.constant 0 : i32
    %dma_wait3A_351 = tpu.memref_slice %arg3[%dma_wait3A_350] : memref<100000xi32, #tpu.memory_space<hbm>> -> memref<128xi32, #tpu.memory_space<hbm>>
    %dma_wait3A_352 = arith.constant 0 : i32
    %dma_wait3A_353 = tpu.memref_slice %arg3[%dma_wait3A_352] : memref<100000xi32, #tpu.memory_space<hbm>> -> memref<128xi32, #tpu.memory_space<hbm>>
    tpu.wait_dma2 semaphore(%arg34 : memref<!tpu.dma_semaphore, #tpu.memory_space<semaphore_mem>>) src(%dma_wait3A_353 : memref<128xi32, #tpu.memory_space<hbm>>) dst(%arg10 : memref<128xi32, #tpu.memory_space<vmem>>)
    %dma_start3A_354 = arith.constant 0 : i32
    %dma_start3A_355 = arith.constant 0 : i32
    %dma_start3A_356 = tpu.memref_slice %arg22[%dma_start3A_354, %dma_start3A_355] : memref<64x128xf32, #tpu.memory_space<vmem_shared>> -> memref<64x128xf32, #tpu.memory_space<vmem_shared>>
    tpu.enqueue_indirect_dma source(%arg17 : memref<128x128xf32, #tpu.memory_space<vmem>>) target(%dma_start3A_356 : memref<64x128xf32, #tpu.memory_space<vmem_shared>>) offsets(%arg10 : memref<128xi32, #tpu.memory_space<vmem>>) semaphore(%arg41 : memref<!tpu.dma_semaphore, #tpu.memory_space<semaphore_mem>>) {add = true}
    %dma_wait3A_357 = arith.constant 0 : i32
    %dma_wait3A_358 = arith.constant 0 : i32
    %dma_wait3A_359 = tpu.memref_slice %arg22[%dma_wait3A_357, %dma_wait3A_358] : memref<64x128xf32, #tpu.memory_space<vmem_shared>> -> memref<64x128xf32, #tpu.memory_space<vmem_shared>>
    tpu.wait_indirect_dma semaphore(%arg40 : memref<!tpu.dma_semaphore, #tpu.memory_space<semaphore_mem>>) src(%arg16 : memref<128x128xf32, #tpu.memory_space<vmem>>) dst(%dma_wait3A_359 : memref<64x128xf32, #tpu.memory_space<vmem_shared>>)
    %add3A_360 = arith.constant 544 : i32
    %add3A_361 = arith.addi %add3A, %add3A_360 : i32
    %mul3A_362 = arith.constant 128 : i32
    %mul3A_363 = arith.muli %add3A_361, %mul3A_362 : i32
    %dma_start3A_364 = arith.constant 0 : i32
    %dma_start3A_365 = tpu.memref_slice %arg2[%mul3A_363, %dma_start3A_364] : memref<100000x128xf32, #tpu.memory_space<hbm>> -> memref<128x128xf32, #tpu.memory_space<hbm>>
    %dma_start3A_366 = arith.constant 0 : i32
    %dma_start3A_367 = tpu.memref_slice %arg2[%mul3A_363, %dma_start3A_366] : memref<100000x128xf32, #tpu.memory_space<hbm>> -> memref<128x128xf32, #tpu.memory_space<hbm>>
    tpu.enqueue_dma source(%dma_start3A_367 : memref<128x128xf32, #tpu.memory_space<hbm>>) target(%arg16 : memref<128x128xf32, #tpu.memory_space<vmem>>) target_semaphore(%arg26 : memref<!tpu.dma_semaphore, #tpu.memory_space<semaphore_mem>>)
    %dma_start3A_368 = tpu.memref_slice %arg3[%mul3A_363] : memref<100000xi32, #tpu.memory_space<hbm>> -> memref<128xi32, #tpu.memory_space<hbm>>
    %dma_start3A_369 = tpu.memref_slice %arg3[%mul3A_363] : memref<100000xi32, #tpu.memory_space<hbm>> -> memref<128xi32, #tpu.memory_space<hbm>>
    tpu.enqueue_dma source(%dma_start3A_369 : memref<128xi32, #tpu.memory_space<hbm>>) target(%arg9 : memref<128xi32, #tpu.memory_space<vmem>>) target_semaphore(%arg33 : memref<!tpu.dma_semaphore, #tpu.memory_space<semaphore_mem>>)
    %dma_wait3A_370 = arith.constant 0 : i32
    %dma_wait3A_371 = arith.constant 0 : i32
    %dma_wait3A_372 = tpu.memref_slice %arg2[%dma_wait3A_370, %dma_wait3A_371] : memref<100000x128xf32, #tpu.memory_space<hbm>> -> memref<128x128xf32, #tpu.memory_space<hbm>>
    %dma_wait3A_373 = arith.constant 0 : i32
    %dma_wait3A_374 = arith.constant 0 : i32
    %dma_wait3A_375 = tpu.memref_slice %arg2[%dma_wait3A_373, %dma_wait3A_374] : memref<100000x128xf32, #tpu.memory_space<hbm>> -> memref<128x128xf32, #tpu.memory_space<hbm>>
    tpu.wait_dma2 semaphore(%arg28 : memref<!tpu.dma_semaphore, #tpu.memory_space<semaphore_mem>>) src(%dma_wait3A_375 : memref<128x128xf32, #tpu.memory_space<hbm>>) dst(%arg18 : memref<128x128xf32, #tpu.memory_space<vmem>>)
    %dma_wait3A_376 = arith.constant 0 : i32
    %dma_wait3A_377 = tpu.memref_slice %arg3[%dma_wait3A_376] : memref<100000xi32, #tpu.memory_space<hbm>> -> memref<128xi32, #tpu.memory_space<hbm>>
    %dma_wait3A_378 = arith.constant 0 : i32
    %dma_wait3A_379 = tpu.memref_slice %arg3[%dma_wait3A_378] : memref<100000xi32, #tpu.memory_space<hbm>> -> memref<128xi32, #tpu.memory_space<hbm>>
    tpu.wait_dma2 semaphore(%arg35 : memref<!tpu.dma_semaphore, #tpu.memory_space<semaphore_mem>>) src(%dma_wait3A_379 : memref<128xi32, #tpu.memory_space<hbm>>) dst(%arg11 : memref<128xi32, #tpu.memory_space<vmem>>)
    %dma_start3A_380 = arith.constant 0 : i32
    %dma_start3A_381 = arith.constant 0 : i32
    %dma_start3A_382 = tpu.memref_slice %arg22[%dma_start3A_380, %dma_start3A_381] : memref<64x128xf32, #tpu.memory_space<vmem_shared>> -> memref<64x128xf32, #tpu.memory_space<vmem_shared>>
    tpu.enqueue_indirect_dma source(%arg18 : memref<128x128xf32, #tpu.memory_space<vmem>>) target(%dma_start3A_382 : memref<64x128xf32, #tpu.memory_space<vmem_shared>>) offsets(%arg11 : memref<128xi32, #tpu.memory_space<vmem>>) semaphore(%arg42 : memref<!tpu.dma_semaphore, #tpu.memory_space<semaphore_mem>>) {add = true}
    %dma_wait3A_383 = arith.constant 0 : i32
    %dma_wait3A_384 = arith.constant 0 : i32
    %dma_wait3A_385 = tpu.memref_slice %arg22[%dma_wait3A_383, %dma_wait3A_384] : memref<64x128xf32, #tpu.memory_space<vmem_shared>> -> memref<64x128xf32, #tpu.memory_space<vmem_shared>>
    tpu.wait_indirect_dma semaphore(%arg41 : memref<!tpu.dma_semaphore, #tpu.memory_space<semaphore_mem>>) src(%arg17 : memref<128x128xf32, #tpu.memory_space<vmem>>) dst(%dma_wait3A_385 : memref<64x128xf32, #tpu.memory_space<vmem_shared>>)
    %add3A_386 = arith.constant 576 : i32
    %add3A_387 = arith.addi %add3A, %add3A_386 : i32
    %mul3A_388 = arith.constant 128 : i32
    %mul3A_389 = arith.muli %add3A_387, %mul3A_388 : i32
    %dma_start3A_390 = arith.constant 0 : i32
    %dma_start3A_391 = tpu.memref_slice %arg2[%mul3A_389, %dma_start3A_390] : memref<100000x128xf32, #tpu.memory_space<hbm>> -> memref<128x128xf32, #tpu.memory_space<hbm>>
    %dma_start3A_392 = arith.constant 0 : i32
    %dma_start3A_393 = tpu.memref_slice %arg2[%mul3A_389, %dma_start3A_392] : memref<100000x128xf32, #tpu.memory_space<hbm>> -> memref<128x128xf32, #tpu.memory_space<hbm>>
    tpu.enqueue_dma source(%dma_start3A_393 : memref<128x128xf32, #tpu.memory_space<hbm>>) target(%arg17 : memref<128x128xf32, #tpu.memory_space<vmem>>) target_semaphore(%arg27 : memref<!tpu.dma_semaphore, #tpu.memory_space<semaphore_mem>>)
    %dma_start3A_394 = tpu.memref_slice %arg3[%mul3A_389] : memref<100000xi32, #tpu.memory_space<hbm>> -> memref<128xi32, #tpu.memory_space<hbm>>
    %dma_start3A_395 = tpu.memref_slice %arg3[%mul3A_389] : memref<100000xi32, #tpu.memory_space<hbm>> -> memref<128xi32, #tpu.memory_space<hbm>>
    tpu.enqueue_dma source(%dma_start3A_395 : memref<128xi32, #tpu.memory_space<hbm>>) target(%arg10 : memref<128xi32, #tpu.memory_space<vmem>>) target_semaphore(%arg34 : memref<!tpu.dma_semaphore, #tpu.memory_space<semaphore_mem>>)
    %dma_wait3A_396 = arith.constant 0 : i32
    %dma_wait3A_397 = arith.constant 0 : i32
    %dma_wait3A_398 = tpu.memref_slice %arg2[%dma_wait3A_396, %dma_wait3A_397] : memref<100000x128xf32, #tpu.memory_space<hbm>> -> memref<128x128xf32, #tpu.memory_space<hbm>>
    %dma_wait3A_399 = arith.constant 0 : i32
    %dma_wait3A_400 = arith.constant 0 : i32
    %dma_wait3A_401 = tpu.memref_slice %arg2[%dma_wait3A_399, %dma_wait3A_400] : memref<100000x128xf32, #tpu.memory_space<hbm>> -> memref<128x128xf32, #tpu.memory_space<hbm>>
    tpu.wait_dma2 semaphore(%arg29 : memref<!tpu.dma_semaphore, #tpu.memory_space<semaphore_mem>>) src(%dma_wait3A_401 : memref<128x128xf32, #tpu.memory_space<hbm>>) dst(%arg19 : memref<128x128xf32, #tpu.memory_space<vmem>>)
    %dma_wait3A_402 = arith.constant 0 : i32
    %dma_wait3A_403 = tpu.memref_slice %arg3[%dma_wait3A_402] : memref<100000xi32, #tpu.memory_space<hbm>> -> memref<128xi32, #tpu.memory_space<hbm>>
    %dma_wait3A_404 = arith.constant 0 : i32
    %dma_wait3A_405 = tpu.memref_slice %arg3[%dma_wait3A_404] : memref<100000xi32, #tpu.memory_space<hbm>> -> memref<128xi32, #tpu.memory_space<hbm>>
    tpu.wait_dma2 semaphore(%arg36 : memref<!tpu.dma_semaphore, #tpu.memory_space<semaphore_mem>>) src(%dma_wait3A_405 : memref<128xi32, #tpu.memory_space<hbm>>) dst(%arg12 : memref<128xi32, #tpu.memory_space<vmem>>)
    %dma_start3A_406 = arith.constant 0 : i32
    %dma_start3A_407 = arith.constant 0 : i32
    %dma_start3A_408 = tpu.memref_slice %arg22[%dma_start3A_406, %dma_start3A_407] : memref<64x128xf32, #tpu.memory_space<vmem_shared>> -> memref<64x128xf32, #tpu.memory_space<vmem_shared>>
    tpu.enqueue_indirect_dma source(%arg19 : memref<128x128xf32, #tpu.memory_space<vmem>>) target(%dma_start3A_408 : memref<64x128xf32, #tpu.memory_space<vmem_shared>>) offsets(%arg12 : memref<128xi32, #tpu.memory_space<vmem>>) semaphore(%arg43 : memref<!tpu.dma_semaphore, #tpu.memory_space<semaphore_mem>>) {add = true}
    %dma_wait3A_409 = arith.constant 0 : i32
    %dma_wait3A_410 = arith.constant 0 : i32
    %dma_wait3A_411 = tpu.memref_slice %arg22[%dma_wait3A_409, %dma_wait3A_410] : memref<64x128xf32, #tpu.memory_space<vmem_shared>> -> memref<64x128xf32, #tpu.memory_space<vmem_shared>>
    tpu.wait_indirect_dma semaphore(%arg42 : memref<!tpu.dma_semaphore, #tpu.memory_space<semaphore_mem>>) src(%arg18 : memref<128x128xf32, #tpu.memory_space<vmem>>) dst(%dma_wait3A_411 : memref<64x128xf32, #tpu.memory_space<vmem_shared>>)
    %add3A_412 = arith.constant 608 : i32
    %add3A_413 = arith.addi %add3A, %add3A_412 : i32
    %mul3A_414 = arith.constant 128 : i32
    %mul3A_415 = arith.muli %add3A_413, %mul3A_414 : i32
    %dma_start3A_416 = arith.constant 0 : i32
    %dma_start3A_417 = tpu.memref_slice %arg2[%mul3A_415, %dma_start3A_416] : memref<100000x128xf32, #tpu.memory_space<hbm>> -> memref<128x128xf32, #tpu.memory_space<hbm>>
    %dma_start3A_418 = arith.constant 0 : i32
    %dma_start3A_419 = tpu.memref_slice %arg2[%mul3A_415, %dma_start3A_418] : memref<100000x128xf32, #tpu.memory_space<hbm>> -> memref<128x128xf32, #tpu.memory_space<hbm>>
    tpu.enqueue_dma source(%dma_start3A_419 : memref<128x128xf32, #tpu.memory_space<hbm>>) target(%arg18 : memref<128x128xf32, #tpu.memory_space<vmem>>) target_semaphore(%arg28 : memref<!tpu.dma_semaphore, #tpu.memory_space<semaphore_mem>>)
    %dma_start3A_420 = tpu.memref_slice %arg3[%mul3A_415] : memref<100000xi32, #tpu.memory_space<hbm>> -> memref<128xi32, #tpu.memory_space<hbm>>
    %dma_start3A_421 = tpu.memref_slice %arg3[%mul3A_415] : memref<100000xi32, #tpu.memory_space<hbm>> -> memref<128xi32, #tpu.memory_space<hbm>>
    tpu.enqueue_dma source(%dma_start3A_421 : memref<128xi32, #tpu.memory_space<hbm>>) target(%arg11 : memref<128xi32, #tpu.memory_space<vmem>>) target_semaphore(%arg35 : memref<!tpu.dma_semaphore, #tpu.memory_space<semaphore_mem>>)
    %dma_wait3A_422 = arith.constant 0 : i32
    %dma_wait3A_423 = arith.constant 0 : i32
    %dma_wait3A_424 = tpu.memref_slice %arg2[%dma_wait3A_422, %dma_wait3A_423] : memref<100000x128xf32, #tpu.memory_space<hbm>> -> memref<128x128xf32, #tpu.memory_space<hbm>>
    %dma_wait3A_425 = arith.constant 0 : i32
    %dma_wait3A_426 = arith.constant 0 : i32
    %dma_wait3A_427 = tpu.memref_slice %arg2[%dma_wait3A_425, %dma_wait3A_426] : memref<100000x128xf32, #tpu.memory_space<hbm>> -> memref<128x128xf32, #tpu.memory_space<hbm>>
    tpu.wait_dma2 semaphore(%arg23 : memref<!tpu.dma_semaphore, #tpu.memory_space<semaphore_mem>>) src(%dma_wait3A_427 : memref<128x128xf32, #tpu.memory_space<hbm>>) dst(%arg13 : memref<128x128xf32, #tpu.memory_space<vmem>>)
    %dma_wait3A_428 = arith.constant 0 : i32
    %dma_wait3A_429 = tpu.memref_slice %arg3[%dma_wait3A_428] : memref<100000xi32, #tpu.memory_space<hbm>> -> memref<128xi32, #tpu.memory_space<hbm>>
    %dma_wait3A_430 = arith.constant 0 : i32
    %dma_wait3A_431 = tpu.memref_slice %arg3[%dma_wait3A_430] : memref<100000xi32, #tpu.memory_space<hbm>> -> memref<128xi32, #tpu.memory_space<hbm>>
    tpu.wait_dma2 semaphore(%arg30 : memref<!tpu.dma_semaphore, #tpu.memory_space<semaphore_mem>>) src(%dma_wait3A_431 : memref<128xi32, #tpu.memory_space<hbm>>) dst(%arg6 : memref<128xi32, #tpu.memory_space<vmem>>)
    %dma_start3A_432 = arith.constant 0 : i32
    %dma_start3A_433 = arith.constant 0 : i32
    %dma_start3A_434 = tpu.memref_slice %arg22[%dma_start3A_432, %dma_start3A_433] : memref<64x128xf32, #tpu.memory_space<vmem_shared>> -> memref<64x128xf32, #tpu.memory_space<vmem_shared>>
    tpu.enqueue_indirect_dma source(%arg13 : memref<128x128xf32, #tpu.memory_space<vmem>>) target(%dma_start3A_434 : memref<64x128xf32, #tpu.memory_space<vmem_shared>>) offsets(%arg6 : memref<128xi32, #tpu.memory_space<vmem>>) semaphore(%arg37 : memref<!tpu.dma_semaphore, #tpu.memory_space<semaphore_mem>>) {add = true}
    %dma_wait3A_435 = arith.constant 0 : i32
    %dma_wait3A_436 = arith.constant 0 : i32
    %dma_wait3A_437 = tpu.memref_slice %arg22[%dma_wait3A_435, %dma_wait3A_436] : memref<64x128xf32, #tpu.memory_space<vmem_shared>> -> memref<64x128xf32, #tpu.memory_space<vmem_shared>>
    tpu.wait_indirect_dma semaphore(%arg43 : memref<!tpu.dma_semaphore, #tpu.memory_space<semaphore_mem>>) src(%arg19 : memref<128x128xf32, #tpu.memory_space<vmem>>) dst(%dma_wait3A_437 : memref<64x128xf32, #tpu.memory_space<vmem_shared>>)
    %add3A_438 = arith.constant 640 : i32
    %add3A_439 = arith.addi %add3A, %add3A_438 : i32
    %mul3A_440 = arith.constant 128 : i32
    %mul3A_441 = arith.muli %add3A_439, %mul3A_440 : i32
    %dma_start3A_442 = arith.constant 0 : i32
    %dma_start3A_443 = tpu.memref_slice %arg2[%mul3A_441, %dma_start3A_442] : memref<100000x128xf32, #tpu.memory_space<hbm>> -> memref<128x128xf32, #tpu.memory_space<hbm>>
    %dma_start3A_444 = arith.constant 0 : i32
    %dma_start3A_445 = tpu.memref_slice %arg2[%mul3A_441, %dma_start3A_444] : memref<100000x128xf32, #tpu.memory_space<hbm>> -> memref<128x128xf32, #tpu.memory_space<hbm>>
    tpu.enqueue_dma source(%dma_start3A_445 : memref<128x128xf32, #tpu.memory_space<hbm>>) target(%arg19 : memref<128x128xf32, #tpu.memory_space<vmem>>) target_semaphore(%arg29 : memref<!tpu.dma_semaphore, #tpu.memory_space<semaphore_mem>>)
    %dma_start3A_446 = tpu.memref_slice %arg3[%mul3A_441] : memref<100000xi32, #tpu.memory_space<hbm>> -> memref<128xi32, #tpu.memory_space<hbm>>
    %dma_start3A_447 = tpu.memref_slice %arg3[%mul3A_441] : memref<100000xi32, #tpu.memory_space<hbm>> -> memref<128xi32, #tpu.memory_space<hbm>>
    tpu.enqueue_dma source(%dma_start3A_447 : memref<128xi32, #tpu.memory_space<hbm>>) target(%arg12 : memref<128xi32, #tpu.memory_space<vmem>>) target_semaphore(%arg36 : memref<!tpu.dma_semaphore, #tpu.memory_space<semaphore_mem>>)
    %dma_wait3A_448 = arith.constant 0 : i32
    %dma_wait3A_449 = arith.constant 0 : i32
    %dma_wait3A_450 = tpu.memref_slice %arg2[%dma_wait3A_448, %dma_wait3A_449] : memref<100000x128xf32, #tpu.memory_space<hbm>> -> memref<128x128xf32, #tpu.memory_space<hbm>>
    %dma_wait3A_451 = arith.constant 0 : i32
    %dma_wait3A_452 = arith.constant 0 : i32
    %dma_wait3A_453 = tpu.memref_slice %arg2[%dma_wait3A_451, %dma_wait3A_452] : memref<100000x128xf32, #tpu.memory_space<hbm>> -> memref<128x128xf32, #tpu.memory_space<hbm>>
    tpu.wait_dma2 semaphore(%arg24 : memref<!tpu.dma_semaphore, #tpu.memory_space<semaphore_mem>>) src(%dma_wait3A_453 : memref<128x128xf32, #tpu.memory_space<hbm>>) dst(%arg14 : memref<128x128xf32, #tpu.memory_space<vmem>>)
    %dma_wait3A_454 = arith.constant 0 : i32
    %dma_wait3A_455 = tpu.memref_slice %arg3[%dma_wait3A_454] : memref<100000xi32, #tpu.memory_space<hbm>> -> memref<128xi32, #tpu.memory_space<hbm>>
    %dma_wait3A_456 = arith.constant 0 : i32
    %dma_wait3A_457 = tpu.memref_slice %arg3[%dma_wait3A_456] : memref<100000xi32, #tpu.memory_space<hbm>> -> memref<128xi32, #tpu.memory_space<hbm>>
    tpu.wait_dma2 semaphore(%arg31 : memref<!tpu.dma_semaphore, #tpu.memory_space<semaphore_mem>>) src(%dma_wait3A_457 : memref<128xi32, #tpu.memory_space<hbm>>) dst(%arg7 : memref<128xi32, #tpu.memory_space<vmem>>)
    %dma_start3A_458 = arith.constant 0 : i32
    %dma_start3A_459 = arith.constant 0 : i32
    %dma_start3A_460 = tpu.memref_slice %arg22[%dma_start3A_458, %dma_start3A_459] : memref<64x128xf32, #tpu.memory_space<vmem_shared>> -> memref<64x128xf32, #tpu.memory_space<vmem_shared>>
    tpu.enqueue_indirect_dma source(%arg14 : memref<128x128xf32, #tpu.memory_space<vmem>>) target(%dma_start3A_460 : memref<64x128xf32, #tpu.memory_space<vmem_shared>>) offsets(%arg7 : memref<128xi32, #tpu.memory_space<vmem>>) semaphore(%arg38 : memref<!tpu.dma_semaphore, #tpu.memory_space<semaphore_mem>>) {add = true}
    %dma_wait3A_461 = arith.constant 0 : i32
    %dma_wait3A_462 = arith.constant 0 : i32
    %dma_wait3A_463 = tpu.memref_slice %arg22[%dma_wait3A_461, %dma_wait3A_462] : memref<64x128xf32, #tpu.memory_space<vmem_shared>> -> memref<64x128xf32, #tpu.memory_space<vmem_shared>>
    tpu.wait_indirect_dma semaphore(%arg37 : memref<!tpu.dma_semaphore, #tpu.memory_space<semaphore_mem>>) src(%arg13 : memref<128x128xf32, #tpu.memory_space<vmem>>) dst(%dma_wait3A_463 : memref<64x128xf32, #tpu.memory_space<vmem_shared>>)
    %add3A_464 = arith.constant 672 : i32
    %add3A_465 = arith.addi %add3A, %add3A_464 : i32
    %mul3A_466 = arith.constant 128 : i32
    %mul3A_467 = arith.muli %add3A_465, %mul3A_466 : i32
    %dma_start3A_468 = arith.constant 0 : i32
    %dma_start3A_469 = tpu.memref_slice %arg2[%mul3A_467, %dma_start3A_468] : memref<100000x128xf32, #tpu.memory_space<hbm>> -> memref<128x128xf32, #tpu.memory_space<hbm>>
    %dma_start3A_470 = arith.constant 0 : i32
    %dma_start3A_471 = tpu.memref_slice %arg2[%mul3A_467, %dma_start3A_470] : memref<100000x128xf32, #tpu.memory_space<hbm>> -> memref<128x128xf32, #tpu.memory_space<hbm>>
    tpu.enqueue_dma source(%dma_start3A_471 : memref<128x128xf32, #tpu.memory_space<hbm>>) target(%arg13 : memref<128x128xf32, #tpu.memory_space<vmem>>) target_semaphore(%arg23 : memref<!tpu.dma_semaphore, #tpu.memory_space<semaphore_mem>>)
    %dma_start3A_472 = tpu.memref_slice %arg3[%mul3A_467] : memref<100000xi32, #tpu.memory_space<hbm>> -> memref<128xi32, #tpu.memory_space<hbm>>
    %dma_start3A_473 = tpu.memref_slice %arg3[%mul3A_467] : memref<100000xi32, #tpu.memory_space<hbm>> -> memref<128xi32, #tpu.memory_space<hbm>>
    tpu.enqueue_dma source(%dma_start3A_473 : memref<128xi32, #tpu.memory_space<hbm>>) target(%arg6 : memref<128xi32, #tpu.memory_space<vmem>>) target_semaphore(%arg30 : memref<!tpu.dma_semaphore, #tpu.memory_space<semaphore_mem>>)
    %dma_wait3A_474 = arith.constant 0 : i32
    %dma_wait3A_475 = arith.constant 0 : i32
    %dma_wait3A_476 = tpu.memref_slice %arg2[%dma_wait3A_474, %dma_wait3A_475] : memref<100000x128xf32, #tpu.memory_space<hbm>> -> memref<128x128xf32, #tpu.memory_space<hbm>>
    %dma_wait3A_477 = arith.constant 0 : i32
    %dma_wait3A_478 = arith.constant 0 : i32
    %dma_wait3A_479 = tpu.memref_slice %arg2[%dma_wait3A_477, %dma_wait3A_478] : memref<100000x128xf32, #tpu.memory_space<hbm>> -> memref<128x128xf32, #tpu.memory_space<hbm>>
    tpu.wait_dma2 semaphore(%arg25 : memref<!tpu.dma_semaphore, #tpu.memory_space<semaphore_mem>>) src(%dma_wait3A_479 : memref<128x128xf32, #tpu.memory_space<hbm>>) dst(%arg15 : memref<128x128xf32, #tpu.memory_space<vmem>>)
    %dma_wait3A_480 = arith.constant 0 : i32
    %dma_wait3A_481 = tpu.memref_slice %arg3[%dma_wait3A_480] : memref<100000xi32, #tpu.memory_space<hbm>> -> memref<128xi32, #tpu.memory_space<hbm>>
    %dma_wait3A_482 = arith.constant 0 : i32
    %dma_wait3A_483 = tpu.memref_slice %arg3[%dma_wait3A_482] : memref<100000xi32, #tpu.memory_space<hbm>> -> memref<128xi32, #tpu.memory_space<hbm>>
    tpu.wait_dma2 semaphore(%arg32 : memref<!tpu.dma_semaphore, #tpu.memory_space<semaphore_mem>>) src(%dma_wait3A_483 : memref<128xi32, #tpu.memory_space<hbm>>) dst(%arg8 : memref<128xi32, #tpu.memory_space<vmem>>)
    %dma_start3A_484 = arith.constant 0 : i32
    %dma_start3A_485 = arith.constant 0 : i32
    %dma_start3A_486 = tpu.memref_slice %arg22[%dma_start3A_484, %dma_start3A_485] : memref<64x128xf32, #tpu.memory_space<vmem_shared>> -> memref<64x128xf32, #tpu.memory_space<vmem_shared>>
    tpu.enqueue_indirect_dma source(%arg15 : memref<128x128xf32, #tpu.memory_space<vmem>>) target(%dma_start3A_486 : memref<64x128xf32, #tpu.memory_space<vmem_shared>>) offsets(%arg8 : memref<128xi32, #tpu.memory_space<vmem>>) semaphore(%arg39 : memref<!tpu.dma_semaphore, #tpu.memory_space<semaphore_mem>>) {add = true}
    %dma_wait3A_487 = arith.constant 0 : i32
    %dma_wait3A_488 = arith.constant 0 : i32
    %dma_wait3A_489 = tpu.memref_slice %arg22[%dma_wait3A_487, %dma_wait3A_488] : memref<64x128xf32, #tpu.memory_space<vmem_shared>> -> memref<64x128xf32, #tpu.memory_space<vmem_shared>>
    tpu.wait_indirect_dma semaphore(%arg38 : memref<!tpu.dma_semaphore, #tpu.memory_space<semaphore_mem>>) src(%arg14 : memref<128x128xf32, #tpu.memory_space<vmem>>) dst(%dma_wait3A_489 : memref<64x128xf32, #tpu.memory_space<vmem_shared>>)
    %add3A_490 = arith.constant 704 : i32
    %add3A_491 = arith.addi %add3A, %add3A_490 : i32
    %mul3A_492 = arith.constant 128 : i32
    %mul3A_493 = arith.muli %add3A_491, %mul3A_492 : i32
    %dma_start3A_494 = arith.constant 0 : i32
    %dma_start3A_495 = tpu.memref_slice %arg2[%mul3A_493, %dma_start3A_494] : memref<100000x128xf32, #tpu.memory_space<hbm>> -> memref<128x128xf32, #tpu.memory_space<hbm>>
    %dma_start3A_496 = arith.constant 0 : i32
    %dma_start3A_497 = tpu.memref_slice %arg2[%mul3A_493, %dma_start3A_496] : memref<100000x128xf32, #tpu.memory_space<hbm>> -> memref<128x128xf32, #tpu.memory_space<hbm>>
    tpu.enqueue_dma source(%dma_start3A_497 : memref<128x128xf32, #tpu.memory_space<hbm>>) target(%arg14 : memref<128x128xf32, #tpu.memory_space<vmem>>) target_semaphore(%arg24 : memref<!tpu.dma_semaphore, #tpu.memory_space<semaphore_mem>>)
    %dma_start3A_498 = tpu.memref_slice %arg3[%mul3A_493] : memref<100000xi32, #tpu.memory_space<hbm>> -> memref<128xi32, #tpu.memory_space<hbm>>
    %dma_start3A_499 = tpu.memref_slice %arg3[%mul3A_493] : memref<100000xi32, #tpu.memory_space<hbm>> -> memref<128xi32, #tpu.memory_space<hbm>>
    tpu.enqueue_dma source(%dma_start3A_499 : memref<128xi32, #tpu.memory_space<hbm>>) target(%arg7 : memref<128xi32, #tpu.memory_space<vmem>>) target_semaphore(%arg31 : memref<!tpu.dma_semaphore, #tpu.memory_space<semaphore_mem>>)
    %dma_wait3A_500 = arith.constant 0 : i32
    %dma_wait3A_501 = arith.constant 0 : i32
    %dma_wait3A_502 = tpu.memref_slice %arg2[%dma_wait3A_500, %dma_wait3A_501] : memref<100000x128xf32, #tpu.memory_space<hbm>> -> memref<128x128xf32, #tpu.memory_space<hbm>>
    %dma_wait3A_503 = arith.constant 0 : i32
    %dma_wait3A_504 = arith.constant 0 : i32
    %dma_wait3A_505 = tpu.memref_slice %arg2[%dma_wait3A_503, %dma_wait3A_504] : memref<100000x128xf32, #tpu.memory_space<hbm>> -> memref<128x128xf32, #tpu.memory_space<hbm>>
    tpu.wait_dma2 semaphore(%arg26 : memref<!tpu.dma_semaphore, #tpu.memory_space<semaphore_mem>>) src(%dma_wait3A_505 : memref<128x128xf32, #tpu.memory_space<hbm>>) dst(%arg16 : memref<128x128xf32, #tpu.memory_space<vmem>>)
    %dma_wait3A_506 = arith.constant 0 : i32
    %dma_wait3A_507 = tpu.memref_slice %arg3[%dma_wait3A_506] : memref<100000xi32, #tpu.memory_space<hbm>> -> memref<128xi32, #tpu.memory_space<hbm>>
    %dma_wait3A_508 = arith.constant 0 : i32
    %dma_wait3A_509 = tpu.memref_slice %arg3[%dma_wait3A_508] : memref<100000xi32, #tpu.memory_space<hbm>> -> memref<128xi32, #tpu.memory_space<hbm>>
    tpu.wait_dma2 semaphore(%arg33 : memref<!tpu.dma_semaphore, #tpu.memory_space<semaphore_mem>>) src(%dma_wait3A_509 : memref<128xi32, #tpu.memory_space<hbm>>) dst(%arg9 : memref<128xi32, #tpu.memory_space<vmem>>)
    %dma_start3A_510 = arith.constant 0 : i32
    %dma_start3A_511 = arith.constant 0 : i32
    %dma_start3A_512 = tpu.memref_slice %arg22[%dma_start3A_510, %dma_start3A_511] : memref<64x128xf32, #tpu.memory_space<vmem_shared>> -> memref<64x128xf32, #tpu.memory_space<vmem_shared>>
    tpu.enqueue_indirect_dma source(%arg16 : memref<128x128xf32, #tpu.memory_space<vmem>>) target(%dma_start3A_512 : memref<64x128xf32, #tpu.memory_space<vmem_shared>>) offsets(%arg9 : memref<128xi32, #tpu.memory_space<vmem>>) semaphore(%arg40 : memref<!tpu.dma_semaphore, #tpu.memory_space<semaphore_mem>>) {add = true}
    %dma_wait3A_513 = arith.constant 0 : i32
    %dma_wait3A_514 = arith.constant 0 : i32
    %dma_wait3A_515 = tpu.memref_slice %arg22[%dma_wait3A_513, %dma_wait3A_514] : memref<64x128xf32, #tpu.memory_space<vmem_shared>> -> memref<64x128xf32, #tpu.memory_space<vmem_shared>>
    tpu.wait_indirect_dma semaphore(%arg39 : memref<!tpu.dma_semaphore, #tpu.memory_space<semaphore_mem>>) src(%arg15 : memref<128x128xf32, #tpu.memory_space<vmem>>) dst(%dma_wait3A_515 : memref<64x128xf32, #tpu.memory_space<vmem_shared>>)
    %add3A_516 = arith.constant 736 : i32
    %add3A_517 = arith.addi %add3A, %add3A_516 : i32
    %mul3A_518 = arith.constant 128 : i32
    %mul3A_519 = arith.muli %add3A_517, %mul3A_518 : i32
    %dma_start3A_520 = arith.constant 0 : i32
    %dma_start3A_521 = tpu.memref_slice %arg2[%mul3A_519, %dma_start3A_520] : memref<100000x128xf32, #tpu.memory_space<hbm>> -> memref<128x128xf32, #tpu.memory_space<hbm>>
    %dma_start3A_522 = arith.constant 0 : i32
    %dma_start3A_523 = tpu.memref_slice %arg2[%mul3A_519, %dma_start3A_522] : memref<100000x128xf32, #tpu.memory_space<hbm>> -> memref<128x128xf32, #tpu.memory_space<hbm>>
    tpu.enqueue_dma source(%dma_start3A_523 : memref<128x128xf32, #tpu.memory_space<hbm>>) target(%arg15 : memref<128x128xf32, #tpu.memory_space<vmem>>) target_semaphore(%arg25 : memref<!tpu.dma_semaphore, #tpu.memory_space<semaphore_mem>>)
    %dma_start3A_524 = tpu.memref_slice %arg3[%mul3A_519] : memref<100000xi32, #tpu.memory_space<hbm>> -> memref<128xi32, #tpu.memory_space<hbm>>
    %dma_start3A_525 = tpu.memref_slice %arg3[%mul3A_519] : memref<100000xi32, #tpu.memory_space<hbm>> -> memref<128xi32, #tpu.memory_space<hbm>>
    tpu.enqueue_dma source(%dma_start3A_525 : memref<128xi32, #tpu.memory_space<hbm>>) target(%arg8 : memref<128xi32, #tpu.memory_space<vmem>>) target_semaphore(%arg32 : memref<!tpu.dma_semaphore, #tpu.memory_space<semaphore_mem>>)
    %dma_wait3A_526 = arith.constant 0 : i32
    %dma_wait3A_527 = arith.constant 0 : i32
    %dma_wait3A_528 = tpu.memref_slice %arg2[%dma_wait3A_526, %dma_wait3A_527] : memref<100000x128xf32, #tpu.memory_space<hbm>> -> memref<128x128xf32, #tpu.memory_space<hbm>>
    %dma_wait3A_529 = arith.constant 0 : i32
    %dma_wait3A_530 = arith.constant 0 : i32
    %dma_wait3A_531 = tpu.memref_slice %arg2[%dma_wait3A_529, %dma_wait3A_530] : memref<100000x128xf32, #tpu.memory_space<hbm>> -> memref<128x128xf32, #tpu.memory_space<hbm>>
    tpu.wait_dma2 semaphore(%arg27 : memref<!tpu.dma_semaphore, #tpu.memory_space<semaphore_mem>>) src(%dma_wait3A_531 : memref<128x128xf32, #tpu.memory_space<hbm>>) dst(%arg17 : memref<128x128xf32, #tpu.memory_space<vmem>>)
    %dma_wait3A_532 = arith.constant 0 : i32
    %dma_wait3A_533 = tpu.memref_slice %arg3[%dma_wait3A_532] : memref<100000xi32, #tpu.memory_space<hbm>> -> memref<128xi32, #tpu.memory_space<hbm>>
    %dma_wait3A_534 = arith.constant 0 : i32
    %dma_wait3A_535 = tpu.memref_slice %arg3[%dma_wait3A_534] : memref<100000xi32, #tpu.memory_space<hbm>> -> memref<128xi32, #tpu.memory_space<hbm>>
    tpu.wait_dma2 semaphore(%arg34 : memref<!tpu.dma_semaphore, #tpu.memory_space<semaphore_mem>>) src(%dma_wait3A_535 : memref<128xi32, #tpu.memory_space<hbm>>) dst(%arg10 : memref<128xi32, #tpu.memory_space<vmem>>)
    %dma_start3A_536 = arith.constant 0 : i32
    %dma_start3A_537 = arith.constant 0 : i32
    %dma_start3A_538 = tpu.memref_slice %arg22[%dma_start3A_536, %dma_start3A_537] : memref<64x128xf32, #tpu.memory_space<vmem_shared>> -> memref<64x128xf32, #tpu.memory_space<vmem_shared>>
    tpu.enqueue_indirect_dma source(%arg17 : memref<128x128xf32, #tpu.memory_space<vmem>>) target(%dma_start3A_538 : memref<64x128xf32, #tpu.memory_space<vmem_shared>>) offsets(%arg10 : memref<128xi32, #tpu.memory_space<vmem>>) semaphore(%arg41 : memref<!tpu.dma_semaphore, #tpu.memory_space<semaphore_mem>>) {add = true}
    %dma_wait3A_539 = arith.constant 0 : i32
    %dma_wait3A_540 = arith.constant 0 : i32
    %dma_wait3A_541 = tpu.memref_slice %arg22[%dma_wait3A_539, %dma_wait3A_540] : memref<64x128xf32, #tpu.memory_space<vmem_shared>> -> memref<64x128xf32, #tpu.memory_space<vmem_shared>>
    tpu.wait_indirect_dma semaphore(%arg40 : memref<!tpu.dma_semaphore, #tpu.memory_space<semaphore_mem>>) src(%arg16 : memref<128x128xf32, #tpu.memory_space<vmem>>) dst(%dma_wait3A_541 : memref<64x128xf32, #tpu.memory_space<vmem_shared>>)
    %lt3A = arith.constant 13 : i32
    %lt3A_542 = arith.cmpi slt, %add3A, %lt3A : i32
    %convert_element_type3A_543 = arith.extui %lt3A_542 : i1 to i32
    %cond3A_544 = arith.constant 0 : i32
    %cond3A_545 = arith.cmpi ne, %convert_element_type3A_543, %cond3A_544 : i32
    scf.if %cond3A_545 {
      %add3A_650 = arith.constant 768 : i32
      %add3A_651 = arith.addi %add3A, %add3A_650 : i32
      %mul3A_652 = arith.constant 128 : i32
      %mul3A_653 = arith.muli %add3A_651, %mul3A_652 : i32
      %dma_start3A_654 = arith.constant 0 : i32
      %dma_start3A_655 = tpu.memref_slice %arg2[%mul3A_653, %dma_start3A_654] : memref<100000x128xf32, #tpu.memory_space<hbm>> -> memref<128x128xf32, #tpu.memory_space<hbm>>
      %dma_start3A_656 = arith.constant 0 : i32
      %dma_start3A_657 = tpu.memref_slice %arg2[%mul3A_653, %dma_start3A_656] : memref<100000x128xf32, #tpu.memory_space<hbm>> -> memref<128x128xf32, #tpu.memory_space<hbm>>
      tpu.enqueue_dma source(%dma_start3A_657 : memref<128x128xf32, #tpu.memory_space<hbm>>) target(%arg16 : memref<128x128xf32, #tpu.memory_space<vmem>>) target_semaphore(%arg26 : memref<!tpu.dma_semaphore, #tpu.memory_space<semaphore_mem>>)
      %dma_start3A_658 = tpu.memref_slice %arg3[%mul3A_653] : memref<100000xi32, #tpu.memory_space<hbm>> -> memref<128xi32, #tpu.memory_space<hbm>>
      %dma_start3A_659 = tpu.memref_slice %arg3[%mul3A_653] : memref<100000xi32, #tpu.memory_space<hbm>> -> memref<128xi32, #tpu.memory_space<hbm>>
      tpu.enqueue_dma source(%dma_start3A_659 : memref<128xi32, #tpu.memory_space<hbm>>) target(%arg9 : memref<128xi32, #tpu.memory_space<vmem>>) target_semaphore(%arg33 : memref<!tpu.dma_semaphore, #tpu.memory_space<semaphore_mem>>)
    } else {
    }
    %dma_wait3A_546 = arith.constant 0 : i32
    %dma_wait3A_547 = arith.constant 0 : i32
    %dma_wait3A_548 = tpu.memref_slice %arg2[%dma_wait3A_546, %dma_wait3A_547] : memref<100000x128xf32, #tpu.memory_space<hbm>> -> memref<128x128xf32, #tpu.memory_space<hbm>>
    %dma_wait3A_549 = arith.constant 0 : i32
    %dma_wait3A_550 = arith.constant 0 : i32
    %dma_wait3A_551 = tpu.memref_slice %arg2[%dma_wait3A_549, %dma_wait3A_550] : memref<100000x128xf32, #tpu.memory_space<hbm>> -> memref<128x128xf32, #tpu.memory_space<hbm>>
    tpu.wait_dma2 semaphore(%arg28 : memref<!tpu.dma_semaphore, #tpu.memory_space<semaphore_mem>>) src(%dma_wait3A_551 : memref<128x128xf32, #tpu.memory_space<hbm>>) dst(%arg18 : memref<128x128xf32, #tpu.memory_space<vmem>>)
    %dma_wait3A_552 = arith.constant 0 : i32
    %dma_wait3A_553 = tpu.memref_slice %arg3[%dma_wait3A_552] : memref<100000xi32, #tpu.memory_space<hbm>> -> memref<128xi32, #tpu.memory_space<hbm>>
    %dma_wait3A_554 = arith.constant 0 : i32
    %dma_wait3A_555 = tpu.memref_slice %arg3[%dma_wait3A_554] : memref<100000xi32, #tpu.memory_space<hbm>> -> memref<128xi32, #tpu.memory_space<hbm>>
    tpu.wait_dma2 semaphore(%arg35 : memref<!tpu.dma_semaphore, #tpu.memory_space<semaphore_mem>>) src(%dma_wait3A_555 : memref<128xi32, #tpu.memory_space<hbm>>) dst(%arg11 : memref<128xi32, #tpu.memory_space<vmem>>)
    %dma_start3A_556 = arith.constant 0 : i32
    %dma_start3A_557 = arith.constant 0 : i32
    %dma_start3A_558 = tpu.memref_slice %arg22[%dma_start3A_556, %dma_start3A_557] : memref<64x128xf32, #tpu.memory_space<vmem_shared>> -> memref<64x128xf32, #tpu.memory_space<vmem_shared>>
    tpu.enqueue_indirect_dma source(%arg18 : memref<128x128xf32, #tpu.memory_space<vmem>>) target(%dma_start3A_558 : memref<64x128xf32, #tpu.memory_space<vmem_shared>>) offsets(%arg11 : memref<128xi32, #tpu.memory_space<vmem>>) semaphore(%arg42 : memref<!tpu.dma_semaphore, #tpu.memory_space<semaphore_mem>>) {add = true}
    %dma_wait3A_559 = arith.constant 0 : i32
    %dma_wait3A_560 = arith.constant 0 : i32
    %dma_wait3A_561 = tpu.memref_slice %arg22[%dma_wait3A_559, %dma_wait3A_560] : memref<64x128xf32, #tpu.memory_space<vmem_shared>> -> memref<64x128xf32, #tpu.memory_space<vmem_shared>>
    tpu.wait_indirect_dma semaphore(%arg41 : memref<!tpu.dma_semaphore, #tpu.memory_space<semaphore_mem>>) src(%arg17 : memref<128x128xf32, #tpu.memory_space<vmem>>) dst(%dma_wait3A_561 : memref<64x128xf32, #tpu.memory_space<vmem_shared>>)
    %dma_wait3A_562 = arith.constant 0 : i32
    %dma_wait3A_563 = arith.constant 0 : i32
    %dma_wait3A_564 = tpu.memref_slice %arg2[%dma_wait3A_562, %dma_wait3A_563] : memref<100000x128xf32, #tpu.memory_space<hbm>> -> memref<128x128xf32, #tpu.memory_space<hbm>>
    %dma_wait3A_565 = arith.constant 0 : i32
    %dma_wait3A_566 = arith.constant 0 : i32
    %dma_wait3A_567 = tpu.memref_slice %arg2[%dma_wait3A_565, %dma_wait3A_566] : memref<100000x128xf32, #tpu.memory_space<hbm>> -> memref<128x128xf32, #tpu.memory_space<hbm>>
    tpu.wait_dma2 semaphore(%arg29 : memref<!tpu.dma_semaphore, #tpu.memory_space<semaphore_mem>>) src(%dma_wait3A_567 : memref<128x128xf32, #tpu.memory_space<hbm>>) dst(%arg19 : memref<128x128xf32, #tpu.memory_space<vmem>>)
    %dma_wait3A_568 = arith.constant 0 : i32
    %dma_wait3A_569 = tpu.memref_slice %arg3[%dma_wait3A_568] : memref<100000xi32, #tpu.memory_space<hbm>> -> memref<128xi32, #tpu.memory_space<hbm>>
    %dma_wait3A_570 = arith.constant 0 : i32
    %dma_wait3A_571 = tpu.memref_slice %arg3[%dma_wait3A_570] : memref<100000xi32, #tpu.memory_space<hbm>> -> memref<128xi32, #tpu.memory_space<hbm>>
    tpu.wait_dma2 semaphore(%arg36 : memref<!tpu.dma_semaphore, #tpu.memory_space<semaphore_mem>>) src(%dma_wait3A_571 : memref<128xi32, #tpu.memory_space<hbm>>) dst(%arg12 : memref<128xi32, #tpu.memory_space<vmem>>)
    %dma_start3A_572 = arith.constant 0 : i32
    %dma_start3A_573 = arith.constant 0 : i32
    %dma_start3A_574 = tpu.memref_slice %arg22[%dma_start3A_572, %dma_start3A_573] : memref<64x128xf32, #tpu.memory_space<vmem_shared>> -> memref<64x128xf32, #tpu.memory_space<vmem_shared>>
    tpu.enqueue_indirect_dma source(%arg19 : memref<128x128xf32, #tpu.memory_space<vmem>>) target(%dma_start3A_574 : memref<64x128xf32, #tpu.memory_space<vmem_shared>>) offsets(%arg12 : memref<128xi32, #tpu.memory_space<vmem>>) semaphore(%arg43 : memref<!tpu.dma_semaphore, #tpu.memory_space<semaphore_mem>>) {add = true}
    %dma_wait3A_575 = arith.constant 0 : i32
    %dma_wait3A_576 = arith.constant 0 : i32
    %dma_wait3A_577 = tpu.memref_slice %arg22[%dma_wait3A_575, %dma_wait3A_576] : memref<64x128xf32, #tpu.memory_space<vmem_shared>> -> memref<64x128xf32, #tpu.memory_space<vmem_shared>>
    tpu.wait_indirect_dma semaphore(%arg42 : memref<!tpu.dma_semaphore, #tpu.memory_space<semaphore_mem>>) src(%arg18 : memref<128x128xf32, #tpu.memory_space<vmem>>) dst(%dma_wait3A_577 : memref<64x128xf32, #tpu.memory_space<vmem_shared>>)
    %dma_wait3A_578 = arith.constant 0 : i32
    %dma_wait3A_579 = arith.constant 0 : i32
    %dma_wait3A_580 = tpu.memref_slice %arg2[%dma_wait3A_578, %dma_wait3A_579] : memref<100000x128xf32, #tpu.memory_space<hbm>> -> memref<128x128xf32, #tpu.memory_space<hbm>>
    %dma_wait3A_581 = arith.constant 0 : i32
    %dma_wait3A_582 = arith.constant 0 : i32
    %dma_wait3A_583 = tpu.memref_slice %arg2[%dma_wait3A_581, %dma_wait3A_582] : memref<100000x128xf32, #tpu.memory_space<hbm>> -> memref<128x128xf32, #tpu.memory_space<hbm>>
    tpu.wait_dma2 semaphore(%arg23 : memref<!tpu.dma_semaphore, #tpu.memory_space<semaphore_mem>>) src(%dma_wait3A_583 : memref<128x128xf32, #tpu.memory_space<hbm>>) dst(%arg13 : memref<128x128xf32, #tpu.memory_space<vmem>>)
    %dma_wait3A_584 = arith.constant 0 : i32
    %dma_wait3A_585 = tpu.memref_slice %arg3[%dma_wait3A_584] : memref<100000xi32, #tpu.memory_space<hbm>> -> memref<128xi32, #tpu.memory_space<hbm>>
    %dma_wait3A_586 = arith.constant 0 : i32
    %dma_wait3A_587 = tpu.memref_slice %arg3[%dma_wait3A_586] : memref<100000xi32, #tpu.memory_space<hbm>> -> memref<128xi32, #tpu.memory_space<hbm>>
    tpu.wait_dma2 semaphore(%arg30 : memref<!tpu.dma_semaphore, #tpu.memory_space<semaphore_mem>>) src(%dma_wait3A_587 : memref<128xi32, #tpu.memory_space<hbm>>) dst(%arg6 : memref<128xi32, #tpu.memory_space<vmem>>)
    %dma_start3A_588 = arith.constant 0 : i32
    %dma_start3A_589 = arith.constant 0 : i32
    %dma_start3A_590 = tpu.memref_slice %arg22[%dma_start3A_588, %dma_start3A_589] : memref<64x128xf32, #tpu.memory_space<vmem_shared>> -> memref<64x128xf32, #tpu.memory_space<vmem_shared>>
    tpu.enqueue_indirect_dma source(%arg13 : memref<128x128xf32, #tpu.memory_space<vmem>>) target(%dma_start3A_590 : memref<64x128xf32, #tpu.memory_space<vmem_shared>>) offsets(%arg6 : memref<128xi32, #tpu.memory_space<vmem>>) semaphore(%arg37 : memref<!tpu.dma_semaphore, #tpu.memory_space<semaphore_mem>>) {add = true}
    %dma_wait3A_591 = arith.constant 0 : i32
    %dma_wait3A_592 = arith.constant 0 : i32
    %dma_wait3A_593 = tpu.memref_slice %arg22[%dma_wait3A_591, %dma_wait3A_592] : memref<64x128xf32, #tpu.memory_space<vmem_shared>> -> memref<64x128xf32, #tpu.memory_space<vmem_shared>>
    tpu.wait_indirect_dma semaphore(%arg43 : memref<!tpu.dma_semaphore, #tpu.memory_space<semaphore_mem>>) src(%arg19 : memref<128x128xf32, #tpu.memory_space<vmem>>) dst(%dma_wait3A_593 : memref<64x128xf32, #tpu.memory_space<vmem_shared>>)
    %dma_wait3A_594 = arith.constant 0 : i32
    %dma_wait3A_595 = arith.constant 0 : i32
    %dma_wait3A_596 = tpu.memref_slice %arg2[%dma_wait3A_594, %dma_wait3A_595] : memref<100000x128xf32, #tpu.memory_space<hbm>> -> memref<128x128xf32, #tpu.memory_space<hbm>>
    %dma_wait3A_597 = arith.constant 0 : i32
    %dma_wait3A_598 = arith.constant 0 : i32
    %dma_wait3A_599 = tpu.memref_slice %arg2[%dma_wait3A_597, %dma_wait3A_598] : memref<100000x128xf32, #tpu.memory_space<hbm>> -> memref<128x128xf32, #tpu.memory_space<hbm>>
    tpu.wait_dma2 semaphore(%arg24 : memref<!tpu.dma_semaphore, #tpu.memory_space<semaphore_mem>>) src(%dma_wait3A_599 : memref<128x128xf32, #tpu.memory_space<hbm>>) dst(%arg14 : memref<128x128xf32, #tpu.memory_space<vmem>>)
    %dma_wait3A_600 = arith.constant 0 : i32
    %dma_wait3A_601 = tpu.memref_slice %arg3[%dma_wait3A_600] : memref<100000xi32, #tpu.memory_space<hbm>> -> memref<128xi32, #tpu.memory_space<hbm>>
    %dma_wait3A_602 = arith.constant 0 : i32
    %dma_wait3A_603 = tpu.memref_slice %arg3[%dma_wait3A_602] : memref<100000xi32, #tpu.memory_space<hbm>> -> memref<128xi32, #tpu.memory_space<hbm>>
    tpu.wait_dma2 semaphore(%arg31 : memref<!tpu.dma_semaphore, #tpu.memory_space<semaphore_mem>>) src(%dma_wait3A_603 : memref<128xi32, #tpu.memory_space<hbm>>) dst(%arg7 : memref<128xi32, #tpu.memory_space<vmem>>)
    %dma_start3A_604 = arith.constant 0 : i32
    %dma_start3A_605 = arith.constant 0 : i32
    %dma_start3A_606 = tpu.memref_slice %arg22[%dma_start3A_604, %dma_start3A_605] : memref<64x128xf32, #tpu.memory_space<vmem_shared>> -> memref<64x128xf32, #tpu.memory_space<vmem_shared>>
    tpu.enqueue_indirect_dma source(%arg14 : memref<128x128xf32, #tpu.memory_space<vmem>>) target(%dma_start3A_606 : memref<64x128xf32, #tpu.memory_space<vmem_shared>>) offsets(%arg7 : memref<128xi32, #tpu.memory_space<vmem>>) semaphore(%arg38 : memref<!tpu.dma_semaphore, #tpu.memory_space<semaphore_mem>>) {add = true}
    %dma_wait3A_607 = arith.constant 0 : i32
    %dma_wait3A_608 = arith.constant 0 : i32
    %dma_wait3A_609 = tpu.memref_slice %arg22[%dma_wait3A_607, %dma_wait3A_608] : memref<64x128xf32, #tpu.memory_space<vmem_shared>> -> memref<64x128xf32, #tpu.memory_space<vmem_shared>>
    tpu.wait_indirect_dma semaphore(%arg37 : memref<!tpu.dma_semaphore, #tpu.memory_space<semaphore_mem>>) src(%arg13 : memref<128x128xf32, #tpu.memory_space<vmem>>) dst(%dma_wait3A_609 : memref<64x128xf32, #tpu.memory_space<vmem_shared>>)
    %dma_wait3A_610 = arith.constant 0 : i32
    %dma_wait3A_611 = arith.constant 0 : i32
    %dma_wait3A_612 = tpu.memref_slice %arg2[%dma_wait3A_610, %dma_wait3A_611] : memref<100000x128xf32, #tpu.memory_space<hbm>> -> memref<128x128xf32, #tpu.memory_space<hbm>>
    %dma_wait3A_613 = arith.constant 0 : i32
    %dma_wait3A_614 = arith.constant 0 : i32
    %dma_wait3A_615 = tpu.memref_slice %arg2[%dma_wait3A_613, %dma_wait3A_614] : memref<100000x128xf32, #tpu.memory_space<hbm>> -> memref<128x128xf32, #tpu.memory_space<hbm>>
    tpu.wait_dma2 semaphore(%arg25 : memref<!tpu.dma_semaphore, #tpu.memory_space<semaphore_mem>>) src(%dma_wait3A_615 : memref<128x128xf32, #tpu.memory_space<hbm>>) dst(%arg15 : memref<128x128xf32, #tpu.memory_space<vmem>>)
    %dma_wait3A_616 = arith.constant 0 : i32
    %dma_wait3A_617 = tpu.memref_slice %arg3[%dma_wait3A_616] : memref<100000xi32, #tpu.memory_space<hbm>> -> memref<128xi32, #tpu.memory_space<hbm>>
    %dma_wait3A_618 = arith.constant 0 : i32
    %dma_wait3A_619 = tpu.memref_slice %arg3[%dma_wait3A_618] : memref<100000xi32, #tpu.memory_space<hbm>> -> memref<128xi32, #tpu.memory_space<hbm>>
    tpu.wait_dma2 semaphore(%arg32 : memref<!tpu.dma_semaphore, #tpu.memory_space<semaphore_mem>>) src(%dma_wait3A_619 : memref<128xi32, #tpu.memory_space<hbm>>) dst(%arg8 : memref<128xi32, #tpu.memory_space<vmem>>)
    %dma_start3A_620 = arith.constant 0 : i32
    %dma_start3A_621 = arith.constant 0 : i32
    %dma_start3A_622 = tpu.memref_slice %arg22[%dma_start3A_620, %dma_start3A_621] : memref<64x128xf32, #tpu.memory_space<vmem_shared>> -> memref<64x128xf32, #tpu.memory_space<vmem_shared>>
    tpu.enqueue_indirect_dma source(%arg15 : memref<128x128xf32, #tpu.memory_space<vmem>>) target(%dma_start3A_622 : memref<64x128xf32, #tpu.memory_space<vmem_shared>>) offsets(%arg8 : memref<128xi32, #tpu.memory_space<vmem>>) semaphore(%arg39 : memref<!tpu.dma_semaphore, #tpu.memory_space<semaphore_mem>>) {add = true}
    %dma_wait3A_623 = arith.constant 0 : i32
    %dma_wait3A_624 = arith.constant 0 : i32
    %dma_wait3A_625 = tpu.memref_slice %arg22[%dma_wait3A_623, %dma_wait3A_624] : memref<64x128xf32, #tpu.memory_space<vmem_shared>> -> memref<64x128xf32, #tpu.memory_space<vmem_shared>>
    tpu.wait_indirect_dma semaphore(%arg38 : memref<!tpu.dma_semaphore, #tpu.memory_space<semaphore_mem>>) src(%arg14 : memref<128x128xf32, #tpu.memory_space<vmem>>) dst(%dma_wait3A_625 : memref<64x128xf32, #tpu.memory_space<vmem_shared>>)
    %lt3A_626 = arith.constant 13 : i32
    %lt3A_627 = arith.cmpi slt, %add3A, %lt3A_626 : i32
    %convert_element_type3A_628 = arith.extui %lt3A_627 : i1 to i32
    %cond3A_629 = arith.constant 0 : i32
    %cond3A_630 = arith.cmpi ne, %convert_element_type3A_628, %cond3A_629 : i32
    scf.if %cond3A_630 {
      %dma_wait3A_650 = arith.constant 0 : i32
      %dma_wait3A_651 = arith.constant 0 : i32
      %dma_wait3A_652 = tpu.memref_slice %arg2[%dma_wait3A_650, %dma_wait3A_651] : memref<100000x128xf32, #tpu.memory_space<hbm>> -> memref<128x128xf32, #tpu.memory_space<hbm>>
      %dma_wait3A_653 = arith.constant 0 : i32
      %dma_wait3A_654 = arith.constant 0 : i32
      %dma_wait3A_655 = tpu.memref_slice %arg2[%dma_wait3A_653, %dma_wait3A_654] : memref<100000x128xf32, #tpu.memory_space<hbm>> -> memref<128x128xf32, #tpu.memory_space<hbm>>
      tpu.wait_dma2 semaphore(%arg26 : memref<!tpu.dma_semaphore, #tpu.memory_space<semaphore_mem>>) src(%dma_wait3A_655 : memref<128x128xf32, #tpu.memory_space<hbm>>) dst(%arg16 : memref<128x128xf32, #tpu.memory_space<vmem>>)
      %dma_wait3A_656 = arith.constant 0 : i32
      %dma_wait3A_657 = tpu.memref_slice %arg3[%dma_wait3A_656] : memref<100000xi32, #tpu.memory_space<hbm>> -> memref<128xi32, #tpu.memory_space<hbm>>
      %dma_wait3A_658 = arith.constant 0 : i32
      %dma_wait3A_659 = tpu.memref_slice %arg3[%dma_wait3A_658] : memref<100000xi32, #tpu.memory_space<hbm>> -> memref<128xi32, #tpu.memory_space<hbm>>
      tpu.wait_dma2 semaphore(%arg33 : memref<!tpu.dma_semaphore, #tpu.memory_space<semaphore_mem>>) src(%dma_wait3A_659 : memref<128xi32, #tpu.memory_space<hbm>>) dst(%arg9 : memref<128xi32, #tpu.memory_space<vmem>>)
      %dma_start3A_660 = arith.constant 0 : i32
      %dma_start3A_661 = arith.constant 0 : i32
      %dma_start3A_662 = tpu.memref_slice %arg22[%dma_start3A_660, %dma_start3A_661] : memref<64x128xf32, #tpu.memory_space<vmem_shared>> -> memref<64x128xf32, #tpu.memory_space<vmem_shared>>
      tpu.enqueue_indirect_dma source(%arg16 : memref<128x128xf32, #tpu.memory_space<vmem>>) target(%dma_start3A_662 : memref<64x128xf32, #tpu.memory_space<vmem_shared>>) offsets(%arg9 : memref<128xi32, #tpu.memory_space<vmem>>) semaphore(%arg40 : memref<!tpu.dma_semaphore, #tpu.memory_space<semaphore_mem>>) {add = true}
    } else {
    }
    %dma_wait3A_631 = arith.constant 0 : i32
    %dma_wait3A_632 = arith.constant 0 : i32
    %dma_wait3A_633 = tpu.memref_slice %arg22[%dma_wait3A_631, %dma_wait3A_632] : memref<64x128xf32, #tpu.memory_space<vmem_shared>> -> memref<64x128xf32, #tpu.memory_space<vmem_shared>>
    tpu.wait_indirect_dma semaphore(%arg39 : memref<!tpu.dma_semaphore, #tpu.memory_space<semaphore_mem>>) src(%arg15 : memref<128x128xf32, #tpu.memory_space<vmem>>) dst(%dma_wait3A_633 : memref<64x128xf32, #tpu.memory_space<vmem_shared>>)
    %lt3A_634 = arith.constant 13 : i32
    %lt3A_635 = arith.cmpi slt, %add3A, %lt3A_634 : i32
    %convert_element_type3A_636 = arith.extui %lt3A_635 : i1 to i32
    %cond3A_637 = arith.constant 0 : i32
    %cond3A_638 = arith.cmpi ne, %convert_element_type3A_636, %cond3A_637 : i32
    scf.if %cond3A_638 {
      %dma_wait3A_650 = arith.constant 0 : i32
      %dma_wait3A_651 = arith.constant 0 : i32
      %dma_wait3A_652 = tpu.memref_slice %arg22[%dma_wait3A_650, %dma_wait3A_651] : memref<64x128xf32, #tpu.memory_space<vmem_shared>> -> memref<64x128xf32, #tpu.memory_space<vmem_shared>>
      tpu.wait_indirect_dma semaphore(%arg40 : memref<!tpu.dma_semaphore, #tpu.memory_space<semaphore_mem>>) src(%arg16 : memref<128x128xf32, #tpu.memory_space<vmem>>) dst(%dma_wait3A_652 : memref<64x128xf32, #tpu.memory_space<vmem_shared>>)
    } else {
    }
    %eq3A_639 = arith.constant 31 : i32
    %eq3A_640 = arith.cmpi eq, %add3A, %eq3A_639 : i32
    %convert_element_type3A_641 = arith.extui %eq3A_640 : i1 to i32
    %cond3A_642 = arith.constant 0 : i32
    %cond3A_643 = arith.cmpi ne, %convert_element_type3A_641, %cond3A_642 : i32
    scf.if %cond3A_643 {
      "tpu.region"() ({
        %run_scoped3A = tpu.sem_alloc : memref<!tpu.dma_semaphore, #tpu.memory_space<semaphore_mem>>
        %dma_start3A_662 = arith.constant 99968 : i32
        %dma_start3A_663 = tpu.memref_slice %arg3[%dma_start3A_662] : memref<100000xi32, #tpu.memory_space<hbm>> -> memref<32xi32, #tpu.memory_space<hbm>>
        %dma_start3A_664 = arith.constant 99968 : i32
        %dma_start3A_665 = tpu.memref_slice %arg3[%dma_start3A_664] : memref<100000xi32, #tpu.memory_space<hbm>> -> memref<32xi32, #tpu.memory_space<hbm>>
        tpu.enqueue_dma source(%dma_start3A_665 : memref<32xi32, #tpu.memory_space<hbm>>) target(%arg20 : memref<32xi32, #tpu.memory_space<vmem>>) target_semaphore(%run_scoped3A : memref<!tpu.dma_semaphore, #tpu.memory_space<semaphore_mem>>)
        %dma_wait3A_666 = arith.constant 99968 : i32
        %dma_wait3A_667 = tpu.memref_slice %arg3[%dma_wait3A_666] : memref<100000xi32, #tpu.memory_space<hbm>> -> memref<32xi32, #tpu.memory_space<hbm>>
        %dma_wait3A_668 = arith.constant 99968 : i32
        %dma_wait3A_669 = tpu.memref_slice %arg3[%dma_wait3A_668] : memref<100000xi32, #tpu.memory_space<hbm>> -> memref<32xi32, #tpu.memory_space<hbm>>
        tpu.wait_dma2 semaphore(%run_scoped3A : memref<!tpu.dma_semaphore, #tpu.memory_space<semaphore_mem>>) src(%dma_wait3A_669 : memref<32xi32, #tpu.memory_space<hbm>>) dst(%arg20 : memref<32xi32, #tpu.memory_space<vmem>>)
        tpu.yield
      }) : () -> ()
      %dma_start3A_650 = arith.constant 99968 : i32
      %dma_start3A_651 = arith.constant 0 : i32
      %dma_start3A_652 = tpu.memref_slice %arg2[%dma_start3A_650, %dma_start3A_651] : memref<100000x128xf32, #tpu.memory_space<hbm>> -> memref<32x128xf32, #tpu.memory_space<hbm>>
      %dma_start3A_653 = arith.constant 99968 : i32
      %dma_start3A_654 = arith.constant 0 : i32
      %dma_start3A_655 = tpu.memref_slice %arg2[%dma_start3A_653, %dma_start3A_654] : memref<100000x128xf32, #tpu.memory_space<hbm>> -> memref<32x128xf32, #tpu.memory_space<hbm>>
      tpu.enqueue_dma source(%dma_start3A_655 : memref<32x128xf32, #tpu.memory_space<hbm>>) target(%arg21 : memref<32x128xf32, #tpu.memory_space<vmem>>) target_semaphore(%arg44 : memref<!tpu.dma_semaphore, #tpu.memory_space<semaphore_mem>>)
      %dma_wait3A_656 = arith.constant 99968 : i32
      %dma_wait3A_657 = arith.constant 0 : i32
      %dma_wait3A_658 = tpu.memref_slice %arg2[%dma_wait3A_656, %dma_wait3A_657] : memref<100000x128xf32, #tpu.memory_space<hbm>> -> memref<32x128xf32, #tpu.memory_space<hbm>>
      %dma_wait3A_659 = arith.constant 99968 : i32
      %dma_wait3A_660 = arith.constant 0 : i32
      %dma_wait3A_661 = tpu.memref_slice %arg2[%dma_wait3A_659, %dma_wait3A_660] : memref<100000x128xf32, #tpu.memory_space<hbm>> -> memref<32x128xf32, #tpu.memory_space<hbm>>
      tpu.wait_dma2 semaphore(%arg44 : memref<!tpu.dma_semaphore, #tpu.memory_space<semaphore_mem>>) src(%dma_wait3A_661 : memref<32x128xf32, #tpu.memory_space<hbm>>) dst(%arg21 : memref<32x128xf32, #tpu.memory_space<vmem>>)
      "tpu.region"() ({
        %run_scoped3A = tpu.sem_alloc : memref<!tpu.dma_semaphore, #tpu.memory_space<semaphore_mem>>
        %dma_start3A_662 = arith.constant 0 : i32
        %dma_start3A_663 = arith.constant 0 : i32
        %dma_start3A_664 = tpu.memref_slice %arg22[%dma_start3A_662, %dma_start3A_663] : memref<64x128xf32, #tpu.memory_space<vmem_shared>> -> memref<64x128xf32, #tpu.memory_space<vmem_shared>>
        tpu.enqueue_indirect_dma source(%arg21 : memref<32x128xf32, #tpu.memory_space<vmem>>) target(%dma_start3A_664 : memref<64x128xf32, #tpu.memory_space<vmem_shared>>) offsets(%arg20 : memref<32xi32, #tpu.memory_space<vmem>>) semaphore(%run_scoped3A : memref<!tpu.dma_semaphore, #tpu.memory_space<semaphore_mem>>) {add = true}
        %dma_wait3A_665 = arith.constant 0 : i32
        %dma_wait3A_666 = arith.constant 0 : i32
        %dma_wait3A_667 = tpu.memref_slice %arg22[%dma_wait3A_665, %dma_wait3A_666] : memref<64x128xf32, #tpu.memory_space<vmem_shared>> -> memref<64x128xf32, #tpu.memory_space<vmem_shared>>
        tpu.wait_indirect_dma semaphore(%run_scoped3A : memref<!tpu.dma_semaphore, #tpu.memory_space<semaphore_mem>>) src(%arg21 : memref<32x128xf32, #tpu.memory_space<vmem>>) dst(%dma_wait3A_667 : memref<64x128xf32, #tpu.memory_space<vmem_shared>>)
        tpu.yield
      }) : () -> ()
    } else {
    }
    %barrier3A_644 = arith.constant 0 : index
    tpu.barrier barrier_id(%barrier3A_644)
    %eq3A_645 = arith.constant 0 : i32
    %eq3A_646 = arith.cmpi eq, %arg1, %eq3A_645 : i32
    %convert_element_type3A_647 = arith.extui %eq3A_646 : i1 to i32
    %cond3A_648 = arith.constant 0 : i32
    %cond3A_649 = arith.cmpi ne, %convert_element_type3A_647, %cond3A_648 : i32
    scf.if %cond3A_649 {
      "tpu.region"() ({
        %run_scoped3A = tpu.sem_alloc : memref<!tpu.dma_semaphore, #tpu.memory_space<semaphore_mem>>
        %dma_start3A_650 = arith.constant 0 : i32
        %dma_start3A_651 = arith.constant 0 : i32
        %dma_start3A_652 = tpu.memref_slice %arg5[%arg0, %dma_start3A_650, %dma_start3A_651] : memref<2x64x128xf32, #tpu.memory_space<hbm>> -> memref<1x64x128xf32, #tpu.memory_space<hbm>>
        %dma_start3A_653 = tpu.memref_squeeze %dma_start3A_652 : memref<1x64x128xf32, #tpu.memory_space<hbm>> -> memref<64x128xf32, #tpu.memory_space<hbm>>
        tpu.enqueue_dma source(%arg22 : memref<64x128xf32, #tpu.memory_space<vmem_shared>>) target(%dma_start3A_653 : memref<64x128xf32, #tpu.memory_space<hbm>>) target_semaphore(%run_scoped3A : memref<!tpu.dma_semaphore, #tpu.memory_space<semaphore_mem>>)
        %dma_wait3A_654 = arith.constant 0 : i32
        %dma_wait3A_655 = arith.constant 0 : i32
        %dma_wait3A_656 = tpu.memref_slice %arg5[%arg0, %dma_wait3A_654, %dma_wait3A_655] : memref<2x64x128xf32, #tpu.memory_space<hbm>> -> memref<1x64x128xf32, #tpu.memory_space<hbm>>
        %dma_wait3A_657 = tpu.memref_squeeze %dma_wait3A_656 : memref<1x64x128xf32, #tpu.memory_space<hbm>> -> memref<64x128xf32, #tpu.memory_space<hbm>>
        tpu.wait_dma2 semaphore(%run_scoped3A : memref<!tpu.dma_semaphore, #tpu.memory_space<semaphore_mem>>) src(%arg22 : memref<64x128xf32, #tpu.memory_space<vmem_shared>>) dst(%dma_wait3A_657 : memref<64x128xf32, #tpu.memory_space<hbm>>)
        tpu.yield
      }) : () -> ()
    } else {
    }
    return
  }
}

</mosaic_0001>

<sc_bundles>
// kernel: _segsum.3.cloned.1.call-start
scs
__scs_entry_jumppad:
0x0: {  	(pc) =	sbr.rel $0x88, $3  }
0x1: {  	(tag) =	ssettag $0x0;
	lr =	simm.s32 $0x1  }
0x2: {  	[smem:$0x3F9E] =	sst lr;
	_ =	strace $0xD0000000  }
0x3: {  	_ = 	snop  }
0x4: {  	_ = 	snop  }
0x5: {  	_ = 	snop  }
0x6: {  	_ = 	snop  }
0x7: {  	_ = 	snop  }
__scs_overlays_trampoline_lowered:
0x8: {  	[smem:$0x3FAD] =	sst s0  }
0x9: {  	[smem:$0x3FAE] =	sst s1  }
0xa: {  	[smem:$0x3FAF] =	sst s2  }
0xb: {  	[smem:$0x3FB0] =	sst s3  }
0xc: {  	[smem:$0x3FB1] =	sst s4  }
0xd: {  	[smem:$0x3FB2] =	sst s5  }
0xe: {  	[smem:$0x3FB3] =	sst s6  }
0xf: {  	[smem:$0x3FB4] =	sst s7  }
0x10: {  	[smem:$0x3FB5] =	sst s8  }
0x11: {  	[smem:$0x3FB6] =	sst s9;
	s0 =	simm.s32 @!p0 $0x0  }
0x12: {  	s1 =	sld [smem:$0x3F9C];
	s0 =	simm.s32 @p0 $0x1  }
0x13: {  	[smem:$0x3FB7] =	sst s0;
	s0 =	simm.s32 @!p1 $0x0  }
0x14: {  	s2 =	sld [smem:$0x3F9B];
	s0 =	simm.s32 @p1 $0x1  }
0x15: {  	[smem:$0x3FB8] =	sst s0;
	s0 =	simm.s32 @!p2 $0x0  }
0x16: {  	s3 =	sld [smem:$0x3FDB];
	s0 =	simm.s32 @p2 $0x1  }
0x17: {  	s4 =	simm.s32 $0x1BF5;
	[smem:$0x3FBA] =	sst s0  }
0x18: {  	s0 =	sld [smem:$0x3F9D];
	_ =	swait.ge [sflag:s4], $0x0  }
0x19: {  	s7 =	sld [smem:$0x3F9E]  }
0x1a: {  	s8 =	sadd.s32 $0xFFFFE003, lr  }
0x1b: {  	s9 =	sadd.s32 $0xFFFFFEF7, lr;
	s5 =	simm.s32 $0xFFFFFFFF;
	p2 =	slt.u32 s8, $0xFFFFF086  }
0x1c: {  	p1 =	slt.u32 s9, $0xF7A;
	s5 =	simm.s32 @!p2 $0x0  }
0x1d: {  	s5 =	simm.s32 @p1 $0x1;
	p0 =	seq.s32 s7, s2  }
0x1e: {  	s7 =	smul.u32 @!p0 $0xF7A, s2;
	p2 =	seq.s32 @!p0 s5, $0x0  }
0x1f: {  	s9 =	smul.u32 $0xF7A, s1;
	s8 =	simm.s32 @!p0 $0x1BF5;
	p2 =	por !p2, p0  }
0x20: {  	[sflag:s8] =	ssyncset.s32 @!p0 $0xFFFFF086;
	s6 =	sadd.s32 @!p0 s3, s7;
	s7 =	simm.s32 @!p0 $0x108  }
0x21: {  	s3 =	sadd.s32 s3, s9;
	s6 =	sadd.s32 @!p0 $0x88, s6;
	s7 =	simm.s32 @p2 $0x1082  }
0x22: {  	[simem:s7], [sflag:s8] =	dma.local @!p0 [hbm:s6], $0xF7A  }
0x23: {  	s9 =	sor.u32 $0xD0000000, s2;
	s6 =	simm.s32 $0x108;
	_ =	swait.ge @!p0 [sflag:s8], $0x0  }
0x24: {  	s3 =	sadd.s32 $0x88, s3;
	s6 =	simm.s32 @!p1 $0x1082;
	[sflag:s4] =	ssyncset.s32 $0xFFFFF086  }
0x25: {  	[simem:s6], [sflag:s4] =	dma.local [hbm:s3], $0xF7A  }
0x26: {  	[smem:$0x3F9E] =	sst s1;
	(tag) =	ssettag s2;
	_ =	strace s9  }
0x27: {  	s1 =	sld [smem:$0x3FAE]  }
0x28: {  	s2 =	sld [smem:$0x3FAF]  }
0x29: {  	s4 =	sld [smem:$0x3FB1]  }
0x2a: {  	p0 =	seq.s32 s5, $0x0;
	s5 =	sld [smem:$0x3FB2]  }
0x2b: {  	s6 =	sld [smem:$0x3FB3]  }
0x2c: {  	s7 =	sld [smem:$0x3FB4]  }
0x2d: {  	s3 =	simm.s32 $0x108;
	s8 =	sld [smem:$0x3FB5]  }
0x2e: {  	s3 =	simm.s32 @!p0 $0x1082;
	s9 =	sld [smem:$0x3FB6]  }
0x2f: {  	lr =	sadd.s32 s0, s3;
	s0 =	sld [smem:$0x3FAD]  }
0x30: {  	s3 =	sld [smem:$0x3FB0]  }
0x31: {  	[smem:$0x3FB9] =	sst s10  }
0x32: {  	s10 =	sld [smem:$0x3FB7];
	_ =	sdelay $0x3  }
0x33: {  	p0 =	seq.s32 s10, $0x1;
	s10 =	sld [smem:$0x3FB9];
	_ =	sdelay $0x3  }
0x34: {  	[smem:$0x3FB9] =	sst s10  }
0x35: {  	s10 =	sld [smem:$0x3FB8];
	_ =	sdelay $0x3  }
0x36: {  	p1 =	seq.s32 s10, $0x1;
	s10 =	sld [smem:$0x3FB9];
	_ =	sdelay $0x3  }
0x37: {  	[smem:$0x3FB9] =	sst s10  }
0x38: {  	s10 =	sld [smem:$0x3FBA]  }
0x39: {  	_ = 	snop;
	(pc) =	sbr.ind lr, $3  }
0x3a: {  	_ = 	snop  }
0x3b: {  	_ = 	snop  }
0x3c: {  	p2 =	seq.s32 s10, $0x1;
	s10 =	sld [smem:$0x3FB9]  }
0x3d: {  	_ =	shalt  }
0x3e: {  	_ =	shalt  }
0x3f: {  	_ =	shalt  }
0x40: {  	_ =	shalt  }
0x41: {  	_ =	shalt  }
0x42: {  	_ =	shalt  }
0x43: {  	_ =	shalt  }
0x44: {  	_ =	shalt  }
0x45: {  	_ =	shalt  }
0x46: {  	_ =	shalt  }
0x47: {  	_ =	shalt  }
0x48: {  	_ =	shalt  }
0x49: {  	_ =	shalt  }
0x4a: {  	_ =	shalt  }
0x4b: {  	_ =	shalt  }
0x4c: {  	_ =	shalt  }
0x4d: {  	_ =	shalt  }
0x4e: {  	_ =	shalt  }
0x4f: {  	_ =	shalt  }
0x50: {  	_ =	shalt  }
0x51: {  	_ =	shalt  }
0x52: {  	_ =	shalt  }
0x53: {  	_ =	shalt  }
0x54: {  	_ =	shalt  }
0x55: {  	_ =	shalt  }
0x56: {  	_ =	shalt  }
0x57: {  	_ =	shalt  }
0x58: {  	_ =	shalt  }
0x59: {  	_ =	shalt  }
0x5a: {  	_ =	shalt  }
0x5b: {  	_ =	shalt  }
0x5c: {  	_ =	shalt  }
0x5d: {  	_ =	shalt  }
0x5e: {  	_ =	shalt  }
0x5f: {  	_ =	shalt  }
0x60: {  	_ =	shalt  }
0x61: {  	_ =	shalt  }
0x62: {  	_ =	shalt  }
0x63: {  	_ =	shalt  }
0x64: {  	_ =	shalt  }
0x65: {  	_ =	shalt  }
0x66: {  	_ =	shalt  }
0x67: {  	_ =	shalt  }
0x68: {  	_ =	shalt  }
0x69: {  	_ =	shalt  }
0x6a: {  	_ =	shalt  }
0x6b: {  	_ =	shalt  }
0x6c: {  	_ =	shalt  }
0x6d: {  	_ =	shalt  }
0x6e: {  	_ =	shalt  }
0x6f: {  	_ =	shalt  }
0x70: {  	_ =	shalt  }
0x71: {  	_ =	shalt  }
0x72: {  	_ =	shalt  }
0x73: {  	_ =	shalt  }
0x74: {  	_ =	shalt  }
0x75: {  	_ =	shalt  }
0x76: {  	_ =	shalt  }
0x77: {  	_ =	shalt  }
0x78: {  	_ =	shalt  }
0x79: {  	_ =	shalt  }
0x7a: {  	_ =	shalt  }
0x7b: {  	_ =	shalt  }
0x7c: {  	_ =	shalt  }
0x7d: {  	_ =	shalt  }
0x7e: {  	_ =	shalt  }
0x7f: {  	_ =	shalt  }
0x80: {  	_ =	shalt  }
0x81: {  	_ =	shalt  }
0x82: {  	_ =	shalt  }
0x83: {  	_ =	shalt  }
0x84: {  	_ =	shalt  }
0x85: {  	_ =	shalt  }
0x86: {  	_ =	shalt  }
0x87: {  	_ =	shalt  }
.Lfunc_end0:
.L_simem_size_0:
called_computation_lowered:
.L_overlay_start_0:
0x88: {  	s2 =	sld [smem:$0x3FD9]  }
0x89: {  	s3 =	sld [smem:$0x3FFE];
	_ =	sdelay $0x1  }
0x8a: {  	s1 =	srdreg.scid  }
0x8b: {  	s0 =	sand.u32 $0x1, s1  }
0x8c: {  	s17 =	sshll.u32 s0, $0xA;
	s2 =	sadd.s32 s3, s2  }
0x8d: {  	s2 =	sadd.s32 s2, s17  }
0x8e: {  	[smem:$0x3FC5] =	sst s2  }
0x8f: {  	_ = 	snop  }
0x90: {  	s2 =	sld [smem:$0x3FC9]  }
0x91: {  	s18 =	sld [smem:$0x3FC8]  }
0x92: {  	s4 =	sld [smem:$0x3FC7];
	(tm) =	ssettm $0x1  }
0x93: {  	s5 =	sld [smem:$0x3FFB];
	_ =	sdelay $0x3  }
0x94: {  	_ =	strace s5  }
0x95: {  	s5 =	sld [smem:$0x3FFC];
	_ =	sdelay $0x3  }
0x96: {  	_ =	strace s5  }
0x97: {  	s5 =	sld [smem:$0x3FFD];
	_ =	sdelay $0x3  }
0x98: {  	_ =	strace s5  }
0x99: {  	_ =	strace $0x8FFFFFFF  }
0x9a: {  	s19 =	sld [smem:$0x3FDB];
	_ =	sdelay $0x1  }
0x9b: {  	s6 =	simm.s32 $_scs_section_size  }
0x9c: {  	s7 =	simm.s32 $_size__tile_overlayer_lowered;
	s8 =	simm.s32 $_tile_overlayer_lowered  }
0x9d: {  	s22 =	simm.s32 $0x1BFF;
	s21 =	sshll.u32 s8, $0x1;
	s5 =	sadd.s32 s6, s19  }
0x9e: {  	s9 =	simm.s32 $0x0;
	s20 =	sshll.u32 s7, $0x1;
	s7 =	sadd.s32 s21, s5  }
0x9f: {  	[timem:s9], [sflag:s22] =	dma.local [hbm:s7], s20  }
0xa0: {  	_ =	swait.ge [sflag:s22], s20  }
0xa1: {  	s6 =	ssub.s32 $0x0, s20;
	[sflag:s22] =	ssyncset.done $0x0  }
0xa2: {  	[sflag:s22] =	ssyncadd.s32 s6;
	_ =	sdelay $0x1  }
0xa3: {  	s23 =	simm.s32 $0x1B8B  }
0xa4: {  	_ =	swait.ge [sflag:s23], $0x1  }
0xa5: {  	[sflag:s23] =	ssyncset.done $0x0  }
0xa6: {  	s25 =	simm.s32 $0x1B8E;
	s24 =	sld [smem:$0x3FFE];
	[sflag:s23] =	ssyncadd.s32 $0xFFFFFFFF  }
0xa7: {  	s26 =	simm.s32 $execute0_lowered;
	[smem:$0x3FD2] =	sst s25  }
0xa8: {  	s7 =	sshll.u32 s26, $0x1;
	_ =	strace $0x80000046;
	[dreg:$0x1] =	wrdreg $0xFFFFFFFF  }
0xa9: {  	s28 =	simm.s32 $_size_execute0_lowered;
	s5 =	sadd.s32 s5, s7;
	[dreg:$0x0] =	wrdreg $0x0  }
0xaa: {  	s7 =	sshll.u32 s28, $0x1;
	[dreg:$0x2] =	wrdreg s5  }
0xab: {  	[dreg:$0x3] =	wrdreg s7  }
0xac: {  	[dreg:$0x4] =	wrdreg $0xC0  }
0xad: {  	_ =	task [dreg:s9], $0x5FFFF  }
0xae: {  	[dreg:$0x1] =	wrdreg $0xFFFFFFFF  }
0xaf: {  	[dreg:$0x0] =	wrdreg $0x60  }
0xb0: {  	[dreg:$0x2] =	wrdreg s2  }
0xb1: {  	[dreg:$0x3] =	wrdreg s18  }
0xb2: {  	[dreg:$0x4] =	wrdreg s4  }
0xb3: {  	[dreg:$0x5] =	wrdreg s24  }
0xb4: {  	[dreg:$0x6] =	wrdreg $0x1D4000  }
0xb5: {  	[dreg:$0x7] =	wrdreg $0x9  }
0xb6: {  	_ =	task.clear_ibuf [dreg:s9], $0x8FFFF;
	_ =	strace $0x90000046  }
0xb7: {  	s29 =	simm.s32 $0x9;
	_ =	strace $0x80000048  }
0xb8: {  	_ =	swait.ge [sflag:s29], $0x1  }
0xb9: {  	[sflag:s29] =	ssyncadd.s32 $0xFFFFFFFF  }
0xba: {  	_ =	strace $0x90000048  }
0xbb: {  	_ =	sfence  }
0xbc: {  	s30 =	sld [smem:$0x0];
	_ =	sdelay $0x2  }
0xbd: {  	s31 =	sshll.u32 s1, $0xD;
	s1 =	sshrl.u32 s1, $0x2  }
0xbe: {  	s3 =	sand.u32 $0x4000, s31;
	s1 =	sadd.s32 s1, s30  }
0xbf: {  	s0 =	sor.u32 s3, s0;
	s1 =	sshll.u32 s1, $0x11  }
0xc0: {  	s0 =	sor.u32 s1, s0  }
0xc1: {  	s0 =	sadd.s32 $0x8F2B, s0  }
0xc2: {  	[sflag:s0] =	ssyncadd.remote.s32 $0x1  }
0xc3: {  	_ =	sfence.sel $0xFFFF  }
0xc4: {  	[dreg:$0x0] =	wrdreg $0xFFFFFFFF;
	(pc) =	sbr.abs _section_cstart, $3  }
0xc5: {  	[dreg:$0x1] =	wrdreg $0xFFFFFFFF  }
0xc6: {  	_ =	task.clear_ibuf [dreg:s9], $0x2FFFF;
	_ =	strace $0x9FFFFFFF  }
0xc7: {  	(tm) =	ssettm $0x7FFFFFFF  }
tec
execute0_lowered:
.L_overlay_start_1:
0x0: {  	(tag) =	ssettag $0x1  }
0x1: {  	s3 =	rddreg [dreg:$0x0]  }
0x2: {  	s5 =	rddreg [dreg:$0x1]  }
0x3: {  	s0 =	rddreg [dreg:$0x2]  }
0x4: {  	s6 =	rddreg [dreg:$0x3]  }
0x5: {  	s22 =	rddreg [dreg:$0x4]  }
0x6: {  	s18 =	srdreg.scid;
	s4 =	stileid.u32;
	s2 =	simm.s32 $0x0  }
0x7: {  	s30 =	simm.s32 $0x180;
	s31 =	simm.s32 $0x10380;
	s29 =	simm.s32 $0x18380  }
0x8: {  	p3 =	por $0x0, $0x0;
	s28 =	simm.s32 $0xD;
	[dreg:$0x6] =	wrdreg s0  }
0x9: {  	s7 =	sand.u32 $0x1, s18;
	s19 =	sshll.u32 s4, $0x1;
	[smem:$0x7FF] =	sst s2  }
0xa: {  	p0 =	sne.s32 s4, $0x0;
	s4 =	simm.s32 $0x80;
	s0 =	sor.u32 s7, s19  }
0xb: {  	_ =	strace $0x80000047;
	s8 =	sshll.u32 s0, $0xB;
	s10 =	sshll.u32 s0, $0x4  }
0xc: {  	p1 =	sgt.u32 s0, $0xC;
	s9 =	sadd.s32 s3, s8;
	s8 =	sshll.u32 s0, $0x7  }
0xd: {  	s20 =	sadd.s32 s5, s10;
	p2 =	sne.s32 @p1 s0, $0x1F;
	[dreg:$0x7] =	wrdreg s9  }
0xe: {  	s21 =	sor.u32 $0x1000, s8;
	[dreg:$0x8] =	wrdreg s20;
	s11 =	sor.u32 $0x2000, s8  }
0xf: {  	s12 =	sor.u32 $0x3000, s8;
	s14 =	sor.u32 $0x4000, s8;
	s20 =	sor.u32 $0x5000, s8  }
0x10: {  	p2 =	por p2, !p1;
	s23 =	sshll.u32 s21, $0x4;
	s10 =	sshrl.u32 s21, $0x3  }
0x11: {  	s25 =	sshll.u32 s11, $0x4;
	s1 =	sshrl.u32 s11, $0x3;
	s13 =	sshll.u32 s12, $0x4  }
0x12: {  	s16 =	sshll.u32 s14, $0x4;
	s18 =	sshrl.u32 s14, $0x3;
	s21 =	sshll.u32 s20, $0x4  }
0x13: {  	s14 =	sor.u32 $0x8000, s8;
	s9 =	sadd.s32 s3, s23;
	s24 =	sadd.s32 s5, s10  }
0x14: {  	s26 =	sadd.s32 s3, s25;
	s11 =	sadd.s32 s5, s1;
	[dreg:$0x9] =	wrdreg s9  }
0x15: {  	s10 =	sshrl.u32 s12, $0x3;
	s17 =	sadd.s32 s3, s16;
	[dreg:$0xa] =	wrdreg s24  }
0x16: {  	s19 =	sadd.s32 s5, s18;
	s23 =	sor.u32 $0x6000, s8;
	[dreg:$0xb] =	wrdreg s26  }
0x17: {  	s12 =	sor.u32 $0x7000, s8;
	s16 =	sshll.u32 s14, $0x4;
	[dreg:$0xc] =	wrdreg s11  }
0x18: {  	s18 =	sshrl.u32 s14, $0x3;
	s14 =	sor.u32 $0xC000, s8;
	[dreg:$0xf] =	wrdreg s17  }
0x19: {  	s9 =	sadd.s32 s3, s13;
	s15 =	sadd.s32 s5, s10;
	[dreg:$0x10] =	wrdreg s19  }
0x1a: {  	s10 =	sshrl.u32 s20, $0x3;
	s25 =	sshll.u32 s23, $0x4;
	s1 =	sshrl.u32 s23, $0x3  }
0x1b: {  	s13 =	sshll.u32 s12, $0x4;
	s17 =	sadd.s32 s3, s16;
	s19 =	sadd.s32 s5, s18  }
0x1c: {  	s20 =	sor.u32 $0x9000, s8;
	s23 =	sor.u32 $0xA000, s8;
	s16 =	sshll.u32 s14, $0x4  }
0x1d: {  	s18 =	sshrl.u32 s14, $0x3;
	s14 =	sor.u32 $0x10000, s8;
	[dreg:$0xd] =	wrdreg s9  }
0x1e: {  	[dreg:$0xe] =	wrdreg s15;
	s9 =	sadd.s32 s3, s21;
	s24 =	sadd.s32 s5, s10  }
0x1f: {  	s26 =	sadd.s32 s3, s25;
	s11 =	sadd.s32 s5, s1;
	[dreg:$0x17] =	wrdreg s17  }
0x20: {  	s10 =	sshrl.u32 s12, $0x3;
	[dreg:$0x18] =	wrdreg s19;
	s21 =	sshll.u32 s20, $0x4  }
0x21: {  	s25 =	sshll.u32 s23, $0x4;
	s1 =	sshrl.u32 s23, $0x3;
	s12 =	sor.u32 $0xB000, s8  }
0x22: {  	s17 =	sadd.s32 s3, s16;
	s19 =	sadd.s32 s5, s18;
	[dreg:$0x11] =	wrdreg s9  }
0x23: {  	s23 =	sor.u32 $0xE000, s8;
	s16 =	sshll.u32 s14, $0x4;
	[dreg:$0x12] =	wrdreg s24  }
0x24: {  	s18 =	sshrl.u32 s14, $0x3;
	s14 =	sor.u32 $0x14000, s8;
	[dreg:$0x13] =	wrdreg s26  }
0x25: {  	[dreg:$0x14] =	wrdreg s11;
	s9 =	sadd.s32 s3, s13;
	s15 =	sadd.s32 s5, s10  }
0x26: {  	s10 =	sshrl.u32 s20, $0x3;
	s26 =	sadd.s32 s3, s25;
	s11 =	sadd.s32 s5, s1  }
0x27: {  	s13 =	sshll.u32 s12, $0x4;
	[dreg:$0x1f] =	wrdreg s17;
	s20 =	sor.u32 $0xD000, s8  }
0x28: {  	[smem:$0x7E1] =	sst s19;
	s25 =	sshll.u32 s23, $0x4;
	s1 =	sshrl.u32 s23, $0x3  }
0x29: {  	s17 =	sadd.s32 s3, s16;
	s19 =	sadd.s32 s5, s18;
	[dreg:$0x15] =	wrdreg s9  }
0x2a: {  	s23 =	sor.u32 $0x12000, s8;
	s16 =	sshll.u32 s14, $0x4;
	[dreg:$0x16] =	wrdreg s15  }
0x2b: {  	s18 =	sshrl.u32 s14, $0x3;
	s9 =	sadd.s32 s3, s21;
	[dreg:$0x1b] =	wrdreg s26  }
0x2c: {  	s24 =	sadd.s32 s5, s10;
	[dreg:$0x1c] =	wrdreg s11;
	s10 =	sshrl.u32 s12, $0x3  }
0x2d: {  	s21 =	sshll.u32 s20, $0x4;
	s26 =	sadd.s32 s3, s25;
	[smem:$0x7E8] =	sst s17  }
0x2e: {  	s11 =	sadd.s32 s5, s1;
	s12 =	sor.u32 $0xF000, s8;
	[smem:$0x7E9] =	sst s19  }
0x2f: {  	s25 =	sshll.u32 s23, $0x4;
	s1 =	sshrl.u32 s23, $0x3;
	[dreg:$0x19] =	wrdreg s9  }
0x30: {  	s17 =	sadd.s32 s3, s16;
	s19 =	sadd.s32 s5, s18;
	[dreg:$0x1a] =	wrdreg s24  }
0x31: {  	s23 =	sor.u32 $0x16000, s8;
	s9 =	sadd.s32 s3, s13;
	[smem:$0x7E4] =	sst s26  }
0x32: {  	s15 =	sadd.s32 s5, s10;
	s10 =	sshrl.u32 s20, $0x3;
	[smem:$0x7E5] =	sst s11  }
0x33: {  	s13 =	sshll.u32 s12, $0x4;
	s20 =	sor.u32 $0x11000, s8;
	[smem:$0x7F0] =	sst s17  }
0x34: {  	s26 =	sadd.s32 s3, s25;
	s11 =	sadd.s32 s5, s1;
	[smem:$0x7F1] =	sst s19  }
0x35: {  	s25 =	sshll.u32 s23, $0x4;
	s1 =	sshrl.u32 s23, $0x3;
	[dreg:$0x1d] =	wrdreg s9  }
0x36: {  	s23 =	simm.s32 $0x380;
	[dreg:$0x1e] =	wrdreg s15;
	s9 =	sadd.s32 s3, s21  }
0x37: {  	s24 =	sadd.s32 s5, s10;
	s10 =	sshrl.u32 s12, $0x3;
	[smem:$0x7EC] =	sst s26  }
0x38: {  	s21 =	sshll.u32 s20, $0x4;
	s12 =	sor.u32 $0x13000, s8;
	[smem:$0x7ED] =	sst s11  }
0x39: {  	s26 =	sadd.s32 s3, s25;
	s11 =	sadd.s32 s5, s1;
	[smem:$0x7E2] =	sst s9  }
0x3a: {  	s1 =	simm.s32 $0x100;
	s25 =	simm.s32 $0x14380;
	[smem:$0x7E3] =	sst s24  }
0x3b: {  	s9 =	sadd.s32 s3, s13;
	s15 =	sadd.s32 s5, s10;
	[smem:$0x7F4] =	sst s26  }
0x3c: {  	s10 =	sshrl.u32 s20, $0x3;
	s13 =	sshll.u32 s12, $0x4;
	[smem:$0x7F5] =	sst s11  }
0x3d: {  	s20 =	sor.u32 $0x15000, s8;
	s26 =	simm.s32 $0x280;
	[smem:$0x7E6] =	sst s9  }
0x3e: {  	s11 =	simm.s32 $0x3;
	[smem:$0x7E7] =	sst s15;
	s9 =	sadd.s32 s3, s21  }
0x3f: {  	s24 =	sadd.s32 s5, s10;
	s10 =	sshrl.u32 s12, $0x3;
	s21 =	sshll.u32 s20, $0x4  }
0x40: {  	s12 =	sor.u32 $0x17000, s8;
	s8 =	sor.u32 $0x18000, s8;
	[smem:$0x7EA] =	sst s9  }
0x41: {  	[smem:$0x7EB] =	sst s24;
	s9 =	sadd.s32 s3, s13;
	s15 =	sadd.s32 s5, s10  }
0x42: {  	s10 =	sshrl.u32 s20, $0x3;
	s13 =	sshll.u32 s7, $0xA;
	s14 =	sshll.u32 s12, $0x4  }
0x43: {  	s16 =	sshll.u32 s8, $0x4;
	s8 =	sshrl.u32 s8, $0x3;
	[smem:$0x7EE] =	sst s9  }
0x44: {  	s7 =	ssub.s32 $0x2, s7;
	[smem:$0x7EF] =	sst s15;
	s9 =	sadd.s32 s3, s21  }
0x45: {  	s24 =	sadd.s32 s5, s10;
	s10 =	sshrl.u32 s12, $0x3;
	s17 =	sadd.s32 s3, s16  }
0x46: {  	s6 =	sadd.s32 s13, s6;
	s8 =	sadd.s32 s5, s8;
	[smem:$0x7F2] =	sst s9  }
0x47: {  	s18 =	sshrl.u32 s7, $0x1;
	s16 =	simm.s32 $0x1;
	[smem:$0x7F3] =	sst s24  }
0x48: {  	s13 =	simm.s32 $0x9;
	s12 =	simm.s32 $0xF;
	[smem:$0x7F8] =	sst s17  }
0x49: {  	s9 =	sadd.s32 s3, s14;
	s15 =	sadd.s32 s5, s10;
	[smem:$0x7F9] =	sst s8  }
0x4a: {  	s5 =	sadd.s32 $0x30D0, s5;
	s3 =	sadd.s32 $0x186800, s3;
	s19 =	ssub.s32 s7, s18  }
0x4b: {  	s20 =	sadd.s32 $0x400, s6;
	s6 =	simm.s32 $0x300;
	s21 =	smax.u32 s19, $0x1  }
0x4c: {  	s14 =	simm.s32 $0x2;
	[smem:$0x7F6] =	sst s9;
	s0 =	sadd.s32 $0xFFFFFFFF, s21  }
0x4d: {  	s10 =	simm.s32 $0xA;
	[smem:$0x7F7] =	sst s15;
	p4 =	sne.s32 s0, $0x0  }
.Ltmp0:
0x4e: {  	s24 =	simm.s32 $0x10;
	[smem:$0x7FA] =	sst s5;
	(pc) =	sbr.rel @!p4 .LBB2_1-.Ltmp0, $4  }
0x4f: {  	s18 =	simm.s32 $0x7;
	s8 =	simm.s32 $0xE;
	[smem:$0x7FB] =	sst s3  }
0x50: {  	s17 =	simm.s32 $0x14;
	s7 =	sshrl.u32 @!p0 s22, $0x3;
	[smem:$0x7FC] =	sst s20  }
0x51: {  	s19 =	simm.s32 $0x4380;
	s9 =	simm.s32 $0x8380;
	s5 =	rddreg [dreg:$0x7]  }
0x52: {  	s15 =	simm.s32 $0x8;
	s20 =	simm.s32 $0x13;
	[smem:$0x7FD] =	sst s7  }
0x53: {  	s30 =	rddreg [dreg:$0x6]  }
0x54: {  	s19 =	simm.s32 $0x380;
	[smem:$0x7E0] =	sst s0  }
0x55: {  	[tilespmem:s19], [sflag:$0x1] =	stream.linear.gather [hbm4b:s5+s2], $0x4000, $0x38;
	[tilespmem:$0x1D600] =	vst v63  }
0x56: {  	s31 =	rddreg [dreg:$0x8]  }
0x57: {  	[tilespmem:s2], [sflag:$0x8] =	stream.linear.gather [hbm4b:s31+s2], $0x80, $0x38;
	[tilespmem:$0x1D600] =	vst v63  }
0x58: {  	s9 =	simm.s32 $0x4380;
	s21 =	rddreg [dreg:$0x9]  }
0x59: {  	[tilespmem:s9], [sflag:$0x2] =	stream.linear.gather [hbm4b:s21+s2], $0x4000, $0x38;
	[tilespmem:$0x1D600] =	vst v63  }
0x5a: {  	s26 =	rddreg [dreg:$0xa]  }
0x5b: {  	[tilespmem:s4], [sflag:$0x9] =	stream.linear.gather [hbm4b:s26+s2], $0x80, $0x38;
	[tilespmem:$0x1D600] =	vst v63  }
0x5c: {  	s1 =	simm.s32 $0x8380;
	s29 =	rddreg [dreg:$0xb]  }
0x5d: {  	[tilespmem:s1], [sflag:$0x3] =	stream.linear.gather [hbm4b:s29+s2], $0x4000, $0x38;
	[tilespmem:$0x1D600] =	vst v63  }
0x5e: {  	s3 =	simm.s32 $0x100;
	s31 =	rddreg [dreg:$0xc]  }
0x5f: {  	[tilespmem:s3], [sflag:$0xA] =	stream.linear.gather [hbm4b:s31+s2], $0x80, $0x38;
	[tilespmem:$0x1D600] =	vst v63  }
0x60: {  	s19 =	simm.s32 $0xC380;
	s1 =	rddreg [dreg:$0xd]  }
0x61: {  	[tilespmem:s19], [sflag:$0x4] =	stream.linear.gather [hbm4b:s1+s2], $0x4000, $0x38;
	[tilespmem:$0x1D600] =	vst v63  }
0x62: {  	s25 =	simm.s32 $0x180;
	s9 =	rddreg [dreg:$0xe]  }
0x63: {  	[tilespmem:s25], [sflag:$0xB] =	stream.linear.gather [hbm4b:s9+s2], $0x80, $0x38;
	[tilespmem:$0x1D600] =	vst v63  }
0x64: {  	s0 =	simm.s32 @!p0 $0x17;
	s21 =	rddreg [dreg:$0xf];
	s26 =	simm.s32 $0x10380  }
0x65: {  	[tilespmem:s26], [sflag:$0x5] =	stream.linear.gather [hbm4b:s21+s2], $0x4000, $0x38;
	[tilespmem:$0x1D600] =	vst v63  }
0x66: {  	s29 =	simm.s32 $0x200;
	s31 =	rddreg [dreg:$0x10];
	s1 =	simm.s32 @!p0 $0x1C17  }
0x67: {  	[tilespmem:s29], [sflag:$0xC] =	stream.linear.gather [hbm4b:s31+s2], $0x80, $0x38;
	[tilespmem:$0x1D600] =	vst v63  }
0x68: {  	[spmem:s7], [sflag:s1] =	dma.local @!p0 [hbm:s30], $0x400  }
0x69: {  	_ =	swait.ge @!p0 [sflag:s0], $0x400  }
0x6a: {  	[sflag:s0] =	ssyncset.done @!p0 $0x0  }
0x6b: {  	[sflag:s0] =	ssyncadd.s32 @!p0 $0xFFFFFC00  }
0x6c: {  	[bflag:$0x0] =	sbarrier.arrive $0xFFFF  }
0x6d: {  	s3 =	simm.s32 $0x14380;
	s0 =	rddreg [dreg:$0x11]  }
0x6e: {  	[tilespmem:s3], [sflag:$0x6] =	stream.linear.gather [hbm4b:s0+s2], $0x4000, $0x38;
	[tilespmem:$0x1D600] =	vst v63  }
0x6f: {  	s9 =	simm.s32 $0x280;
	s1 =	rddreg [dreg:$0x12]  }
0x70: {  	[tilespmem:s9], [sflag:$0xD] =	stream.linear.gather [hbm4b:s1+s2], $0x80, $0x38;
	[tilespmem:$0x1D600] =	vst v63  }
0x71: {  	_ =	swait.ge [sflag:s16], $0x4000  }
0x72: {  	[sflag:s16] =	ssyncset.done $0x0  }
0x73: {  	[sflag:s16] =	ssyncadd.s32 $0xFFFFC000  }
0x74: {  	_ =	swait.ge [sflag:s15], $0x80  }
0x75: {  	[sflag:s15] =	ssyncset.done $0x0  }
0x76: {  	s16 =	simm.s32 $0x380;
	[sflag:s15] =	ssyncadd.s32 $0xFFFFFF80  }
0x77: {  	[spmem:s22] =	stream.indirect.scatter.add.f32 [tilespmem:s16], [sflag:$0xF], $0x80, s2, s4, $0xb8;
	[tilespmem:$0x1D600] =	vst v63  }
0x78: {  	s23 =	simm.s32 $0x18380;
	s15 =	rddreg [dreg:$0x13]  }
0x79: {  	[tilespmem:s23], [sflag:$0x7] =	stream.linear.gather [hbm4b:s15+s2], $0x4000, $0x38;
	[tilespmem:$0x1D600] =	vst v63  }
0x7a: {  	s19 =	rddreg [dreg:$0x14]  }
0x7b: {  	[tilespmem:s6], [sflag:$0xE] =	stream.linear.gather [hbm4b:s19+s2], $0x80, $0x38;
	[tilespmem:$0x1D600] =	vst v63  }
0x7c: {  	_ =	swait.ge [sflag:s14], $0x4000  }
0x7d: {  	[sflag:s14] =	ssyncset.done $0x0  }
0x7e: {  	[sflag:s14] =	ssyncadd.s32 $0xFFFFC000  }
0x7f: {  	_ =	swait.ge [sflag:s13], $0x80  }
0x80: {  	[sflag:s13] =	ssyncset.done $0x0  }
0x81: {  	s21 =	simm.s32 $0x4380;
	[sflag:s13] =	ssyncadd.s32 $0xFFFFFF80  }
0x82: {  	[spmem:s22] =	stream.indirect.scatter.add.f32 [tilespmem:s21], [sflag:$0x10], $0x80, s4, s4, $0xb8;
	[tilespmem:$0x1D600] =	vst v63  }
0x83: {  	_ =	swait.ge [sflag:s12], $0x4000  }
0x84: {  	[sflag:s12] =	ssyncset.done $0x0  }
0x85: {  	s23 =	rddreg [dreg:$0x15];
	[sflag:s12] =	ssyncadd.s32 $0xFFFFC000  }
0x86: {  	[tilespmem:s16], [sflag:$0x1] =	stream.linear.gather [hbm4b:s23+s2], $0x4000, $0x38;
	[tilespmem:$0x1D600] =	vst v63  }
0x87: {  	s25 =	rddreg [dreg:$0x16]  }
0x88: {  	[tilespmem:s2], [sflag:$0x8] =	stream.linear.gather [hbm4b:s25+s2], $0x80, $0x38;
	[tilespmem:$0x1D600] =	vst v63  }
0x89: {  	_ =	swait.ge [sflag:s11], $0x4000  }
0x8a: {  	[sflag:s11] =	ssyncset.done $0x0  }
0x8b: {  	[sflag:s11] =	ssyncadd.s32 $0xFFFFC000  }
0x8c: {  	_ =	swait.ge [sflag:s10], $0x80  }
0x8d: {  	[sflag:s10] =	ssyncset.done $0x0  }
0x8e: {  	s26 =	simm.s32 $0x8380;
	s29 =	simm.s32 $0x100;
	[sflag:s10] =	ssyncadd.s32 $0xFFFFFF80  }
0x8f: {  	[spmem:s22] =	stream.indirect.scatter.add.f32 [tilespmem:s26], [sflag:$0x11], $0x80, s29, s4, $0xb8;
	[tilespmem:$0x1D600] =	vst v63  }
0x90: {  	_ =	swait.ge [sflag:s24], $0x4000  }
0x91: {  	[sflag:s24] =	ssyncset.done $0x0  }
0x92: {  	s6 =	rddreg [dreg:$0x17];
	[sflag:s24] =	ssyncadd.s32 $0xFFFFC000  }
0x93: {  	[tilespmem:s21], [sflag:$0x2] =	stream.linear.gather [hbm4b:s6+s2], $0x4000, $0x38;
	[tilespmem:$0x1D600] =	vst v63  }
0x94: {  	s9 =	rddreg [dreg:$0x18]  }
0x95: {  	[tilespmem:s4], [sflag:$0x9] =	stream.linear.gather [hbm4b:s9+s2], $0x80, $0x38;
	[tilespmem:$0x1D600] =	vst v63  }
0x96: {  	s9 =	simm.s32 $0x4  }
0x97: {  	_ =	swait.ge [sflag:s9], $0x4000  }
0x98: {  	[sflag:s9] =	ssyncset.done $0x0  }
0x99: {  	s31 =	simm.s32 $0xB;
	[sflag:s9] =	ssyncadd.s32 $0xFFFFC000  }
0x9a: {  	_ =	swait.ge [sflag:s31], $0x80  }
0x9b: {  	s11 =	simm.s32 $0xC380;
	[sflag:s31] =	ssyncset.done $0x0  }
0x9c: {  	s10 =	simm.s32 $0x180;
	s24 =	simm.s32 $0x11;
	[sflag:s31] =	ssyncadd.s32 $0xFFFFFF80  }
0x9d: {  	[spmem:s22] =	stream.indirect.scatter.add.f32 [tilespmem:s11], [sflag:$0x12], $0x80, s10, s4, $0xb8;
	[tilespmem:$0x1D600] =	vst v63  }
0x9e: {  	_ =	swait.ge [sflag:s24], $0x4000  }
0x9f: {  	[sflag:s24] =	ssyncset.done $0x0  }
0xa0: {  	s12 =	rddreg [dreg:$0x19];
	[sflag:s24] =	ssyncadd.s32 $0xFFFFC000  }
0xa1: {  	[tilespmem:s26], [sflag:$0x3] =	stream.linear.gather [hbm4b:s12+s2], $0x4000, $0x38;
	[tilespmem:$0x1D600] =	vst v63  }
0xa2: {  	s13 =	rddreg [dreg:$0x1a];
	s26 =	simm.s32 $0x5  }
0xa3: {  	[tilespmem:s29], [sflag:$0xA] =	stream.linear.gather [hbm4b:s13+s2], $0x80, $0x38;
	[tilespmem:$0x1D600] =	vst v63  }
0xa4: {  	_ =	swait.ge [sflag:s26], $0x4000  }
0xa5: {  	[sflag:s26] =	ssyncset.done $0x0  }
0xa6: {  	s25 =	simm.s32 $0xC;
	[sflag:s26] =	ssyncadd.s32 $0xFFFFC000  }
0xa7: {  	_ =	swait.ge [sflag:s25], $0x80  }
0xa8: {  	s19 =	simm.s32 $0x10380;
	[sflag:s25] =	ssyncset.done $0x0  }
0xa9: {  	s14 =	simm.s32 $0x12;
	s29 =	simm.s32 $0x200;
	[sflag:s25] =	ssyncadd.s32 $0xFFFFFF80  }
0xaa: {  	[spmem:s22] =	stream.indirect.scatter.add.f32 [tilespmem:s19], [sflag:$0x13], $0x80, s29, s4, $0xb8;
	[tilespmem:$0x1D600] =	vst v63  }
0xab: {  	_ =	swait.ge [sflag:s14], $0x4000  }
0xac: {  	[sflag:s14] =	ssyncset.done $0x0  }
0xad: {  	s15 =	rddreg [dreg:$0x1b];
	[sflag:s14] =	ssyncadd.s32 $0xFFFFC000  }
0xae: {  	[tilespmem:s11], [sflag:$0x4] =	stream.linear.gather [hbm4b:s15+s2], $0x4000, $0x38;
	[tilespmem:$0x1D600] =	vst v63  }
0xaf: {  	s21 =	simm.s32 $0x6;
	s16 =	rddreg [dreg:$0x1c]  }
0xb0: {  	[tilespmem:s10], [sflag:$0xB] =	stream.linear.gather [hbm4b:s16+s2], $0x80, $0x38;
	[tilespmem:$0x1D600] =	vst v63  }
0xb1: {  	_ =	swait.ge [sflag:s21], $0x4000  }
0xb2: {  	[sflag:s21] =	ssyncset.done $0x0  }
0xb3: {  	[sflag:s21] =	ssyncadd.s32 $0xFFFFC000  }
0xb4: {  	_ =	swait.ge [sflag:s28], $0x80  }
0xb5: {  	[sflag:s28] =	ssyncset.done $0x0  }
0xb6: {  	s3 =	simm.s32 $0x14380;
	s0 =	simm.s32 $0x280;
	[sflag:s28] =	ssyncadd.s32 $0xFFFFFF80  }
0xb7: {  	[spmem:s22] =	stream.indirect.scatter.add.f32 [tilespmem:s3], [sflag:$0x14], $0x80, s0, s4, $0xb8;
	[tilespmem:$0x1D600] =	vst v63  }
0xb8: {  	_ =	swait.ge [sflag:s20], $0x4000  }
0xb9: {  	[sflag:s20] =	ssyncset.done $0x0  }
0xba: {  	s23 =	rddreg [dreg:$0x1d];
	[sflag:s20] =	ssyncadd.s32 $0xFFFFC000  }
0xbb: {  	[tilespmem:s19], [sflag:$0x5] =	stream.linear.gather [hbm4b:s23+s2], $0x4000, $0x38;
	[tilespmem:$0x1D600] =	vst v63  }
0xbc: {  	s21 =	rddreg [dreg:$0x1e]  }
0xbd: {  	[tilespmem:s29], [sflag:$0xC] =	stream.linear.gather [hbm4b:s21+s2], $0x80, $0x38;
	[tilespmem:$0x1D600] =	vst v63  }
0xbe: {  	_ =	swait.ge [sflag:s18], $0x4000  }
0xbf: {  	[sflag:s18] =	ssyncset.done $0x0  }
0xc0: {  	[sflag:s18] =	ssyncadd.s32 $0xFFFFC000  }
0xc1: {  	_ =	swait.ge [sflag:s8], $0x80  }
0xc2: {  	[sflag:s8] =	ssyncset.done $0x0  }
0xc3: {  	s1 =	simm.s32 $0x300;
	[sflag:s8] =	ssyncadd.s32 $0xFFFFFF80;
	s8 =	simm.s32 $0x18380  }
0xc4: {  	[spmem:s22] =	stream.indirect.scatter.add.f32 [tilespmem:s8], [sflag:$0x15], $0x80, s1, s4, $0xb8;
	[tilespmem:$0x1D600] =	vst v63  }
0xc5: {  	_ =	swait.ge [sflag:s17], $0x4000  }
0xc6: {  	s23 =	rddreg [dreg:$0x1f];
	[sflag:s17] =	ssyncset.done $0x0  }
0xc7: {  	s29 =	sld [smem:$0x7E1];
	[sflag:s17] =	ssyncadd.s32 $0xFFFFC000  }
0xc8: {  	[tilespmem:s3], [sflag:$0x6] =	stream.linear.gather [hbm4b:s23+s2], $0x4000, $0x38;
	[tilespmem:$0x1D600] =	vst v63  }
0xc9: {  	s6 =	simm.s32 $0x1  }
0xca: {  	[tilespmem:s0], [sflag:$0xD] =	stream.linear.gather [hbm4b:s29+s2], $0x80, $0x38;
	[tilespmem:$0x1D600] =	vst v63  }
0xcb: {  	_ =	swait.ge [sflag:s6], $0x4000  }
0xcc: {  	[sflag:s6] =	ssyncset.done $0x0  }
0xcd: {  	s16 =	simm.s32 $0x8;
	[sflag:s6] =	ssyncadd.s32 $0xFFFFC000  }
0xce: {  	_ =	swait.ge [sflag:s16], $0x80  }
0xcf: {  	[sflag:s16] =	ssyncset.done $0x0  }
0xd0: {  	s19 =	simm.s32 $0x15;
	s0 =	simm.s32 $0x380;
	[sflag:s16] =	ssyncadd.s32 $0xFFFFFF80  }
0xd1: {  	[spmem:s22] =	stream.indirect.scatter.add.f32 [tilespmem:s0], [sflag:$0xF], $0x80, s2, s4, $0xb8;
	[tilespmem:$0x1D600] =	vst v63  }
0xd2: {  	_ =	swait.ge [sflag:s19], $0x4000  }
0xd3: {  	s3 =	sld [smem:$0x7E2]  }
0xd4: {  	[sflag:s19] =	ssyncset.done $0x0  }
0xd5: {  	s21 =	sld [smem:$0x7E3];
	[sflag:s19] =	ssyncadd.s32 $0xFFFFC000  }
0xd6: {  	[tilespmem:s8], [sflag:$0x7] =	stream.linear.gather [hbm4b:s3+s2], $0x4000, $0x38;
	[tilespmem:$0x1D600] =	vst v63  }
0xd7: {  	s15 =	simm.s32 $0x2;
	s1 =	simm.s32 $0x300  }
0xd8: {  	[tilespmem:s1], [sflag:$0xE] =	stream.linear.gather [hbm4b:s21+s2], $0x80, $0x38;
	[tilespmem:$0x1D600] =	vst v63  }
0xd9: {  	_ =	swait.ge [sflag:s15], $0x4000  }
0xda: {  	[sflag:s15] =	ssyncset.done $0x0  }
0xdb: {  	s14 =	simm.s32 $0x9;
	[sflag:s15] =	ssyncadd.s32 $0xFFFFC000  }
0xdc: {  	_ =	swait.ge [sflag:s14], $0x80  }
0xdd: {  	[sflag:s14] =	ssyncset.done $0x0  }
0xde: {  	s13 =	simm.s32 $0xF;
	s23 =	simm.s32 $0x4380;
	[sflag:s14] =	ssyncadd.s32 $0xFFFFFF80  }
0xdf: {  	[spmem:s22] =	stream.indirect.scatter.add.f32 [tilespmem:s23], [sflag:$0x10], $0x80, s4, s4, $0xb8;
	[tilespmem:$0x1D600] =	vst v63  }
0xe0: {  	_ =	swait.ge [sflag:s13], $0x4000  }
0xe1: {  	s29 =	sld [smem:$0x7E4]  }
0xe2: {  	[sflag:s13] =	ssyncset.done $0x0  }
0xe3: {  	s1 =	sld [smem:$0x7E5];
	[sflag:s13] =	ssyncadd.s32 $0xFFFFC000  }
0xe4: {  	[tilespmem:s0], [sflag:$0x1] =	stream.linear.gather [hbm4b:s29+s2], $0x4000, $0x38;
	[tilespmem:$0x1D600] =	vst v63  }
0xe5: {  	s12 =	simm.s32 $0x3  }
0xe6: {  	[tilespmem:s2], [sflag:$0x8] =	stream.linear.gather [hbm4b:s1+s2], $0x80, $0x38;
	[tilespmem:$0x1D600] =	vst v63  }
0xe7: {  	_ =	swait.ge [sflag:s12], $0x4000  }
0xe8: {  	[sflag:s12] =	ssyncset.done $0x0  }
0xe9: {  	s11 =	simm.s32 $0xA;
	[sflag:s12] =	ssyncadd.s32 $0xFFFFC000  }
0xea: {  	_ =	swait.ge [sflag:s11], $0x80  }
0xeb: {  	s10 =	simm.s32 $0x10;
	[sflag:s11] =	ssyncset.done $0x0  }
0xec: {  	s0 =	simm.s32 $0x8380;
	s1 =	simm.s32 $0x100;
	[sflag:s11] =	ssyncadd.s32 $0xFFFFFF80  }
0xed: {  	[spmem:s22] =	stream.indirect.scatter.add.f32 [tilespmem:s0], [sflag:$0x11], $0x80, s1, s4, $0xb8;
	[tilespmem:$0x1D600] =	vst v63  }
0xee: {  	_ =	swait.ge [sflag:s10], $0x4000  }
0xef: {  	s8 =	sld [smem:$0x7E6]  }
0xf0: {  	[sflag:s10] =	ssyncset.done $0x0  }
0xf1: {  	s21 =	sld [smem:$0x7E7];
	[sflag:s10] =	ssyncadd.s32 $0xFFFFC000  }
0xf2: {  	[tilespmem:s23], [sflag:$0x2] =	stream.linear.gather [hbm4b:s8+s2], $0x4000, $0x38;
	[tilespmem:$0x1D600] =	vst v63  }
0xf3: {  	_ = 	snop  }
0xf4: {  	[tilespmem:s4], [sflag:$0x9] =	stream.linear.gather [hbm4b:s21+s2], $0x80, $0x38;
	[tilespmem:$0x1D600] =	vst v63  }
0xf5: {  	_ =	swait.ge [sflag:s9], $0x4000  }
0xf6: {  	[sflag:s9] =	ssyncset.done $0x0  }
0xf7: {  	[sflag:s9] =	ssyncadd.s32 $0xFFFFC000  }
0xf8: {  	_ =	swait.ge [sflag:s31], $0x80  }
0xf9: {  	[sflag:s31] =	ssyncset.done $0x0  }
0xfa: {  	s8 =	simm.s32 $0xC380;
	s21 =	simm.s32 $0x180;
	[sflag:s31] =	ssyncadd.s32 $0xFFFFFF80  }
0xfb: {  	[spmem:s22] =	stream.indirect.scatter.add.f32 [tilespmem:s8], [sflag:$0x12], $0x80, s21, s4, $0xb8;
	[tilespmem:$0x1D600] =	vst v63  }
0xfc: {  	_ =	swait.ge [sflag:s24], $0x4000  }
0xfd: {  	s23 =	sld [smem:$0x7E8]  }
0xfe: {  	[sflag:s24] =	ssyncset.done $0x0  }
0xff: {  	s29 =	sld [smem:$0x7E9];
	[sflag:s24] =	ssyncadd.s32 $0xFFFFC000  }
0x100: {  	[tilespmem:s0], [sflag:$0x3] =	stream.linear.gather [hbm4b:s23+s2], $0x4000, $0x38;
	[tilespmem:$0x1D600] =	vst v63  }
0x101: {  	_ = 	snop  }
0x102: {  	[tilespmem:s1], [sflag:$0xA] =	stream.linear.gather [hbm4b:s29+s2], $0x80, $0x38;
	[tilespmem:$0x1D600] =	vst v63  }
0x103: {  	_ =	swait.ge [sflag:s26], $0x4000  }
0x104: {  	[sflag:s26] =	ssyncset.done $0x0  }
0x105: {  	[sflag:s26] =	ssyncadd.s32 $0xFFFFC000  }
0x106: {  	_ =	swait.ge [sflag:s25], $0x80  }
0x107: {  	s30 =	simm.s32 $0x12;
	[sflag:s25] =	ssyncset.done $0x0  }
0x108: {  	s3 =	simm.s32 $0x200;
	s1 =	simm.s32 $0x10380;
	[sflag:s25] =	ssyncadd.s32 $0xFFFFFF80  }
0x109: {  	[spmem:s22] =	stream.indirect.scatter.add.f32 [tilespmem:s1], [sflag:$0x13], $0x80, s3, s4, $0xb8;
	[tilespmem:$0x1D600] =	vst v63  }
0x10a: {  	_ =	swait.ge [sflag:s30], $0x4000  }
0x10b: {  	s5 =	sld [smem:$0x7EA]  }
0x10c: {  	[sflag:s30] =	ssyncset.done $0x0  }
0x10d: {  	s23 =	sld [smem:$0x7EB];
	[sflag:s30] =	ssyncadd.s32 $0xFFFFC000  }
0x10e: {  	[tilespmem:s8], [sflag:$0x4] =	stream.linear.gather [hbm4b:s5+s2], $0x4000, $0x38;
	[tilespmem:$0x1D600] =	vst v63  }
0x10f: {  	s30 =	simm.s32 $0x6  }
0x110: {  	[tilespmem:s21], [sflag:$0xB] =	stream.linear.gather [hbm4b:s23+s2], $0x80, $0x38;
	[tilespmem:$0x1D600] =	vst v63  }
0x111: {  	_ =	swait.ge [sflag:s30], $0x4000  }
0x112: {  	[sflag:s30] =	ssyncset.done $0x0  }
0x113: {  	[sflag:s30] =	ssyncadd.s32 $0xFFFFC000  }
0x114: {  	_ =	swait.ge [sflag:s28], $0x80  }
0x115: {  	[sflag:s28] =	ssyncset.done $0x0  }
0x116: {  	s23 =	simm.s32 $0x14380;
	s21 =	simm.s32 $0x280;
	[sflag:s28] =	ssyncadd.s32 $0xFFFFFF80  }
0x117: {  	[spmem:s22] =	stream.indirect.scatter.add.f32 [tilespmem:s23], [sflag:$0x14], $0x80, s21, s4, $0xb8;
	[tilespmem:$0x1D600] =	vst v63  }
0x118: {  	_ =	swait.ge [sflag:s20], $0x4000  }
0x119: {  	s5 =	sld [smem:$0x7EC]  }
0x11a: {  	[sflag:s20] =	ssyncset.done $0x0  }
0x11b: {  	s0 =	sld [smem:$0x7ED];
	[sflag:s20] =	ssyncadd.s32 $0xFFFFC000  }
0x11c: {  	[tilespmem:s1], [sflag:$0x5] =	stream.linear.gather [hbm4b:s5+s2], $0x4000, $0x38;
	[tilespmem:$0x1D600] =	vst v63  }
0x11d: {  	_ = 	snop  }
0x11e: {  	[tilespmem:s3], [sflag:$0xC] =	stream.linear.gather [hbm4b:s0+s2], $0x80, $0x38;
	[tilespmem:$0x1D600] =	vst v63  }
0x11f: {  	_ =	swait.ge [sflag:s18], $0x4000  }
0x120: {  	[sflag:s18] =	ssyncset.done $0x0  }
0x121: {  	s5 =	simm.s32 $0xE;
	[sflag:s18] =	ssyncadd.s32 $0xFFFFC000  }
0x122: {  	_ =	swait.ge [sflag:s5], $0x80  }
0x123: {  	[sflag:s5] =	ssyncset.done $0x0  }
0x124: {  	s1 =	simm.s32 $0x18380;
	s0 =	simm.s32 $0x300;
	[sflag:s5] =	ssyncadd.s32 $0xFFFFFF80  }
0x125: {  	[spmem:s22] =	stream.indirect.scatter.add.f32 [tilespmem:s1], [sflag:$0x15], $0x80, s0, s4, $0xb8;
	[tilespmem:$0x1D600] =	vst v63  }
0x126: {  	_ =	swait.ge [sflag:s17], $0x4000  }
0x127: {  	s5 =	sld [smem:$0x7EE]  }
0x128: {  	[sflag:s17] =	ssyncset.done $0x0  }
0x129: {  	s30 =	sld [smem:$0x7EF];
	[sflag:s17] =	ssyncadd.s32 $0xFFFFC000  }
0x12a: {  	[tilespmem:s23], [sflag:$0x6] =	stream.linear.gather [hbm4b:s5+s2], $0x4000, $0x38;
	[tilespmem:$0x1D600] =	vst v63  }
0x12b: {  	_ = 	snop  }
0x12c: {  	[tilespmem:s21], [sflag:$0xD] =	stream.linear.gather [hbm4b:s30+s2], $0x80, $0x38;
	[tilespmem:$0x1D600] =	vst v63  }
0x12d: {  	_ =	swait.ge [sflag:s6], $0x4000  }
0x12e: {  	[sflag:s6] =	ssyncset.done $0x0  }
0x12f: {  	[sflag:s6] =	ssyncadd.s32 $0xFFFFC000  }
0x130: {  	_ =	swait.ge [sflag:s16], $0x80  }
0x131: {  	[sflag:s16] =	ssyncset.done $0x0  }
0x132: {  	s6 =	simm.s32 $0x380;
	[sflag:s16] =	ssyncadd.s32 $0xFFFFFF80  }
0x133: {  	[spmem:s22] =	stream.indirect.scatter.add.f32 [tilespmem:s6], [sflag:$0xF], $0x80, s2, s4, $0xb8;
	[tilespmem:$0x1D600] =	vst v63  }
0x134: {  	_ =	swait.ge [sflag:s19], $0x4000  }
0x135: {  	s23 =	sld [smem:$0x7F0]  }
0x136: {  	[sflag:s19] =	ssyncset.done $0x0  }
0x137: {  	s21 =	sld [smem:$0x7F1];
	[sflag:s19] =	ssyncadd.s32 $0xFFFFC000  }
0x138: {  	[tilespmem:s1], [sflag:$0x7] =	stream.linear.gather [hbm4b:s23+s2], $0x4000, $0x38;
	[tilespmem:$0x1D600] =	vst v63  }
0x139: {  	_ = 	snop  }
0x13a: {  	[tilespmem:s0], [sflag:$0xE] =	stream.linear.gather [hbm4b:s21+s2], $0x80, $0x38;
	[tilespmem:$0x1D600] =	vst v63  }
0x13b: {  	_ =	swait.ge [sflag:s15], $0x4000  }
0x13c: {  	[sflag:s15] =	ssyncset.done $0x0  }
0x13d: {  	[sflag:s15] =	ssyncadd.s32 $0xFFFFC000  }
0x13e: {  	_ =	swait.ge [sflag:s14], $0x80  }
0x13f: {  	[sflag:s14] =	ssyncset.done $0x0  }
0x140: {  	s0 =	simm.s32 $0x4380;
	[sflag:s14] =	ssyncadd.s32 $0xFFFFFF80  }
0x141: {  	[spmem:s22] =	stream.indirect.scatter.add.f32 [tilespmem:s0], [sflag:$0x10], $0x80, s4, s4, $0xb8;
	[tilespmem:$0x1D600] =	vst v63  }
0x142: {  	_ =	swait.ge [sflag:s13], $0x4000  }
0x143: {  	s23 =	sld [smem:$0x7F2]  }
0x144: {  	[sflag:s13] =	ssyncset.done $0x0  }
0x145: {  	s1 =	sld [smem:$0x7F3];
	[sflag:s13] =	ssyncadd.s32 $0xFFFFC000  }
0x146: {  	[tilespmem:s6], [sflag:$0x1] =	stream.linear.gather [hbm4b:s23+s2], $0x4000, $0x38;
	[tilespmem:$0x1D600] =	vst v63  }
0x147: {  	_ = 	snop  }
0x148: {  	[tilespmem:s2], [sflag:$0x8] =	stream.linear.gather [hbm4b:s1+s2], $0x80, $0x38;
	[tilespmem:$0x1D600] =	vst v63  }
0x149: {  	_ =	swait.ge [sflag:s12], $0x4000  }
0x14a: {  	[sflag:s12] =	ssyncset.done $0x0  }
0x14b: {  	[sflag:s12] =	ssyncadd.s32 $0xFFFFC000  }
0x14c: {  	_ =	swait.ge [sflag:s11], $0x80  }
0x14d: {  	[sflag:s11] =	ssyncset.done $0x0  }
0x14e: {  	s6 =	simm.s32 $0x8380;
	s1 =	simm.s32 $0x100;
	[sflag:s11] =	ssyncadd.s32 $0xFFFFFF80  }
0x14f: {  	[spmem:s22] =	stream.indirect.scatter.add.f32 [tilespmem:s6], [sflag:$0x11], $0x80, s1, s4, $0xb8;
	[tilespmem:$0x1D600] =	vst v63  }
0x150: {  	_ =	swait.ge [sflag:s10], $0x4000  }
0x151: {  	s21 =	sld [smem:$0x7F4]  }
0x152: {  	[sflag:s10] =	ssyncset.done $0x0  }
0x153: {  	s30 =	sld [smem:$0x7F5];
	[sflag:s10] =	ssyncadd.s32 $0xFFFFC000  }
0x154: {  	[tilespmem:s0], [sflag:$0x2] =	stream.linear.gather [hbm4b:s21+s2], $0x4000, $0x38;
	[tilespmem:$0x1D600] =	vst v63  }
0x155: {  	_ = 	snop  }
0x156: {  	[tilespmem:s4], [sflag:$0x9] =	stream.linear.gather [hbm4b:s30+s2], $0x80, $0x38;
	[tilespmem:$0x1D600] =	vst v63  }
0x157: {  	_ =	swait.ge [sflag:s9], $0x4000  }
0x158: {  	[sflag:s9] =	ssyncset.done $0x0  }
0x159: {  	[sflag:s9] =	ssyncadd.s32 $0xFFFFC000  }
0x15a: {  	_ =	swait.ge [sflag:s31], $0x80  }
0x15b: {  	[sflag:s31] =	ssyncset.done $0x0  }
0x15c: {  	s30 =	simm.s32 $0x180;
	s9 =	simm.s32 $0xC380;
	[sflag:s31] =	ssyncadd.s32 $0xFFFFFF80  }
0x15d: {  	[spmem:s22] =	stream.indirect.scatter.add.f32 [tilespmem:s9], [sflag:$0x12], $0x80, s30, s4, $0xb8;
	[tilespmem:$0x1D600] =	vst v63  }
0x15e: {  	_ =	swait.ge [sflag:s24], $0x4000  }
0x15f: {  	s31 =	sld [smem:$0x7F6]  }
0x160: {  	[sflag:s24] =	ssyncset.done $0x0  }
0x161: {  	s0 =	sld [smem:$0x7F7];
	[sflag:s24] =	ssyncadd.s32 $0xFFFFC000  }
0x162: {  	[tilespmem:s6], [sflag:$0x3] =	stream.linear.gather [hbm4b:s31+s2], $0x4000, $0x38;
	[tilespmem:$0x1D600] =	vst v63  }
0x163: {  	_ = 	snop  }
0x164: {  	[tilespmem:s1], [sflag:$0xA] =	stream.linear.gather [hbm4b:s0+s2], $0x80, $0x38;
	[tilespmem:$0x1D600] =	vst v63  }
0x165: {  	_ =	swait.ge [sflag:s26], $0x4000  }
0x166: {  	[sflag:s26] =	ssyncset.done $0x0  }
0x167: {  	[sflag:s26] =	ssyncadd.s32 $0xFFFFC000  }
0x168: {  	_ =	swait.ge [sflag:s25], $0x80  }
0x169: {  	s29 =	simm.s32 $0x12;
	[sflag:s25] =	ssyncset.done $0x0  }
0x16a: {  	s5 =	simm.s32 $0x10380;
	s6 =	simm.s32 $0x200;
	[sflag:s25] =	ssyncadd.s32 $0xFFFFFF80  }
0x16b: {  	[spmem:s22] =	stream.indirect.scatter.add.f32 [tilespmem:s5], [sflag:$0x13], $0x80, s6, s4, $0xb8;
	[tilespmem:$0x1D600] =	vst v63  }
0x16c: {  	_ =	swait.ge [sflag:s29], $0x4000  }
0x16d: {  	s5 =	sld [smem:$0x7F8]  }
0x16e: {  	s0 =	simm.s32 @!p1 $0x0;
	[sflag:s29] =	ssyncset.done $0x0  }
0x16f: {  	s6 =	simm.s32 @!p1 $0xC380;
	s30 =	sld [smem:$0x7F9];
	[sflag:s29] =	ssyncadd.s32 $0xFFFFC000  }
0x170: {  	[tilespmem:s6], [sflag:$0x4] =	stream.linear.gather @!p1 [hbm4b:s5+s0], $0x4000, $0x38;
	[tilespmem:$0x1D600] =	vst v63  }
0x171: {  	s8 =	simm.s32 $0x6;
	s9 =	simm.s32 @!p1 $0x180  }
0x172: {  	[tilespmem:s9], [sflag:$0xB] =	stream.linear.gather @!p1 [hbm4b:s30+s0], $0x80, $0x38;
	[tilespmem:$0x1D600] =	vst v63  }
0x173: {  	_ =	swait.ge [sflag:s8], $0x4000  }
0x174: {  	[sflag:s8] =	ssyncset.done $0x0  }
0x175: {  	[sflag:s8] =	ssyncadd.s32 $0xFFFFC000  }
0x176: {  	_ =	swait.ge [sflag:s28], $0x80  }
0x177: {  	[sflag:s28] =	ssyncset.done $0x0  }
0x178: {  	s8 =	simm.s32 $0x14380;
	[sflag:s28] =	ssyncadd.s32 $0xFFFFFF80;
	s28 =	simm.s32 $0x280  }
0x179: {  	[spmem:s22] =	stream.indirect.scatter.add.f32 [tilespmem:s8], [sflag:$0x14], $0x80, s28, s4, $0xb8;
	[tilespmem:$0x1D600] =	vst v63  }
0x17a: {  	_ =	swait.ge [sflag:s20], $0x4000  }
0x17b: {  	[sflag:s20] =	ssyncset.done $0x0  }
0x17c: {  	[sflag:s20] =	ssyncadd.s32 $0xFFFFC000  }
0x17d: {  	_ =	swait.ge [sflag:s18], $0x4000  }
0x17e: {  	[sflag:s18] =	ssyncset.done $0x0  }
0x17f: {  	s3 =	simm.s32 $0xE;
	[sflag:s18] =	ssyncadd.s32 $0xFFFFC000  }
0x180: {  	_ =	swait.ge [sflag:s3], $0x80  }
0x181: {  	[sflag:s3] =	ssyncset.done $0x0  }
0x182: {  	s29 =	simm.s32 $0x18380;
	s30 =	simm.s32 $0x300;
	[sflag:s3] =	ssyncadd.s32 $0xFFFFFF80  }
0x183: {  	[spmem:s22] =	stream.indirect.scatter.add.f32 [tilespmem:s29], [sflag:$0x15], $0x80, s30, s4, $0xb8;
	[tilespmem:$0x1D600] =	vst v63  }
0x184: {  	_ =	swait.ge [sflag:s17], $0x4000  }
0x185: {  	[sflag:s17] =	ssyncset.done $0x0  }
0x186: {  	s16 =	simm.s32 $0x1;
	[sflag:s17] =	ssyncadd.s32 $0xFFFFC000  }
0x187: {  	_ =	swait.ge [sflag:s16], $0x4000  }
0x188: {  	[sflag:s16] =	ssyncset.done $0x0  }
0x189: {  	s15 =	simm.s32 $0x8;
	[sflag:s16] =	ssyncadd.s32 $0xFFFFC000  }
0x18a: {  	_ =	swait.ge [sflag:s15], $0x80  }
0x18b: {  	[sflag:s15] =	ssyncset.done $0x0  }
0x18c: {  	s23 =	simm.s32 $0x380;
	[sflag:s15] =	ssyncadd.s32 $0xFFFFFF80  }
0x18d: {  	[spmem:s22] =	stream.indirect.scatter.add.f32 [tilespmem:s23], [sflag:$0xF], $0x80, s2, s4, $0xb8;
	[tilespmem:$0x1D600] =	vst v63  }
0x18e: {  	_ =	swait.ge [sflag:s19], $0x4000  }
0x18f: {  	[sflag:s19] =	ssyncset.done $0x0  }
0x190: {  	s14 =	simm.s32 $0x2;
	[sflag:s19] =	ssyncadd.s32 $0xFFFFC000  }
0x191: {  	_ =	swait.ge [sflag:s14], $0x4000  }
0x192: {  	[sflag:s14] =	ssyncset.done $0x0  }
0x193: {  	s13 =	simm.s32 $0x9;
	[sflag:s14] =	ssyncadd.s32 $0xFFFFC000  }
0x194: {  	_ =	swait.ge [sflag:s13], $0x80  }
0x195: {  	[sflag:s13] =	ssyncset.done $0x0  }
0x196: {  	s12 =	simm.s32 $0xF;
	s21 =	simm.s32 $0x4380;
	[sflag:s13] =	ssyncadd.s32 $0xFFFFFF80  }
0x197: {  	[spmem:s22] =	stream.indirect.scatter.add.f32 [tilespmem:s21], [sflag:$0x10], $0x80, s4, s4, $0xb8;
	[tilespmem:$0x1D600] =	vst v63  }
0x198: {  	_ =	swait.ge [sflag:s12], $0x4000  }
0x199: {  	[sflag:s12] =	ssyncset.done $0x0  }
0x19a: {  	s11 =	simm.s32 $0x3;
	[sflag:s12] =	ssyncadd.s32 $0xFFFFC000  }
0x19b: {  	_ =	swait.ge [sflag:s11], $0x4000  }
0x19c: {  	[sflag:s11] =	ssyncset.done $0x0  }
0x19d: {  	s10 =	simm.s32 $0xA;
	[sflag:s11] =	ssyncadd.s32 $0xFFFFC000  }
0x19e: {  	_ =	swait.ge [sflag:s10], $0x80  }
0x19f: {  	s24 =	simm.s32 $0x10;
	[sflag:s10] =	ssyncset.done $0x0  }
0x1a0: {  	s31 =	simm.s32 $0x8380;
	s1 =	simm.s32 $0x100;
	[sflag:s10] =	ssyncadd.s32 $0xFFFFFF80  }
0x1a1: {  	[spmem:s22] =	stream.indirect.scatter.add.f32 [tilespmem:s31], [sflag:$0x11], $0x80, s1, s4, $0xb8;
	[tilespmem:$0x1D600] =	vst v63  }
0x1a2: {  	_ =	swait.ge [sflag:s24], $0x4000  }
0x1a3: {  	[sflag:s24] =	ssyncset.done $0x0  }
0x1a4: {  	s0 =	simm.s32 @p1 $0x11;
	[sflag:s24] =	ssyncadd.s32 $0xFFFFC000  }
0x1a5: {  	_ =	swait.ge @p1 [sflag:s0], $0x4000  }
0x1a6: {  	s5 =	sld [smem:$0x7FA]  }
0x1a7: {  	s20 =	simm.s32 @!p2 $0x17;
	[sflag:s0] =	ssyncset.done @p1 $0x0  }
0x1a8: {  	s3 =	simm.s32 @!p2 $0x1C380;
	[sflag:s0] =	ssyncadd.s32 @p1 $0xFFFFC000;
	s0 =	simm.s32 @!p2 $0x0  }
0x1a9: {  	[tilespmem:s3], [sflag:$0x17] =	stream.linear.gather @!p2 [hbm4b:s5+s0], $0x20, $0x38;
	[tilespmem:$0x1D600] =	vst v63  }
0x1aa: {  	_ =	swait.ge @!p2 [sflag:s20], $0x20  }
0x1ab: {  	s5 =	sld [smem:$0x7FB]  }
0x1ac: {  	[sflag:s20] =	ssyncset.done @!p2 $0x0  }
0x1ad: {  	s18 =	simm.s32 @!p2 $0x1C400;
	s1 =	simm.s32 @!p2 $0x16;
	[sflag:s20] =	ssyncadd.s32 @!p2 $0xFFFFFFE0  }
0x1ae: {  	[tilespmem:s18], [sflag:$0x16] =	stream.linear.gather @!p2 [hbm4b:s5+s0], $0x1000, $0x38;
	[tilespmem:$0x1D600] =	vst v63  }
0x1af: {  	_ =	swait.ge @!p2 [sflag:s1], $0x1000  }
0x1b0: {  	[sflag:s1] =	ssyncset.done @!p2 $0x0  }
0x1b1: {  	s0 =	simm.s32 @!p2 $0x20;
	[sflag:s1] =	ssyncadd.s32 @!p2 $0xFFFFF000  }
0x1b2: {  	[spmem:s22] =	stream.indirect.scatter.add.f32 @!p2 [tilespmem:s18], [sflag:$0x17], $0x80, s3, s0, $0xb8;
	[tilespmem:$0x1D600] =	vst v63  }
0x1b3: {  	_ =	swait.ge @!p2 [sflag:s20], $0x1000  }
0x1b4: {  	[sflag:s20] =	ssyncset.done @!p2 $0x0  }
0x1b5: {  	s0 =	simm.s32 @!p1 $0x4;
	[sflag:s20] =	ssyncadd.s32 @!p2 $0xFFFFF000  }
0x1b6: {  	_ =	swait.ge @!p1 [sflag:s0], $0x4000  }
0x1b7: {  	[sflag:s0] =	ssyncset.done @!p1 $0x0  }
0x1b8: {  	[sflag:s0] =	ssyncadd.s32 @!p1 $0xFFFFC000;
	s0 =	simm.s32 @!p1 $0xB  }
0x1b9: {  	_ =	swait.ge @!p1 [sflag:s0], $0x80  }
0x1ba: {  	[sflag:s0] =	ssyncset.done @!p1 $0x0  }
0x1bb: {  	s3 =	simm.s32 @!p1 $0x11;
	[sflag:s0] =	ssyncadd.s32 @!p1 $0xFFFFFF80;
	s0 =	simm.s32 @!p1 $0x80  }
0x1bc: {  	[spmem:s22] =	stream.indirect.scatter.add.f32 @!p1 [tilespmem:s6], [sflag:$0x12], $0x80, s9, s0, $0xb8;
	[tilespmem:$0x1D600] =	vst v63  }
0x1bd: {  	_ =	swait.ge @!p1 [sflag:s3], $0x4000  }
0x1be: {  	[sflag:s3] =	ssyncset.done @!p1 $0x0  }
0x1bf: {  	s0 =	simm.s32 @!p1 $0x12;
	[sflag:s3] =	ssyncadd.s32 @!p1 $0xFFFFC000  }
0x1c0: {  	_ =	swait.ge @!p1 [sflag:s0], $0x4000  }
0x1c1: {  	[sflag:s0] =	ssyncset.done @!p1 $0x0  }
0x1c2: {  	[sflag:s0] =	ssyncadd.s32 @!p1 $0xFFFFC000  }
0x1c3: {  	[bflag:$0x0] =	sbarrier.arrive $0xFFFF  }
0x1c4: {  	s31 =	sld [smem:$0x7E0];
	_ =	sdelay $0x2  }
0x1c5: {  	s5 =	sld [smem:$0x7FC];
	s9 =	sadd.s32 $0xFFFFFFFF, s31  }
0x1c6: {  	s0 =	sld [smem:$0x7FD];
	p4 =	sne.s32 s9, $0x0  }
.Ltmp1:
0x1c7: {  	_ = 	snop;
	(pc) =	sbr.rel @!p4 .LBB2_7-.Ltmp1, $4  }
0x1c8: {  	p3 =	por $0x1, $0x1;
	s8 =	simm.s32 @!p0 $0x17;
	s1 =	simm.s32 @!p0 $0x1C17  }
0x1c9: {  	[hbm:s5], [sflag:s1] =	dma.local @!p0 [spmem:s0], $0x400  }
0x1ca: {  	s26 =	simm.s32 $0x280;
	s25 =	simm.s32 $0x14380;
	_ =	swait.ge @!p0 [sflag:s8], $0x400  }
0x1cb: {  	s3 =	simm.s32 $0x200;
	s5 =	rddreg [dreg:$0x7];
	[sflag:s8] =	ssyncset.done @!p0 $0x0  }
0x1cc: {  	s29 =	simm.s32 $0xD  }
.LBB2_4:
0x1cd: {  	s6 =	rddreg [dreg:$0x6]  }
0x1ce: {  	[sflag:s8] =	ssyncadd.s32 @!p0 $0xFFFFFC00;
	s1 =	rddreg [dreg:$0x8];
	s0 =	simm.s32 $0x380  }
0x1cf: {  	[tilespmem:s0], [sflag:$0x1] =	stream.linear.gather [hbm4b:s5+s2], $0x4000, $0x38;
	[tilespmem:$0x1D600] =	vst v63  }
0x1d0: {  	s18 =	rddreg [dreg:$0x9]  }
0x1d1: {  	[tilespmem:s2], [sflag:$0x8] =	stream.linear.gather [hbm4b:s1+s2], $0x80, $0x38;
	[tilespmem:$0x1D600] =	vst v63  }
0x1d2: {  	s19 =	rddreg [dreg:$0xa];
	s1 =	simm.s32 $0x4380  }
0x1d3: {  	[tilespmem:s1], [sflag:$0x2] =	stream.linear.gather [hbm4b:s18+s2], $0x4000, $0x38;
	[tilespmem:$0x1D600] =	vst v63  }
0x1d4: {  	s20 =	rddreg [dreg:$0xb]  }
0x1d5: {  	[tilespmem:s4], [sflag:$0x9] =	stream.linear.gather [hbm4b:s19+s2], $0x80, $0x38;
	[tilespmem:$0x1D600] =	vst v63  }
0x1d6: {  	s21 =	rddreg [dreg:$0xc];
	s23 =	simm.s32 $0x8380  }
0x1d7: {  	[tilespmem:s23], [sflag:$0x3] =	stream.linear.gather [hbm4b:s20+s2], $0x4000, $0x38;
	[tilespmem:$0x1D600] =	vst v63  }
0x1d8: {  	s25 =	rddreg [dreg:$0xd];
	s26 =	simm.s32 $0x100  }
0x1d9: {  	[tilespmem:s26], [sflag:$0xA] =	stream.linear.gather [hbm4b:s21+s2], $0x80, $0x38;
	[tilespmem:$0x1D600] =	vst v63  }
0x1da: {  	s9 =	sadd.s32 $0xFFFFFFFF, s9;
	s28 =	rddreg [dreg:$0xe];
	s30 =	simm.s32 $0xC380  }
0x1db: {  	[tilespmem:s30], [sflag:$0x4] =	stream.linear.gather [hbm4b:s25+s2], $0x4000, $0x38;
	[tilespmem:$0x1D600] =	vst v63  }
0x1dc: {  	s17 =	simm.s32 $0x200;
	s31 =	rddreg [dreg:$0xf];
	s1 =	simm.s32 $0x180  }
0x1dd: {  	[tilespmem:s1], [sflag:$0xB] =	stream.linear.gather [hbm4b:s28+s2], $0x80, $0x38;
	[tilespmem:$0x1D600] =	vst v63  }
0x1de: {  	[smem:$0x7DF] =	sst s9;
	p4 =	sne.s32 s9, $0x0;
	s19 =	simm.s32 $0x10380  }
0x1df: {  	[tilespmem:s19], [sflag:$0x5] =	stream.linear.gather [hbm4b:s31+s2], $0x4000, $0x38;
	[tilespmem:$0x1D600] =	vst v63  }
0x1e0: {  	s9 =	smov.u32 s7;
	s18 =	rddreg [dreg:$0x10];
	s1 =	simm.s32 @!p0 $0x1C17  }
0x1e1: {  	[tilespmem:s17], [sflag:$0xC] =	stream.linear.gather [hbm4b:s18+s2], $0x80, $0x38;
	[tilespmem:$0x1D600] =	vst v63  }
0x1e2: {  	[spmem:s9], [sflag:s1] =	dma.local @!p0 [hbm:s6], $0x400  }
0x1e3: {  	_ =	swait.ge @!p0 [sflag:s8], $0x400  }
0x1e4: {  	[sflag:s8] =	ssyncset.done @!p0 $0x0  }
0x1e5: {  	[sflag:s8] =	ssyncadd.s32 @!p0 $0xFFFFFC00  }
0x1e6: {  	[bflag:$0x0] =	sbarrier.arrive $0xFFFF  }
0x1e7: {  	s25 =	simm.s32 $0x14380;
	s21 =	rddreg [dreg:$0x11]  }
0x1e8: {  	[tilespmem:s25], [sflag:$0x6] =	stream.linear.gather [hbm4b:s21+s2], $0x4000, $0x38;
	[tilespmem:$0x1D600] =	vst v63  }
0x1e9: {  	s26 =	simm.s32 $0x280;
	s23 =	rddreg [dreg:$0x12]  }
0x1ea: {  	[tilespmem:s26], [sflag:$0xD] =	stream.linear.gather [hbm4b:s23+s2], $0x80, $0x38;
	[tilespmem:$0x1D600] =	vst v63  }
0x1eb: {  	_ =	swait.ge [sflag:s16], $0x4000  }
0x1ec: {  	[sflag:s16] =	ssyncset.done $0x0  }
0x1ed: {  	[sflag:s16] =	ssyncadd.s32 $0xFFFFC000  }
0x1ee: {  	_ =	swait.ge [sflag:s15], $0x80  }
0x1ef: {  	[sflag:s15] =	ssyncset.done $0x0  }
0x1f0: {  	s31 =	simm.s32 $0x380;
	[sflag:s15] =	ssyncadd.s32 $0xFFFFFF80  }
0x1f1: {  	[spmem:s22] =	stream.indirect.scatter.add.f32 [tilespmem:s31], [sflag:$0xF], $0x80, s2, s4, $0xb8;
	[tilespmem:$0x1D600] =	vst v63  }
0x1f2: {  	s8 =	simm.s32 $0x18380;
	s30 =	rddreg [dreg:$0x13]  }
0x1f3: {  	[tilespmem:s8], [sflag:$0x7] =	stream.linear.gather [hbm4b:s30+s2], $0x4000, $0x38;
	[tilespmem:$0x1D600] =	vst v63  }
0x1f4: {  	s9 =	simm.s32 $0x300;
	s7 =	rddreg [dreg:$0x14]  }
0x1f5: {  	[tilespmem:s9], [sflag:$0xE] =	stream.linear.gather [hbm4b:s7+s2], $0x80, $0x38;
	[tilespmem:$0x1D600] =	vst v63  }
0x1f6: {  	_ =	swait.ge [sflag:s14], $0x4000  }
0x1f7: {  	[sflag:s14] =	ssyncset.done $0x0  }
0x1f8: {  	[sflag:s14] =	ssyncadd.s32 $0xFFFFC000  }
0x1f9: {  	_ =	swait.ge [sflag:s13], $0x80  }
0x1fa: {  	[sflag:s13] =	ssyncset.done $0x0  }
0x1fb: {  	s14 =	simm.s32 $0x4380;
	[sflag:s13] =	ssyncadd.s32 $0xFFFFFF80  }
0x1fc: {  	[spmem:s22] =	stream.indirect.scatter.add.f32 [tilespmem:s14], [sflag:$0x10], $0x80, s4, s4, $0xb8;
	[tilespmem:$0x1D600] =	vst v63  }
0x1fd: {  	_ =	swait.ge [sflag:s12], $0x4000  }
0x1fe: {  	[sflag:s12] =	ssyncset.done $0x0  }
0x1ff: {  	s15 =	rddreg [dreg:$0x15];
	[sflag:s12] =	ssyncadd.s32 $0xFFFFC000  }
0x200: {  	[tilespmem:s31], [sflag:$0x1] =	stream.linear.gather [hbm4b:s15+s2], $0x4000, $0x38;
	[tilespmem:$0x1D600] =	vst v63  }
0x201: {  	s16 =	rddreg [dreg:$0x16]  }
0x202: {  	[tilespmem:s2], [sflag:$0x8] =	stream.linear.gather [hbm4b:s16+s2], $0x80, $0x38;
	[tilespmem:$0x1D600] =	vst v63  }
0x203: {  	_ =	swait.ge [sflag:s11], $0x4000  }
0x204: {  	[sflag:s11] =	ssyncset.done $0x0  }
0x205: {  	[sflag:s11] =	ssyncadd.s32 $0xFFFFC000  }
0x206: {  	_ =	swait.ge [sflag:s10], $0x80  }
0x207: {  	[sflag:s10] =	ssyncset.done $0x0  }
0x208: {  	s19 =	simm.s32 $0x100;
	s18 =	simm.s32 $0x8380;
	[sflag:s10] =	ssyncadd.s32 $0xFFFFFF80  }
0x209: {  	[spmem:s22] =	stream.indirect.scatter.add.f32 [tilespmem:s18], [sflag:$0x11], $0x80, s19, s4, $0xb8;
	[tilespmem:$0x1D600] =	vst v63  }
0x20a: {  	_ =	swait.ge [sflag:s24], $0x4000  }
0x20b: {  	[sflag:s24] =	ssyncset.done $0x0  }
0x20c: {  	s21 =	rddreg [dreg:$0x17];
	[sflag:s24] =	ssyncadd.s32 $0xFFFFC000  }
0x20d: {  	[tilespmem:s14], [sflag:$0x2] =	stream.linear.gather [hbm4b:s21+s2], $0x4000, $0x38;
	[tilespmem:$0x1D600] =	vst v63  }
0x20e: {  	s9 =	simm.s32 $0x4;
	s24 =	rddreg [dreg:$0x18]  }
0x20f: {  	[tilespmem:s4], [sflag:$0x9] =	stream.linear.gather [hbm4b:s24+s2], $0x80, $0x38;
	[tilespmem:$0x1D600] =	vst v63  }
0x210: {  	_ =	swait.ge [sflag:s9], $0x4000  }
0x211: {  	[sflag:s9] =	ssyncset.done $0x0  }
0x212: {  	s21 =	simm.s32 $0xB;
	[sflag:s9] =	ssyncadd.s32 $0xFFFFC000  }
0x213: {  	_ =	swait.ge [sflag:s21], $0x80  }
0x214: {  	s20 =	simm.s32 $0xC380;
	[sflag:s21] =	ssyncset.done $0x0  }
0x215: {  	s28 =	simm.s32 $0x180;
	s30 =	simm.s32 $0x11;
	[sflag:s21] =	ssyncadd.s32 $0xFFFFFF80  }
0x216: {  	[spmem:s22] =	stream.indirect.scatter.add.f32 [tilespmem:s20], [sflag:$0x12], $0x80, s28, s4, $0xb8;
	[tilespmem:$0x1D600] =	vst v63  }
0x217: {  	_ =	swait.ge [sflag:s30], $0x4000  }
0x218: {  	[sflag:s30] =	ssyncset.done $0x0  }
0x219: {  	s25 =	rddreg [dreg:$0x19];
	[sflag:s30] =	ssyncadd.s32 $0xFFFFC000  }
0x21a: {  	[tilespmem:s18], [sflag:$0x3] =	stream.linear.gather [hbm4b:s25+s2], $0x4000, $0x38;
	[tilespmem:$0x1D600] =	vst v63  }
0x21b: {  	s26 =	rddreg [dreg:$0x1a]  }
0x21c: {  	[tilespmem:s19], [sflag:$0xA] =	stream.linear.gather [hbm4b:s26+s2], $0x80, $0x38;
	[tilespmem:$0x1D600] =	vst v63  }
0x21d: {  	s26 =	simm.s32 $0x5  }
0x21e: {  	_ =	swait.ge [sflag:s26], $0x4000  }
0x21f: {  	[sflag:s26] =	ssyncset.done $0x0  }
0x220: {  	s25 =	simm.s32 $0xC;
	[sflag:s26] =	ssyncadd.s32 $0xFFFFC000  }
0x221: {  	_ =	swait.ge [sflag:s25], $0x80  }
0x222: {  	[sflag:s25] =	ssyncset.done $0x0  }
0x223: {  	s18 =	simm.s32 $0x12;
	s19 =	simm.s32 $0x10380;
	[sflag:s25] =	ssyncadd.s32 $0xFFFFFF80  }
0x224: {  	[spmem:s22] =	stream.indirect.scatter.add.f32 [tilespmem:s19], [sflag:$0x13], $0x80, s17, s4, $0xb8;
	[tilespmem:$0x1D600] =	vst v63  }
0x225: {  	_ =	swait.ge [sflag:s18], $0x4000  }
0x226: {  	[sflag:s18] =	ssyncset.done $0x0  }
0x227: {  	s0 =	rddreg [dreg:$0x1b];
	[sflag:s18] =	ssyncadd.s32 $0xFFFFC000  }
0x228: {  	[tilespmem:s20], [sflag:$0x4] =	stream.linear.gather [hbm4b:s0+s2], $0x4000, $0x38;
	[tilespmem:$0x1D600] =	vst v63  }
0x229: {  	s24 =	simm.s32 $0x6;
	s1 =	rddreg [dreg:$0x1c]  }
0x22a: {  	[tilespmem:s28], [sflag:$0xB] =	stream.linear.gather [hbm4b:s1+s2], $0x80, $0x38;
	[tilespmem:$0x1D600] =	vst v63  }
0x22b: {  	_ =	swait.ge [sflag:s24], $0x4000  }
0x22c: {  	[sflag:s24] =	ssyncset.done $0x0  }
0x22d: {  	[sflag:s24] =	ssyncadd.s32 $0xFFFFC000  }
0x22e: {  	_ =	swait.ge [sflag:s29], $0x80  }
0x22f: {  	s5 =	simm.s32 $0x14380;
	[sflag:s29] =	ssyncset.done $0x0  }
0x230: {  	s6 =	simm.s32 $0x280;
	s28 =	simm.s32 $0x13;
	[sflag:s29] =	ssyncadd.s32 $0xFFFFFF80  }
0x231: {  	[spmem:s22] =	stream.indirect.scatter.add.f32 [tilespmem:s5], [sflag:$0x14], $0x80, s6, s4, $0xb8;
	[tilespmem:$0x1D600] =	vst v63  }
0x232: {  	_ =	swait.ge [sflag:s28], $0x4000  }
0x233: {  	[sflag:s28] =	ssyncset.done $0x0  }
0x234: {  	s20 =	rddreg [dreg:$0x1d];
	[sflag:s28] =	ssyncadd.s32 $0xFFFFC000  }
0x235: {  	[tilespmem:s19], [sflag:$0x5] =	stream.linear.gather [hbm4b:s20+s2], $0x4000, $0x38;
	[tilespmem:$0x1D600] =	vst v63  }
0x236: {  	s0 =	rddreg [dreg:$0x1e];
	s20 =	simm.s32 $0x7  }
0x237: {  	[tilespmem:s17], [sflag:$0xC] =	stream.linear.gather [hbm4b:s0+s2], $0x80, $0x38;
	[tilespmem:$0x1D600] =	vst v63  }
0x238: {  	_ =	swait.ge [sflag:s20], $0x4000  }
0x239: {  	[sflag:s20] =	ssyncset.done $0x0  }
0x23a: {  	s19 =	simm.s32 $0xE;
	[sflag:s20] =	ssyncadd.s32 $0xFFFFC000  }
0x23b: {  	_ =	swait.ge [sflag:s19], $0x80  }
0x23c: {  	s1 =	simm.s32 $0x300;
	[sflag:s19] =	ssyncset.done $0x0  }
0x23d: {  	s17 =	simm.s32 $0x14;
	s0 =	simm.s32 $0x18380;
	[sflag:s19] =	ssyncadd.s32 $0xFFFFFF80  }
0x23e: {  	[spmem:s22] =	stream.indirect.scatter.add.f32 [tilespmem:s0], [sflag:$0x15], $0x80, s1, s4, $0xb8;
	[tilespmem:$0x1D600] =	vst v63  }
0x23f: {  	_ =	swait.ge [sflag:s17], $0x4000  }
0x240: {  	s5 =	rddreg [dreg:$0x1f];
	[sflag:s17] =	ssyncset.done $0x0  }
0x241: {  	s1 =	simm.s32 $0x14380;
	s6 =	sld [smem:$0x7E1];
	[sflag:s17] =	ssyncadd.s32 $0xFFFFC000  }
0x242: {  	[tilespmem:s1], [sflag:$0x6] =	stream.linear.gather [hbm4b:s5+s2], $0x4000, $0x38;
	[tilespmem:$0x1D600] =	vst v63  }
0x243: {  	s7 =	simm.s32 $0x1;
	s5 =	simm.s32 $0x280  }
0x244: {  	[tilespmem:s5], [sflag:$0xD] =	stream.linear.gather [hbm4b:s6+s2], $0x80, $0x38;
	[tilespmem:$0x1D600] =	vst v63  }
0x245: {  	_ =	swait.ge [sflag:s7], $0x4000  }
0x246: {  	[sflag:s7] =	ssyncset.done $0x0  }
0x247: {  	s16 =	simm.s32 $0x8;
	[sflag:s7] =	ssyncadd.s32 $0xFFFFC000  }
0x248: {  	_ =	swait.ge [sflag:s16], $0x80  }
0x249: {  	[sflag:s16] =	ssyncset.done $0x0  }
0x24a: {  	s3 =	simm.s32 $0x15;
	s23 =	simm.s32 $0x380;
	[sflag:s16] =	ssyncadd.s32 $0xFFFFFF80  }
0x24b: {  	[spmem:s22] =	stream.indirect.scatter.add.f32 [tilespmem:s23], [sflag:$0xF], $0x80, s2, s4, $0xb8;
	[tilespmem:$0x1D600] =	vst v63  }
0x24c: {  	_ =	swait.ge [sflag:s3], $0x4000  }
0x24d: {  	s1 =	sld [smem:$0x7E2]  }
0x24e: {  	[sflag:s3] =	ssyncset.done $0x0  }
0x24f: {  	s6 =	sld [smem:$0x7E3];
	[sflag:s3] =	ssyncadd.s32 $0xFFFFC000  }
0x250: {  	[tilespmem:s0], [sflag:$0x7] =	stream.linear.gather [hbm4b:s1+s2], $0x4000, $0x38;
	[tilespmem:$0x1D600] =	vst v63  }
0x251: {  	s15 =	simm.s32 $0x2;
	s1 =	simm.s32 $0x300  }
0x252: {  	[tilespmem:s1], [sflag:$0xE] =	stream.linear.gather [hbm4b:s6+s2], $0x80, $0x38;
	[tilespmem:$0x1D600] =	vst v63  }
0x253: {  	_ =	swait.ge [sflag:s15], $0x4000  }
0x254: {  	[sflag:s15] =	ssyncset.done $0x0  }
0x255: {  	s14 =	simm.s32 $0x9;
	[sflag:s15] =	ssyncadd.s32 $0xFFFFC000  }
0x256: {  	_ =	swait.ge [sflag:s14], $0x80  }
0x257: {  	[sflag:s14] =	ssyncset.done $0x0  }
0x258: {  	s13 =	simm.s32 $0xF;
	s1 =	simm.s32 $0x4380;
	[sflag:s14] =	ssyncadd.s32 $0xFFFFFF80  }
0x259: {  	[spmem:s22] =	stream.indirect.scatter.add.f32 [tilespmem:s1], [sflag:$0x10], $0x80, s4, s4, $0xb8;
	[tilespmem:$0x1D600] =	vst v63  }
0x25a: {  	_ =	swait.ge [sflag:s13], $0x4000  }
0x25b: {  	s6 =	sld [smem:$0x7E4]  }
0x25c: {  	[sflag:s13] =	ssyncset.done $0x0  }
0x25d: {  	s0 =	sld [smem:$0x7E5];
	[sflag:s13] =	ssyncadd.s32 $0xFFFFC000  }
0x25e: {  	[tilespmem:s23], [sflag:$0x1] =	stream.linear.gather [hbm4b:s6+s2], $0x4000, $0x38;
	[tilespmem:$0x1D600] =	vst v63  }
0x25f: {  	s12 =	simm.s32 $0x3  }
0x260: {  	[tilespmem:s2], [sflag:$0x8] =	stream.linear.gather [hbm4b:s0+s2], $0x80, $0x38;
	[tilespmem:$0x1D600] =	vst v63  }
0x261: {  	_ =	swait.ge [sflag:s12], $0x4000  }
0x262: {  	[sflag:s12] =	ssyncset.done $0x0  }
0x263: {  	s11 =	simm.s32 $0xA;
	[sflag:s12] =	ssyncadd.s32 $0xFFFFC000  }
0x264: {  	_ =	swait.ge [sflag:s11], $0x80  }
0x265: {  	s8 =	simm.s32 $0x100;
	[sflag:s11] =	ssyncset.done $0x0  }
0x266: {  	s31 =	simm.s32 $0x8380;
	s10 =	simm.s32 $0x10;
	[sflag:s11] =	ssyncadd.s32 $0xFFFFFF80  }
0x267: {  	[spmem:s22] =	stream.indirect.scatter.add.f32 [tilespmem:s31], [sflag:$0x11], $0x80, s8, s4, $0xb8;
	[tilespmem:$0x1D600] =	vst v63  }
0x268: {  	_ =	swait.ge [sflag:s10], $0x4000  }
0x269: {  	s23 =	sld [smem:$0x7E6]  }
0x26a: {  	[sflag:s10] =	ssyncset.done $0x0  }
0x26b: {  	s0 =	sld [smem:$0x7E7];
	[sflag:s10] =	ssyncadd.s32 $0xFFFFC000  }
0x26c: {  	[tilespmem:s1], [sflag:$0x2] =	stream.linear.gather [hbm4b:s23+s2], $0x4000, $0x38;
	[tilespmem:$0x1D600] =	vst v63  }
0x26d: {  	_ = 	snop  }
0x26e: {  	[tilespmem:s4], [sflag:$0x9] =	stream.linear.gather [hbm4b:s0+s2], $0x80, $0x38;
	[tilespmem:$0x1D600] =	vst v63  }
0x26f: {  	_ =	swait.ge [sflag:s9], $0x4000  }
0x270: {  	[sflag:s9] =	ssyncset.done $0x0  }
0x271: {  	[sflag:s9] =	ssyncadd.s32 $0xFFFFC000  }
0x272: {  	_ =	swait.ge [sflag:s21], $0x80  }
0x273: {  	[sflag:s21] =	ssyncset.done $0x0  }
0x274: {  	s1 =	simm.s32 $0xC380;
	s0 =	simm.s32 $0x180;
	[sflag:s21] =	ssyncadd.s32 $0xFFFFFF80  }
0x275: {  	[spmem:s22] =	stream.indirect.scatter.add.f32 [tilespmem:s1], [sflag:$0x12], $0x80, s0, s4, $0xb8;
	[tilespmem:$0x1D600] =	vst v63  }
0x276: {  	_ =	swait.ge [sflag:s30], $0x4000  }
0x277: {  	s6 =	sld [smem:$0x7E8]  }
0x278: {  	[sflag:s30] =	ssyncset.done $0x0  }
0x279: {  	s23 =	sld [smem:$0x7E9];
	[sflag:s30] =	ssyncadd.s32 $0xFFFFC000  }
0x27a: {  	[tilespmem:s31], [sflag:$0x3] =	stream.linear.gather [hbm4b:s6+s2], $0x4000, $0x38;
	[tilespmem:$0x1D600] =	vst v63  }
0x27b: {  	_ = 	snop  }
0x27c: {  	[tilespmem:s8], [sflag:$0xA] =	stream.linear.gather [hbm4b:s23+s2], $0x80, $0x38;
	[tilespmem:$0x1D600] =	vst v63  }
0x27d: {  	_ =	swait.ge [sflag:s26], $0x4000  }
0x27e: {  	[sflag:s26] =	ssyncset.done $0x0  }
0x27f: {  	[sflag:s26] =	ssyncadd.s32 $0xFFFFC000  }
0x280: {  	_ =	swait.ge [sflag:s25], $0x80  }
0x281: {  	[sflag:s25] =	ssyncset.done $0x0  }
0x282: {  	s3 =	simm.s32 $0x200;
	s8 =	simm.s32 $0x10380;
	[sflag:s25] =	ssyncadd.s32 $0xFFFFFF80  }
0x283: {  	[spmem:s22] =	stream.indirect.scatter.add.f32 [tilespmem:s8], [sflag:$0x13], $0x80, s3, s4, $0xb8;
	[tilespmem:$0x1D600] =	vst v63  }
0x284: {  	_ =	swait.ge [sflag:s18], $0x4000  }
0x285: {  	s23 =	sld [smem:$0x7EA]  }
0x286: {  	[sflag:s18] =	ssyncset.done $0x0  }
0x287: {  	s31 =	sld [smem:$0x7EB];
	[sflag:s18] =	ssyncadd.s32 $0xFFFFC000  }
0x288: {  	[tilespmem:s1], [sflag:$0x4] =	stream.linear.gather [hbm4b:s23+s2], $0x4000, $0x38;
	[tilespmem:$0x1D600] =	vst v63  }
0x289: {  	_ = 	snop  }
0x28a: {  	[tilespmem:s0], [sflag:$0xB] =	stream.linear.gather [hbm4b:s31+s2], $0x80, $0x38;
	[tilespmem:$0x1D600] =	vst v63  }
0x28b: {  	_ =	swait.ge [sflag:s24], $0x4000  }
0x28c: {  	[sflag:s24] =	ssyncset.done $0x0  }
0x28d: {  	[sflag:s24] =	ssyncadd.s32 $0xFFFFC000  }
0x28e: {  	_ =	swait.ge [sflag:s29], $0x80  }
0x28f: {  	[sflag:s29] =	ssyncset.done $0x0  }
0x290: {  	s5 =	simm.s32 $0x14380;
	s6 =	simm.s32 $0x280;
	[sflag:s29] =	ssyncadd.s32 $0xFFFFFF80  }
0x291: {  	[spmem:s22] =	stream.indirect.scatter.add.f32 [tilespmem:s5], [sflag:$0x14], $0x80, s6, s4, $0xb8;
	[tilespmem:$0x1D600] =	vst v63  }
0x292: {  	_ =	swait.ge [sflag:s28], $0x4000  }
0x293: {  	s8 =	sld [smem:$0x7EC]  }
0x294: {  	[sflag:s28] =	ssyncset.done $0x0  }
0x295: {  	s31 =	simm.s32 $0x10380;
	s23 =	sld [smem:$0x7ED];
	[sflag:s28] =	ssyncadd.s32 $0xFFFFC000  }
0x296: {  	[tilespmem:s31], [sflag:$0x5] =	stream.linear.gather [hbm4b:s8+s2], $0x4000, $0x38;
	[tilespmem:$0x1D600] =	vst v63  }
0x297: {  	_ = 	snop  }
0x298: {  	[tilespmem:s3], [sflag:$0xC] =	stream.linear.gather [hbm4b:s23+s2], $0x80, $0x38;
	[tilespmem:$0x1D600] =	vst v63  }
0x299: {  	_ =	swait.ge [sflag:s20], $0x4000  }
0x29a: {  	[sflag:s20] =	ssyncset.done $0x0  }
0x29b: {  	[sflag:s20] =	ssyncadd.s32 $0xFFFFC000  }
0x29c: {  	_ =	swait.ge [sflag:s19], $0x80  }
0x29d: {  	[sflag:s19] =	ssyncset.done $0x0  }
0x29e: {  	s1 =	simm.s32 $0x300;
	s8 =	simm.s32 $0x18380;
	[sflag:s19] =	ssyncadd.s32 $0xFFFFFF80  }
0x29f: {  	[spmem:s22] =	stream.indirect.scatter.add.f32 [tilespmem:s8], [sflag:$0x15], $0x80, s1, s4, $0xb8;
	[tilespmem:$0x1D600] =	vst v63  }
0x2a0: {  	_ =	swait.ge [sflag:s17], $0x4000  }
0x2a1: {  	s6 =	sld [smem:$0x7EE]  }
0x2a2: {  	[sflag:s17] =	ssyncset.done $0x0  }
0x2a3: {  	s31 =	simm.s32 $0x14380;
	s23 =	sld [smem:$0x7EF];
	[sflag:s17] =	ssyncadd.s32 $0xFFFFC000  }
0x2a4: {  	[tilespmem:s31], [sflag:$0x6] =	stream.linear.gather [hbm4b:s6+s2], $0x4000, $0x38;
	[tilespmem:$0x1D600] =	vst v63  }
0x2a5: {  	s1 =	simm.s32 $0x280  }
0x2a6: {  	[tilespmem:s1], [sflag:$0xD] =	stream.linear.gather [hbm4b:s23+s2], $0x80, $0x38;
	[tilespmem:$0x1D600] =	vst v63  }
0x2a7: {  	_ =	swait.ge [sflag:s7], $0x4000  }
0x2a8: {  	[sflag:s7] =	ssyncset.done $0x0  }
0x2a9: {  	[sflag:s7] =	ssyncadd.s32 $0xFFFFC000  }
0x2aa: {  	_ =	swait.ge [sflag:s16], $0x80  }
0x2ab: {  	[sflag:s16] =	ssyncset.done $0x0  }
0x2ac: {  	s0 =	simm.s32 $0x15;
	s23 =	simm.s32 $0x380;
	[sflag:s16] =	ssyncadd.s32 $0xFFFFFF80  }
0x2ad: {  	[spmem:s22] =	stream.indirect.scatter.add.f32 [tilespmem:s23], [sflag:$0xF], $0x80, s2, s4, $0xb8;
	[tilespmem:$0x1D600] =	vst v63  }
0x2ae: {  	_ =	swait.ge [sflag:s0], $0x4000  }
0x2af: {  	s6 =	sld [smem:$0x7F0]  }
0x2b0: {  	[sflag:s0] =	ssyncset.done $0x0  }
0x2b1: {  	s7 =	sld [smem:$0x7F1];
	[sflag:s0] =	ssyncadd.s32 $0xFFFFC000  }
0x2b2: {  	[tilespmem:s8], [sflag:$0x7] =	stream.linear.gather [hbm4b:s6+s2], $0x4000, $0x38;
	[tilespmem:$0x1D600] =	vst v63  }
0x2b3: {  	s31 =	simm.s32 $0x300  }
0x2b4: {  	[tilespmem:s31], [sflag:$0xE] =	stream.linear.gather [hbm4b:s7+s2], $0x80, $0x38;
	[tilespmem:$0x1D600] =	vst v63  }
0x2b5: {  	_ =	swait.ge [sflag:s15], $0x4000  }
0x2b6: {  	[sflag:s15] =	ssyncset.done $0x0  }
0x2b7: {  	[sflag:s15] =	ssyncadd.s32 $0xFFFFC000  }
0x2b8: {  	_ =	swait.ge [sflag:s14], $0x80  }
0x2b9: {  	[sflag:s14] =	ssyncset.done $0x0  }
0x2ba: {  	s31 =	simm.s32 $0x4380;
	[sflag:s14] =	ssyncadd.s32 $0xFFFFFF80  }
0x2bb: {  	[spmem:s22] =	stream.indirect.scatter.add.f32 [tilespmem:s31], [sflag:$0x10], $0x80, s4, s4, $0xb8;
	[tilespmem:$0x1D600] =	vst v63  }
0x2bc: {  	_ =	swait.ge [sflag:s13], $0x4000  }
0x2bd: {  	s6 =	sld [smem:$0x7F2]  }
0x2be: {  	[sflag:s13] =	ssyncset.done $0x0  }
0x2bf: {  	s8 =	sld [smem:$0x7F3];
	[sflag:s13] =	ssyncadd.s32 $0xFFFFC000  }
0x2c0: {  	[tilespmem:s23], [sflag:$0x1] =	stream.linear.gather [hbm4b:s6+s2], $0x4000, $0x38;
	[tilespmem:$0x1D600] =	vst v63  }
0x2c1: {  	_ = 	snop  }
0x2c2: {  	[tilespmem:s2], [sflag:$0x8] =	stream.linear.gather [hbm4b:s8+s2], $0x80, $0x38;
	[tilespmem:$0x1D600] =	vst v63  }
0x2c3: {  	_ =	swait.ge [sflag:s12], $0x4000  }
0x2c4: {  	[sflag:s12] =	ssyncset.done $0x0  }
0x2c5: {  	[sflag:s12] =	ssyncadd.s32 $0xFFFFC000  }
0x2c6: {  	_ =	swait.ge [sflag:s11], $0x80  }
0x2c7: {  	[sflag:s11] =	ssyncset.done $0x0  }
0x2c8: {  	s23 =	simm.s32 $0x8380;
	s8 =	simm.s32 $0x100;
	[sflag:s11] =	ssyncadd.s32 $0xFFFFFF80  }
0x2c9: {  	[spmem:s22] =	stream.indirect.scatter.add.f32 [tilespmem:s23], [sflag:$0x11], $0x80, s8, s4, $0xb8;
	[tilespmem:$0x1D600] =	vst v63  }
0x2ca: {  	_ =	swait.ge [sflag:s10], $0x4000  }
0x2cb: {  	s5 =	sld [smem:$0x7F4]  }
0x2cc: {  	[sflag:s10] =	ssyncset.done $0x0  }
0x2cd: {  	s6 =	sld [smem:$0x7F5];
	[sflag:s10] =	ssyncadd.s32 $0xFFFFC000  }
0x2ce: {  	[tilespmem:s31], [sflag:$0x2] =	stream.linear.gather [hbm4b:s5+s2], $0x4000, $0x38;
	[tilespmem:$0x1D600] =	vst v63  }
0x2cf: {  	_ = 	snop  }
0x2d0: {  	[tilespmem:s4], [sflag:$0x9] =	stream.linear.gather [hbm4b:s6+s2], $0x80, $0x38;
	[tilespmem:$0x1D600] =	vst v63  }
0x2d1: {  	_ =	swait.ge [sflag:s9], $0x4000  }
0x2d2: {  	[sflag:s9] =	ssyncset.done $0x0  }
0x2d3: {  	[sflag:s9] =	ssyncadd.s32 $0xFFFFC000  }
0x2d4: {  	_ =	swait.ge [sflag:s21], $0x80  }
0x2d5: {  	[sflag:s21] =	ssyncset.done $0x0  }
0x2d6: {  	s9 =	simm.s32 $0xC380;
	[sflag:s21] =	ssyncadd.s32 $0xFFFFFF80;
	s21 =	simm.s32 $0x180  }
0x2d7: {  	[spmem:s22] =	stream.indirect.scatter.add.f32 [tilespmem:s9], [sflag:$0x12], $0x80, s21, s4, $0xb8;
	[tilespmem:$0x1D600] =	vst v63  }
0x2d8: {  	_ =	swait.ge [sflag:s30], $0x4000  }
0x2d9: {  	s9 =	sld [smem:$0x7F6]  }
0x2da: {  	[sflag:s30] =	ssyncset.done $0x0  }
0x2db: {  	s21 =	sld [smem:$0x7F7];
	[sflag:s30] =	ssyncadd.s32 $0xFFFFC000  }
0x2dc: {  	[tilespmem:s23], [sflag:$0x3] =	stream.linear.gather [hbm4b:s9+s2], $0x4000, $0x38;
	[tilespmem:$0x1D600] =	vst v63  }
0x2dd: {  	_ = 	snop  }
0x2de: {  	[tilespmem:s8], [sflag:$0xA] =	stream.linear.gather [hbm4b:s21+s2], $0x80, $0x38;
	[tilespmem:$0x1D600] =	vst v63  }
0x2df: {  	_ =	swait.ge [sflag:s26], $0x4000  }
0x2e0: {  	[sflag:s26] =	ssyncset.done $0x0  }
0x2e1: {  	[sflag:s26] =	ssyncadd.s32 $0xFFFFC000  }
0x2e2: {  	_ =	swait.ge [sflag:s25], $0x80  }
0x2e3: {  	[sflag:s25] =	ssyncset.done $0x0  }
0x2e4: {  	s9 =	simm.s32 $0x10380;
	[sflag:s25] =	ssyncadd.s32 $0xFFFFFF80  }
0x2e5: {  	[spmem:s22] =	stream.indirect.scatter.add.f32 [tilespmem:s9], [sflag:$0x13], $0x80, s3, s4, $0xb8;
	[tilespmem:$0x1D600] =	vst v63  }
0x2e6: {  	_ =	swait.ge [sflag:s18], $0x4000  }
0x2e7: {  	s5 =	sld [smem:$0x7F8]  }
0x2e8: {  	s9 =	simm.s32 @!p1 $0xC380;
	[sflag:s18] =	ssyncset.done $0x0  }
0x2e9: {  	s6 =	sld [smem:$0x7F9];
	[sflag:s18] =	ssyncadd.s32 $0xFFFFC000;
	s18 =	simm.s32 @!p1 $0x0  }
0x2ea: {  	[tilespmem:s9], [sflag:$0x4] =	stream.linear.gather @!p1 [hbm4b:s5+s18], $0x4000, $0x38;
	[tilespmem:$0x1D600] =	vst v63  }
0x2eb: {  	s21 =	simm.s32 @!p1 $0x180  }
0x2ec: {  	[tilespmem:s21], [sflag:$0xB] =	stream.linear.gather @!p1 [hbm4b:s6+s18], $0x80, $0x38;
	[tilespmem:$0x1D600] =	vst v63  }
0x2ed: {  	_ =	swait.ge [sflag:s24], $0x4000  }
0x2ee: {  	[sflag:s24] =	ssyncset.done $0x0  }
0x2ef: {  	[sflag:s24] =	ssyncadd.s32 $0xFFFFC000  }
0x2f0: {  	_ =	swait.ge [sflag:s29], $0x80  }
0x2f1: {  	[sflag:s29] =	ssyncset.done $0x0  }
0x2f2: {  	s7 =	simm.s32 $0x14380;
	[sflag:s29] =	ssyncadd.s32 $0xFFFFFF80  }
0x2f3: {  	[spmem:s22] =	stream.indirect.scatter.add.f32 [tilespmem:s7], [sflag:$0x14], $0x80, s1, s4, $0xb8;
	[tilespmem:$0x1D600] =	vst v63  }
0x2f4: {  	_ =	swait.ge [sflag:s28], $0x4000  }
0x2f5: {  	[sflag:s28] =	ssyncset.done $0x0  }
0x2f6: {  	[sflag:s28] =	ssyncadd.s32 $0xFFFFC000  }
0x2f7: {  	_ =	swait.ge [sflag:s20], $0x4000  }
0x2f8: {  	[sflag:s20] =	ssyncset.done $0x0  }
0x2f9: {  	[sflag:s20] =	ssyncadd.s32 $0xFFFFC000  }
0x2fa: {  	_ =	swait.ge [sflag:s19], $0x80  }
0x2fb: {  	[sflag:s19] =	ssyncset.done $0x0  }
0x2fc: {  	s18 =	simm.s32 $0x300;
	s20 =	simm.s32 $0x18380;
	[sflag:s19] =	ssyncadd.s32 $0xFFFFFF80  }
0x2fd: {  	[spmem:s22] =	stream.indirect.scatter.add.f32 [tilespmem:s20], [sflag:$0x15], $0x80, s18, s4, $0xb8;
	[tilespmem:$0x1D600] =	vst v63  }
0x2fe: {  	_ =	swait.ge [sflag:s17], $0x4000  }
0x2ff: {  	[sflag:s17] =	ssyncset.done $0x0  }
0x300: {  	s16 =	simm.s32 $0x1;
	[sflag:s17] =	ssyncadd.s32 $0xFFFFC000  }
0x301: {  	_ =	swait.ge [sflag:s16], $0x4000  }
0x302: {  	[sflag:s16] =	ssyncset.done $0x0  }
0x303: {  	s15 =	simm.s32 $0x8;
	[sflag:s16] =	ssyncadd.s32 $0xFFFFC000  }
0x304: {  	_ =	swait.ge [sflag:s15], $0x80  }
0x305: {  	[sflag:s15] =	ssyncset.done $0x0  }
0x306: {  	s28 =	simm.s32 $0x380;
	[sflag:s15] =	ssyncadd.s32 $0xFFFFFF80  }
0x307: {  	[spmem:s22] =	stream.indirect.scatter.add.f32 [tilespmem:s28], [sflag:$0xF], $0x80, s2, s4, $0xb8;
	[tilespmem:$0x1D600] =	vst v63  }
0x308: {  	_ =	swait.ge [sflag:s0], $0x4000  }
0x309: {  	[sflag:s0] =	ssyncset.done $0x0  }
0x30a: {  	s14 =	simm.s32 $0x2;
	[sflag:s0] =	ssyncadd.s32 $0xFFFFC000  }
0x30b: {  	_ =	swait.ge [sflag:s14], $0x4000  }
0x30c: {  	[sflag:s14] =	ssyncset.done $0x0  }
0x30d: {  	s13 =	simm.s32 $0x9;
	[sflag:s14] =	ssyncadd.s32 $0xFFFFC000  }
0x30e: {  	_ =	swait.ge [sflag:s13], $0x80  }
0x30f: {  	[sflag:s13] =	ssyncset.done $0x0  }
0x310: {  	s12 =	simm.s32 $0xF;
	s31 =	simm.s32 $0x4380;
	[sflag:s13] =	ssyncadd.s32 $0xFFFFFF80  }
0x311: {  	[spmem:s22] =	stream.indirect.scatter.add.f32 [tilespmem:s31], [sflag:$0x10], $0x80, s4, s4, $0xb8;
	[tilespmem:$0x1D600] =	vst v63  }
0x312: {  	_ =	swait.ge [sflag:s12], $0x4000  }
0x313: {  	[sflag:s12] =	ssyncset.done $0x0  }
0x314: {  	s11 =	simm.s32 $0x3;
	[sflag:s12] =	ssyncadd.s32 $0xFFFFC000  }
0x315: {  	_ =	swait.ge [sflag:s11], $0x4000  }
0x316: {  	[sflag:s11] =	ssyncset.done $0x0  }
0x317: {  	s10 =	simm.s32 $0xA;
	[sflag:s11] =	ssyncadd.s32 $0xFFFFC000  }
0x318: {  	_ =	swait.ge [sflag:s10], $0x80  }
0x319: {  	s30 =	simm.s32 $0x8380;
	[sflag:s10] =	ssyncset.done $0x0  }
0x31a: {  	s23 =	simm.s32 $0x100;
	s24 =	simm.s32 $0x10;
	[sflag:s10] =	ssyncadd.s32 $0xFFFFFF80  }
0x31b: {  	[spmem:s22] =	stream.indirect.scatter.add.f32 [tilespmem:s30], [sflag:$0x11], $0x80, s23, s4, $0xb8;
	[tilespmem:$0x1D600] =	vst v63  }
0x31c: {  	_ =	swait.ge [sflag:s24], $0x4000  }
0x31d: {  	[sflag:s24] =	ssyncset.done $0x0  }
0x31e: {  	s0 =	simm.s32 @p1 $0x11;
	[sflag:s24] =	ssyncadd.s32 $0xFFFFC000  }
0x31f: {  	_ =	swait.ge @p1 [sflag:s0], $0x4000  }
0x320: {  	s5 =	sld [smem:$0x7FA]  }
0x321: {  	s6 =	simm.s32 @!p2 $0x1C380;
	[sflag:s0] =	ssyncset.done @p1 $0x0  }
0x322: {  	s18 =	simm.s32 @!p2 $0x17;
	[sflag:s0] =	ssyncadd.s32 @p1 $0xFFFFC000;
	s0 =	simm.s32 @!p2 $0x0  }
0x323: {  	[tilespmem:s6], [sflag:$0x17] =	stream.linear.gather @!p2 [hbm4b:s5+s0], $0x20, $0x38;
	[tilespmem:$0x1D600] =	vst v63  }
0x324: {  	_ =	swait.ge @!p2 [sflag:s18], $0x20  }
0x325: {  	s5 =	sld [smem:$0x7FB]  }
0x326: {  	[sflag:s18] =	ssyncset.done @!p2 $0x0  }
0x327: {  	s7 =	simm.s32 @!p2 $0x1C400;
	[sflag:s18] =	ssyncadd.s32 @!p2 $0xFFFFFFE0  }
0x328: {  	[tilespmem:s7], [sflag:$0x16] =	stream.linear.gather @!p2 [hbm4b:s5+s0], $0x1000, $0x38;
	[tilespmem:$0x1D600] =	vst v63  }
0x329: {  	s0 =	simm.s32 @!p2 $0x16  }
0x32a: {  	_ =	swait.ge @!p2 [sflag:s0], $0x1000  }
0x32b: {  	[sflag:s0] =	ssyncset.done @!p2 $0x0  }
0x32c: {  	[sflag:s0] =	ssyncadd.s32 @!p2 $0xFFFFF000;
	s0 =	simm.s32 @!p2 $0x20  }
0x32d: {  	[spmem:s22] =	stream.indirect.scatter.add.f32 @!p2 [tilespmem:s7], [sflag:$0x17], $0x80, s6, s0, $0xb8;
	[tilespmem:$0x1D600] =	vst v63  }
0x32e: {  	_ =	swait.ge @!p2 [sflag:s18], $0x1000  }
0x32f: {  	[sflag:s18] =	ssyncset.done @!p2 $0x0  }
0x330: {  	s0 =	simm.s32 @!p1 $0x4;
	[sflag:s18] =	ssyncadd.s32 @!p2 $0xFFFFF000  }
0x331: {  	_ =	swait.ge @!p1 [sflag:s0], $0x4000  }
0x332: {  	[sflag:s0] =	ssyncset.done @!p1 $0x0  }
0x333: {  	[sflag:s0] =	ssyncadd.s32 @!p1 $0xFFFFC000;
	s0 =	simm.s32 @!p1 $0xB  }
0x334: {  	_ =	swait.ge @!p1 [sflag:s0], $0x80  }
0x335: {  	[sflag:s0] =	ssyncset.done @!p1 $0x0  }
0x336: {  	[sflag:s0] =	ssyncadd.s32 @!p1 $0xFFFFFF80;
	s0 =	simm.s32 @!p1 $0x80  }
0x337: {  	[spmem:s22] =	stream.indirect.scatter.add.f32 @!p1 [tilespmem:s9], [sflag:$0x12], $0x80, s21, s0, $0xb8;
	[tilespmem:$0x1D600] =	vst v63  }
0x338: {  	s0 =	simm.s32 @!p1 $0x11  }
0x339: {  	s9 =	sld [smem:$0x7DF];
	_ =	swait.ge @!p1 [sflag:s0], $0x4000  }
0x33a: {  	[sflag:s0] =	ssyncset.done @!p1 $0x0  }
0x33b: {  	[sflag:s0] =	ssyncadd.s32 @!p1 $0xFFFFC000;
	s0 =	simm.s32 @!p1 $0x12  }
0x33c: {  	_ =	swait.ge @!p1 [sflag:s0], $0x4000  }
0x33d: {  	[sflag:s0] =	ssyncset.done @!p1 $0x0  }
0x33e: {  	[sflag:s0] =	ssyncadd.s32 @!p1 $0xFFFFC000  }
0x33f: {  	[bflag:$0x0] =	sbarrier.arrive $0xFFFF  }
0x340: {  	s5 =	sld [smem:$0x7FC]  }
0x341: {  	s0 =	sld [smem:$0x7FD]  }
.Ltmp2:
0x342: {  	_ = 	snop;
	(pc) =	sbr.rel @p4 .LBB2_4-.Ltmp2, $4  }
0x343: {  	s8 =	simm.s32 @!p0 $0x17;
	s1 =	simm.s32 @!p0 $0x1C17  }
0x344: {  	[hbm:s5], [sflag:s1] =	dma.local @!p0 [spmem:s0], $0x400  }
0x345: {  	s26 =	simm.s32 $0x280;
	s25 =	simm.s32 $0x14380;
	_ =	swait.ge @!p0 [sflag:s8], $0x400  }
0x346: {  	s7 =	smov.u32 s0;
	s5 =	rddreg [dreg:$0x7];
	[sflag:s8] =	ssyncset.done @!p0 $0x0  }
0x347: {  	s9 =	simm.s32 $0x8380  }
0x348: {  	s1 =	simm.s32 $0x100;
	s19 =	simm.s32 $0x4380;
	s23 =	simm.s32 $0x380  }
0x349: {  	s29 =	simm.s32 $0x18380;
	s31 =	simm.s32 $0x10380;
	s18 =	simm.s32 $0x7  }
0x34a: {  	s20 =	simm.s32 $0x13;
	s28 =	simm.s32 $0xD;
	s30 =	simm.s32 $0x180  }
.LBB2_6:
0x34b: {  	p3 =	por p0, !p3  }
0x34c: {  	[sflag:s8] =	ssyncadd.s32 @!p3 $0xFFFFFC00  }
0x34d: {  	[tilespmem:s23], [sflag:$0x1] =	stream.linear.gather [hbm4b:s5+s2], $0x4000, $0x38;
	[tilespmem:$0x1D600] =	vst v63  }
0x34e: {  	s6 =	rddreg [dreg:$0x8]  }
0x34f: {  	[tilespmem:s2], [sflag:$0x8] =	stream.linear.gather [hbm4b:s6+s2], $0x80, $0x38;
	[tilespmem:$0x1D600] =	vst v63  }
0x350: {  	s21 =	rddreg [dreg:$0x9]  }
0x351: {  	[tilespmem:s19], [sflag:$0x2] =	stream.linear.gather [hbm4b:s21+s2], $0x4000, $0x38;
	[tilespmem:$0x1D600] =	vst v63  }
0x352: {  	s0 =	rddreg [dreg:$0xa]  }
0x353: {  	[tilespmem:s4], [sflag:$0x9] =	stream.linear.gather [hbm4b:s0+s2], $0x80, $0x38;
	[tilespmem:$0x1D600] =	vst v63  }
0x354: {  	s8 =	rddreg [dreg:$0xb]  }
0x355: {  	[tilespmem:s9], [sflag:$0x3] =	stream.linear.gather [hbm4b:s8+s2], $0x4000, $0x38;
	[tilespmem:$0x1D600] =	vst v63  }
0x356: {  	s21 =	rddreg [dreg:$0xc]  }
0x357: {  	[tilespmem:s1], [sflag:$0xA] =	stream.linear.gather [hbm4b:s21+s2], $0x80, $0x38;
	[tilespmem:$0x1D600] =	vst v63  }
0x358: {  	s0 =	rddreg [dreg:$0xd];
	s8 =	simm.s32 $0xC380  }
0x359: {  	[tilespmem:s8], [sflag:$0x4] =	stream.linear.gather [hbm4b:s0+s2], $0x4000, $0x38;
	[tilespmem:$0x1D600] =	vst v63  }
0x35a: {  	s9 =	rddreg [dreg:$0xe]  }
0x35b: {  	[tilespmem:s30], [sflag:$0xB] =	stream.linear.gather [hbm4b:s9+s2], $0x80, $0x38;
	[tilespmem:$0x1D600] =	vst v63  }
0x35c: {  	s21 =	rddreg [dreg:$0xf]  }
0x35d: {  	[tilespmem:s31], [sflag:$0x5] =	stream.linear.gather [hbm4b:s21+s2], $0x4000, $0x38;
	[tilespmem:$0x1D600] =	vst v63  }
0x35e: {  	s0 =	rddreg [dreg:$0x10]  }
0x35f: {  	[tilespmem:s3], [sflag:$0xC] =	stream.linear.gather [hbm4b:s0+s2], $0x80, $0x38;
	[tilespmem:$0x1D600] =	vst v63  }
0x360: {  	s5 =	rddreg [dreg:$0x6];
	s0 =	simm.s32 @!p0 $0x1C17  }
0x361: {  	[spmem:s7], [sflag:s0] =	dma.local @!p0 [hbm:s5], $0x400  }
0x362: {  	s0 =	simm.s32 @!p0 $0x17  }
0x363: {  	_ =	swait.ge @!p0 [sflag:s0], $0x400  }
0x364: {  	[sflag:s0] =	ssyncset.done @!p0 $0x0  }
0x365: {  	[sflag:s0] =	ssyncadd.s32 @!p0 $0xFFFFFC00  }
0x366: {  	[bflag:$0x0] =	sbarrier.arrive $0xFFFF  }
0x367: {  	s9 =	rddreg [dreg:$0x11]  }
0x368: {  	[tilespmem:s25], [sflag:$0x6] =	stream.linear.gather [hbm4b:s9+s2], $0x4000, $0x38;
	[tilespmem:$0x1D600] =	vst v63  }
0x369: {  	s21 =	rddreg [dreg:$0x12]  }
0x36a: {  	[tilespmem:s26], [sflag:$0xD] =	stream.linear.gather [hbm4b:s21+s2], $0x80, $0x38;
	[tilespmem:$0x1D600] =	vst v63  }
0x36b: {  	_ =	swait.ge [sflag:s16], $0x4000  }
0x36c: {  	[sflag:s16] =	ssyncset.done $0x0  }
0x36d: {  	[sflag:s16] =	ssyncadd.s32 $0xFFFFC000  }
0x36e: {  	_ =	swait.ge [sflag:s15], $0x80  }
0x36f: {  	[sflag:s15] =	ssyncset.done $0x0  }
0x370: {  	[sflag:s15] =	ssyncadd.s32 $0xFFFFFF80  }
0x371: {  	[spmem:s22] =	stream.indirect.scatter.add.f32 [tilespmem:s23], [sflag:$0xF], $0x80, s2, s4, $0xb8;
	[tilespmem:$0x1D600] =	vst v63  }
0x372: {  	s26 =	rddreg [dreg:$0x13]  }
0x373: {  	[tilespmem:s29], [sflag:$0x7] =	stream.linear.gather [hbm4b:s26+s2], $0x4000, $0x38;
	[tilespmem:$0x1D600] =	vst v63  }
0x374: {  	s5 =	simm.s32 $0x300;
	s0 =	rddreg [dreg:$0x14]  }
0x375: {  	[tilespmem:s5], [sflag:$0xE] =	stream.linear.gather [hbm4b:s0+s2], $0x80, $0x38;
	[tilespmem:$0x1D600] =	vst v63  }
0x376: {  	_ =	swait.ge [sflag:s14], $0x4000  }
0x377: {  	[sflag:s14] =	ssyncset.done $0x0  }
0x378: {  	[sflag:s14] =	ssyncadd.s32 $0xFFFFC000  }
0x379: {  	_ =	swait.ge [sflag:s13], $0x80  }
0x37a: {  	[sflag:s13] =	ssyncset.done $0x0  }
0x37b: {  	[sflag:s13] =	ssyncadd.s32 $0xFFFFFF80  }
0x37c: {  	[spmem:s22] =	stream.indirect.scatter.add.f32 [tilespmem:s19], [sflag:$0x10], $0x80, s4, s4, $0xb8;
	[tilespmem:$0x1D600] =	vst v63  }
0x37d: {  	_ =	swait.ge [sflag:s12], $0x4000  }
0x37e: {  	[sflag:s12] =	ssyncset.done $0x0  }
0x37f: {  	s6 =	rddreg [dreg:$0x15];
	[sflag:s12] =	ssyncadd.s32 $0xFFFFC000  }
0x380: {  	[tilespmem:s23], [sflag:$0x1] =	stream.linear.gather [hbm4b:s6+s2], $0x4000, $0x38;
	[tilespmem:$0x1D600] =	vst v63  }
0x381: {  	s7 =	rddreg [dreg:$0x16]  }
0x382: {  	[tilespmem:s2], [sflag:$0x8] =	stream.linear.gather [hbm4b:s7+s2], $0x80, $0x38;
	[tilespmem:$0x1D600] =	vst v63  }
0x383: {  	_ =	swait.ge [sflag:s11], $0x4000  }
0x384: {  	[sflag:s11] =	ssyncset.done $0x0  }
0x385: {  	[sflag:s11] =	ssyncadd.s32 $0xFFFFC000  }
0x386: {  	_ =	swait.ge [sflag:s10], $0x80  }
0x387: {  	[sflag:s10] =	ssyncset.done $0x0  }
0x388: {  	s9 =	simm.s32 $0x8380;
	[sflag:s10] =	ssyncadd.s32 $0xFFFFFF80  }
0x389: {  	[spmem:s22] =	stream.indirect.scatter.add.f32 [tilespmem:s9], [sflag:$0x11], $0x80, s1, s4, $0xb8;
	[tilespmem:$0x1D600] =	vst v63  }
0x38a: {  	_ =	swait.ge [sflag:s24], $0x4000  }
0x38b: {  	[sflag:s24] =	ssyncset.done $0x0  }
0x38c: {  	s23 =	rddreg [dreg:$0x17];
	[sflag:s24] =	ssyncadd.s32 $0xFFFFC000  }
0x38d: {  	[tilespmem:s19], [sflag:$0x2] =	stream.linear.gather [hbm4b:s23+s2], $0x4000, $0x38;
	[tilespmem:$0x1D600] =	vst v63  }
0x38e: {  	s25 =	rddreg [dreg:$0x18];
	s19 =	simm.s32 $0x4  }
0x38f: {  	[tilespmem:s4], [sflag:$0x9] =	stream.linear.gather [hbm4b:s25+s2], $0x80, $0x38;
	[tilespmem:$0x1D600] =	vst v63  }
0x390: {  	_ =	swait.ge [sflag:s19], $0x4000  }
0x391: {  	[sflag:s19] =	ssyncset.done $0x0  }
0x392: {  	s24 =	simm.s32 $0xB;
	[sflag:s19] =	ssyncadd.s32 $0xFFFFC000  }
0x393: {  	_ =	swait.ge [sflag:s24], $0x80  }
0x394: {  	[sflag:s24] =	ssyncset.done $0x0  }
0x395: {  	s25 =	simm.s32 $0x11;
	[sflag:s24] =	ssyncadd.s32 $0xFFFFFF80  }
0x396: {  	[spmem:s22] =	stream.indirect.scatter.add.f32 [tilespmem:s8], [sflag:$0x12], $0x80, s30, s4, $0xb8;
	[tilespmem:$0x1D600] =	vst v63  }
0x397: {  	_ =	swait.ge [sflag:s25], $0x4000  }
0x398: {  	[sflag:s25] =	ssyncset.done $0x0  }
0x399: {  	s26 =	rddreg [dreg:$0x19];
	[sflag:s25] =	ssyncadd.s32 $0xFFFFC000  }
0x39a: {  	[tilespmem:s9], [sflag:$0x3] =	stream.linear.gather [hbm4b:s26+s2], $0x4000, $0x38;
	[tilespmem:$0x1D600] =	vst v63  }
0x39b: {  	s29 =	rddreg [dreg:$0x1a];
	s9 =	simm.s32 $0x5  }
0x39c: {  	[tilespmem:s1], [sflag:$0xA] =	stream.linear.gather [hbm4b:s29+s2], $0x80, $0x38;
	[tilespmem:$0x1D600] =	vst v63  }
0x39d: {  	_ =	swait.ge [sflag:s9], $0x4000  }
0x39e: {  	[sflag:s9] =	ssyncset.done $0x0  }
0x39f: {  	s26 =	simm.s32 $0xC;
	[sflag:s9] =	ssyncadd.s32 $0xFFFFC000  }
0x3a0: {  	_ =	swait.ge [sflag:s26], $0x80  }
0x3a1: {  	[sflag:s26] =	ssyncset.done $0x0  }
0x3a2: {  	s29 =	simm.s32 $0x12;
	[sflag:s26] =	ssyncadd.s32 $0xFFFFFF80  }
0x3a3: {  	[spmem:s22] =	stream.indirect.scatter.add.f32 [tilespmem:s31], [sflag:$0x13], $0x80, s3, s4, $0xb8;
	[tilespmem:$0x1D600] =	vst v63  }
0x3a4: {  	_ =	swait.ge [sflag:s29], $0x4000  }
0x3a5: {  	[sflag:s29] =	ssyncset.done $0x0  }
0x3a6: {  	s7 =	rddreg [dreg:$0x1b];
	[sflag:s29] =	ssyncadd.s32 $0xFFFFC000  }
0x3a7: {  	[tilespmem:s8], [sflag:$0x4] =	stream.linear.gather [hbm4b:s7+s2], $0x4000, $0x38;
	[tilespmem:$0x1D600] =	vst v63  }
0x3a8: {  	s23 =	rddreg [dreg:$0x1c];
	s8 =	simm.s32 $0x6  }
0x3a9: {  	[tilespmem:s30], [sflag:$0xB] =	stream.linear.gather [hbm4b:s23+s2], $0x80, $0x38;
	[tilespmem:$0x1D600] =	vst v63  }
0x3aa: {  	_ =	swait.ge [sflag:s8], $0x4000  }
0x3ab: {  	[sflag:s8] =	ssyncset.done $0x0  }
0x3ac: {  	[sflag:s8] =	ssyncadd.s32 $0xFFFFC000  }
0x3ad: {  	_ =	swait.ge [sflag:s28], $0x80  }
0x3ae: {  	[sflag:s28] =	ssyncset.done $0x0  }
0x3af: {  	s30 =	simm.s32 $0x280;
	s23 =	simm.s32 $0x14380;
	[sflag:s28] =	ssyncadd.s32 $0xFFFFFF80  }
0x3b0: {  	[spmem:s22] =	stream.indirect.scatter.add.f32 [tilespmem:s23], [sflag:$0x14], $0x80, s30, s4, $0xb8;
	[tilespmem:$0x1D600] =	vst v63  }
0x3b1: {  	_ =	swait.ge [sflag:s20], $0x4000  }
0x3b2: {  	[sflag:s20] =	ssyncset.done $0x0  }
0x3b3: {  	s0 =	rddreg [dreg:$0x1d];
	[sflag:s20] =	ssyncadd.s32 $0xFFFFC000  }
0x3b4: {  	[tilespmem:s31], [sflag:$0x5] =	stream.linear.gather [hbm4b:s0+s2], $0x4000, $0x38;
	[tilespmem:$0x1D600] =	vst v63  }
0x3b5: {  	s1 =	rddreg [dreg:$0x1e]  }
0x3b6: {  	[tilespmem:s3], [sflag:$0xC] =	stream.linear.gather [hbm4b:s1+s2], $0x80, $0x38;
	[tilespmem:$0x1D600] =	vst v63  }
0x3b7: {  	_ =	swait.ge [sflag:s18], $0x4000  }
0x3b8: {  	[sflag:s18] =	ssyncset.done $0x0  }
0x3b9: {  	s3 =	simm.s32 $0xE;
	[sflag:s18] =	ssyncadd.s32 $0xFFFFC000  }
0x3ba: {  	_ =	swait.ge [sflag:s3], $0x80  }
0x3bb: {  	[sflag:s3] =	ssyncset.done $0x0  }
0x3bc: {  	s0 =	simm.s32 $0x300;
	s1 =	simm.s32 $0x18380;
	[sflag:s3] =	ssyncadd.s32 $0xFFFFFF80  }
0x3bd: {  	[spmem:s22] =	stream.indirect.scatter.add.f32 [tilespmem:s1], [sflag:$0x15], $0x80, s0, s4, $0xb8;
	[tilespmem:$0x1D600] =	vst v63  }
0x3be: {  	_ =	swait.ge [sflag:s17], $0x4000  }
0x3bf: {  	s7 =	rddreg [dreg:$0x1f];
	[sflag:s17] =	ssyncset.done $0x0  }
0x3c0: {  	s31 =	sld [smem:$0x7E1];
	[sflag:s17] =	ssyncadd.s32 $0xFFFFC000  }
0x3c1: {  	[tilespmem:s23], [sflag:$0x6] =	stream.linear.gather [hbm4b:s7+s2], $0x4000, $0x38;
	[tilespmem:$0x1D600] =	vst v63  }
0x3c2: {  	_ = 	snop  }
0x3c3: {  	[tilespmem:s30], [sflag:$0xD] =	stream.linear.gather [hbm4b:s31+s2], $0x80, $0x38;
	[tilespmem:$0x1D600] =	vst v63  }
0x3c4: {  	_ =	swait.ge [sflag:s16], $0x4000  }
0x3c5: {  	[sflag:s16] =	ssyncset.done $0x0  }
0x3c6: {  	[sflag:s16] =	ssyncadd.s32 $0xFFFFC000  }
0x3c7: {  	_ =	swait.ge [sflag:s15], $0x80  }
0x3c8: {  	[sflag:s15] =	ssyncset.done $0x0  }
0x3c9: {  	s23 =	simm.s32 $0x380;
	s31 =	simm.s32 $0x15;
	[sflag:s15] =	ssyncadd.s32 $0xFFFFFF80  }
0x3ca: {  	[spmem:s22] =	stream.indirect.scatter.add.f32 [tilespmem:s23], [sflag:$0xF], $0x80, s2, s4, $0xb8;
	[tilespmem:$0x1D600] =	vst v63  }
0x3cb: {  	_ =	swait.ge [sflag:s31], $0x4000  }
0x3cc: {  	s5 =	sld [smem:$0x7E2]  }
0x3cd: {  	[sflag:s31] =	ssyncset.done $0x0  }
0x3ce: {  	s6 =	sld [smem:$0x7E3];
	[sflag:s31] =	ssyncadd.s32 $0xFFFFC000  }
0x3cf: {  	[tilespmem:s1], [sflag:$0x7] =	stream.linear.gather [hbm4b:s5+s2], $0x4000, $0x38;
	[tilespmem:$0x1D600] =	vst v63  }
0x3d0: {  	_ = 	snop  }
0x3d1: {  	[tilespmem:s0], [sflag:$0xE] =	stream.linear.gather [hbm4b:s6+s2], $0x80, $0x38;
	[tilespmem:$0x1D600] =	vst v63  }
0x3d2: {  	_ =	swait.ge [sflag:s14], $0x4000  }
0x3d3: {  	[sflag:s14] =	ssyncset.done $0x0  }
0x3d4: {  	[sflag:s14] =	ssyncadd.s32 $0xFFFFC000  }
0x3d5: {  	_ =	swait.ge [sflag:s13], $0x80  }
0x3d6: {  	[sflag:s13] =	ssyncset.done $0x0  }
0x3d7: {  	s0 =	simm.s32 $0x4380;
	[sflag:s13] =	ssyncadd.s32 $0xFFFFFF80  }
0x3d8: {  	[spmem:s22] =	stream.indirect.scatter.add.f32 [tilespmem:s0], [sflag:$0x10], $0x80, s4, s4, $0xb8;
	[tilespmem:$0x1D600] =	vst v63  }
0x3d9: {  	_ =	swait.ge [sflag:s12], $0x4000  }
0x3da: {  	s6 =	sld [smem:$0x7E4]  }
0x3db: {  	[sflag:s12] =	ssyncset.done $0x0  }
0x3dc: {  	s1 =	sld [smem:$0x7E5];
	[sflag:s12] =	ssyncadd.s32 $0xFFFFC000  }
0x3dd: {  	[tilespmem:s23], [sflag:$0x1] =	stream.linear.gather [hbm4b:s6+s2], $0x4000, $0x38;
	[tilespmem:$0x1D600] =	vst v63  }
0x3de: {  	_ = 	snop  }
0x3df: {  	[tilespmem:s2], [sflag:$0x8] =	stream.linear.gather [hbm4b:s1+s2], $0x80, $0x38;
	[tilespmem:$0x1D600] =	vst v63  }
0x3e0: {  	_ =	swait.ge [sflag:s11], $0x4000  }
0x3e1: {  	[sflag:s11] =	ssyncset.done $0x0  }
0x3e2: {  	[sflag:s11] =	ssyncadd.s32 $0xFFFFC000  }
0x3e3: {  	_ =	swait.ge [sflag:s10], $0x80  }
0x3e4: {  	s21 =	simm.s32 $0x10;
	[sflag:s10] =	ssyncset.done $0x0  }
0x3e5: {  	s23 =	simm.s32 $0x8380;
	s1 =	simm.s32 $0x100;
	[sflag:s10] =	ssyncadd.s32 $0xFFFFFF80  }
0x3e6: {  	[spmem:s22] =	stream.indirect.scatter.add.f32 [tilespmem:s23], [sflag:$0x11], $0x80, s1, s4, $0xb8;
	[tilespmem:$0x1D600] =	vst v63  }
0x3e7: {  	_ =	swait.ge [sflag:s21], $0x4000  }
0x3e8: {  	s6 =	sld [smem:$0x7E6]  }
0x3e9: {  	[sflag:s21] =	ssyncset.done $0x0  }
0x3ea: {  	[sflag:s21] =	ssyncadd.s32 $0xFFFFC000;
	s21 =	sld [smem:$0x7E7]  }
0x3eb: {  	[tilespmem:s0], [sflag:$0x2] =	stream.linear.gather [hbm4b:s6+s2], $0x4000, $0x38;
	[tilespmem:$0x1D600] =	vst v63  }
0x3ec: {  	_ = 	snop  }
0x3ed: {  	[tilespmem:s4], [sflag:$0x9] =	stream.linear.gather [hbm4b:s21+s2], $0x80, $0x38;
	[tilespmem:$0x1D600] =	vst v63  }
0x3ee: {  	_ =	swait.ge [sflag:s19], $0x4000  }
0x3ef: {  	[sflag:s19] =	ssyncset.done $0x0  }
0x3f0: {  	[sflag:s19] =	ssyncadd.s32 $0xFFFFC000  }
0x3f1: {  	_ =	swait.ge [sflag:s24], $0x80  }
0x3f2: {  	[sflag:s24] =	ssyncset.done $0x0  }
0x3f3: {  	s7 =	simm.s32 $0x180;
	s0 =	simm.s32 $0xC380;
	[sflag:s24] =	ssyncadd.s32 $0xFFFFFF80  }
0x3f4: {  	[spmem:s22] =	stream.indirect.scatter.add.f32 [tilespmem:s0], [sflag:$0x12], $0x80, s7, s4, $0xb8;
	[tilespmem:$0x1D600] =	vst v63  }
0x3f5: {  	_ =	swait.ge [sflag:s25], $0x4000  }
0x3f6: {  	s6 =	sld [smem:$0x7E8]  }
0x3f7: {  	[sflag:s25] =	ssyncset.done $0x0  }
0x3f8: {  	s21 =	sld [smem:$0x7E9];
	[sflag:s25] =	ssyncadd.s32 $0xFFFFC000  }
0x3f9: {  	[tilespmem:s23], [sflag:$0x3] =	stream.linear.gather [hbm4b:s6+s2], $0x4000, $0x38;
	[tilespmem:$0x1D600] =	vst v63  }
0x3fa: {  	_ = 	snop  }
0x3fb: {  	[tilespmem:s1], [sflag:$0xA] =	stream.linear.gather [hbm4b:s21+s2], $0x80, $0x38;
	[tilespmem:$0x1D600] =	vst v63  }
0x3fc: {  	_ =	swait.ge [sflag:s9], $0x4000  }
0x3fd: {  	[sflag:s9] =	ssyncset.done $0x0  }
0x3fe: {  	[sflag:s9] =	ssyncadd.s32 $0xFFFFC000  }
0x3ff: {  	_ =	swait.ge [sflag:s26], $0x80  }
0x400: {  	[sflag:s26] =	ssyncset.done $0x0  }
0x401: {  	s17 =	simm.s32 $0x10380;
	s6 =	simm.s32 $0x200;
	[sflag:s26] =	ssyncadd.s32 $0xFFFFFF80  }
0x402: {  	[spmem:s22] =	stream.indirect.scatter.add.f32 [tilespmem:s17], [sflag:$0x13], $0x80, s6, s4, $0xb8;
	[tilespmem:$0x1D600] =	vst v63  }
0x403: {  	_ =	swait.ge [sflag:s29], $0x4000  }
0x404: {  	s21 =	sld [smem:$0x7EA]  }
0x405: {  	[sflag:s29] =	ssyncset.done $0x0  }
0x406: {  	s1 =	sld [smem:$0x7EB];
	[sflag:s29] =	ssyncadd.s32 $0xFFFFC000  }
0x407: {  	[tilespmem:s0], [sflag:$0x4] =	stream.linear.gather [hbm4b:s21+s2], $0x4000, $0x38;
	[tilespmem:$0x1D600] =	vst v63  }
0x408: {  	_ = 	snop  }
0x409: {  	[tilespmem:s7], [sflag:$0xB] =	stream.linear.gather [hbm4b:s1+s2], $0x80, $0x38;
	[tilespmem:$0x1D600] =	vst v63  }
0x40a: {  	_ =	swait.ge [sflag:s8], $0x4000  }
0x40b: {  	[sflag:s8] =	ssyncset.done $0x0  }
0x40c: {  	[sflag:s8] =	ssyncadd.s32 $0xFFFFC000  }
0x40d: {  	_ =	swait.ge [sflag:s28], $0x80  }
0x40e: {  	[sflag:s28] =	ssyncset.done $0x0  }
0x40f: {  	s0 =	simm.s32 $0x14380;
	s1 =	simm.s32 $0x280;
	[sflag:s28] =	ssyncadd.s32 $0xFFFFFF80  }
0x410: {  	[spmem:s22] =	stream.indirect.scatter.add.f32 [tilespmem:s0], [sflag:$0x14], $0x80, s1, s4, $0xb8;
	[tilespmem:$0x1D600] =	vst v63  }
0x411: {  	_ =	swait.ge [sflag:s20], $0x4000  }
0x412: {  	s6 =	sld [smem:$0x7EC]  }
0x413: {  	[sflag:s20] =	ssyncset.done $0x0  }
0x414: {  	s7 =	sld [smem:$0x7ED];
	[sflag:s20] =	ssyncadd.s32 $0xFFFFC000  }
0x415: {  	[tilespmem:s17], [sflag:$0x5] =	stream.linear.gather [hbm4b:s6+s2], $0x4000, $0x38;
	[tilespmem:$0x1D600] =	vst v63  }
0x416: {  	s20 =	simm.s32 $0x200  }
0x417: {  	[tilespmem:s20], [sflag:$0xC] =	stream.linear.gather [hbm4b:s7+s2], $0x80, $0x38;
	[tilespmem:$0x1D600] =	vst v63  }
0x418: {  	_ =	swait.ge [sflag:s18], $0x4000  }
0x419: {  	[sflag:s18] =	ssyncset.done $0x0  }
0x41a: {  	[sflag:s18] =	ssyncadd.s32 $0xFFFFC000  }
0x41b: {  	_ =	swait.ge [sflag:s3], $0x80  }
0x41c: {  	s30 =	simm.s32 $0x14;
	[sflag:s3] =	ssyncset.done $0x0  }
0x41d: {  	s7 =	simm.s32 $0x18380;
	s18 =	simm.s32 $0x300;
	[sflag:s3] =	ssyncadd.s32 $0xFFFFFF80  }
0x41e: {  	[spmem:s22] =	stream.indirect.scatter.add.f32 [tilespmem:s7], [sflag:$0x15], $0x80, s18, s4, $0xb8;
	[tilespmem:$0x1D600] =	vst v63  }
0x41f: {  	_ =	swait.ge [sflag:s30], $0x4000  }
0x420: {  	s21 =	sld [smem:$0x7EE]  }
0x421: {  	[sflag:s30] =	ssyncset.done $0x0  }
0x422: {  	s28 =	sld [smem:$0x7EF];
	[sflag:s30] =	ssyncadd.s32 $0xFFFFC000  }
0x423: {  	[tilespmem:s0], [sflag:$0x6] =	stream.linear.gather [hbm4b:s21+s2], $0x4000, $0x38;
	[tilespmem:$0x1D600] =	vst v63  }
0x424: {  	_ = 	snop  }
0x425: {  	[tilespmem:s1], [sflag:$0xD] =	stream.linear.gather [hbm4b:s28+s2], $0x80, $0x38;
	[tilespmem:$0x1D600] =	vst v63  }
0x426: {  	_ =	swait.ge [sflag:s16], $0x4000  }
0x427: {  	[sflag:s16] =	ssyncset.done $0x0  }
0x428: {  	[sflag:s16] =	ssyncadd.s32 $0xFFFFC000  }
0x429: {  	_ =	swait.ge [sflag:s15], $0x80  }
0x42a: {  	[sflag:s15] =	ssyncset.done $0x0  }
0x42b: {  	s21 =	simm.s32 $0x380;
	[sflag:s15] =	ssyncadd.s32 $0xFFFFFF80  }
0x42c: {  	[spmem:s22] =	stream.indirect.scatter.add.f32 [tilespmem:s21], [sflag:$0xF], $0x80, s2, s4, $0xb8;
	[tilespmem:$0x1D600] =	vst v63  }
0x42d: {  	_ =	swait.ge [sflag:s31], $0x4000  }
0x42e: {  	s28 =	sld [smem:$0x7F0]  }
0x42f: {  	[sflag:s31] =	ssyncset.done $0x0  }
0x430: {  	s1 =	sld [smem:$0x7F1];
	[sflag:s31] =	ssyncadd.s32 $0xFFFFC000  }
0x431: {  	[tilespmem:s7], [sflag:$0x7] =	stream.linear.gather [hbm4b:s28+s2], $0x4000, $0x38;
	[tilespmem:$0x1D600] =	vst v63  }
0x432: {  	_ = 	snop  }
0x433: {  	[tilespmem:s18], [sflag:$0xE] =	stream.linear.gather [hbm4b:s1+s2], $0x80, $0x38;
	[tilespmem:$0x1D600] =	vst v63  }
0x434: {  	_ =	swait.ge [sflag:s14], $0x4000  }
0x435: {  	[sflag:s14] =	ssyncset.done $0x0  }
0x436: {  	[sflag:s14] =	ssyncadd.s32 $0xFFFFC000  }
0x437: {  	_ =	swait.ge [sflag:s13], $0x80  }
0x438: {  	[sflag:s13] =	ssyncset.done $0x0  }
0x439: {  	s1 =	simm.s32 $0x4380;
	[sflag:s13] =	ssyncadd.s32 $0xFFFFFF80  }
0x43a: {  	[spmem:s22] =	stream.indirect.scatter.add.f32 [tilespmem:s1], [sflag:$0x10], $0x80, s4, s4, $0xb8;
	[tilespmem:$0x1D600] =	vst v63  }
0x43b: {  	_ =	swait.ge [sflag:s12], $0x4000  }
0x43c: {  	s7 =	sld [smem:$0x7F2]  }
0x43d: {  	[sflag:s12] =	ssyncset.done $0x0  }
0x43e: {  	s18 =	sld [smem:$0x7F3];
	[sflag:s12] =	ssyncadd.s32 $0xFFFFC000  }
0x43f: {  	[tilespmem:s21], [sflag:$0x1] =	stream.linear.gather [hbm4b:s7+s2], $0x4000, $0x38;
	[tilespmem:$0x1D600] =	vst v63  }
0x440: {  	_ = 	snop  }
0x441: {  	[tilespmem:s2], [sflag:$0x8] =	stream.linear.gather [hbm4b:s18+s2], $0x80, $0x38;
	[tilespmem:$0x1D600] =	vst v63  }
0x442: {  	_ =	swait.ge [sflag:s11], $0x4000  }
0x443: {  	[sflag:s11] =	ssyncset.done $0x0  }
0x444: {  	[sflag:s11] =	ssyncadd.s32 $0xFFFFC000  }
0x445: {  	_ =	swait.ge [sflag:s10], $0x80  }
0x446: {  	s23 =	simm.s32 $0x100;
	[sflag:s10] =	ssyncset.done $0x0  }
0x447: {  	s6 =	simm.s32 $0x10;
	s7 =	simm.s32 $0x8380;
	[sflag:s10] =	ssyncadd.s32 $0xFFFFFF80  }
0x448: {  	[spmem:s22] =	stream.indirect.scatter.add.f32 [tilespmem:s7], [sflag:$0x11], $0x80, s23, s4, $0xb8;
	[tilespmem:$0x1D600] =	vst v63  }
0x449: {  	_ =	swait.ge [sflag:s6], $0x4000  }
0x44a: {  	s18 =	sld [smem:$0x7F4]  }
0x44b: {  	[sflag:s6] =	ssyncset.done $0x0  }
0x44c: {  	[sflag:s6] =	ssyncadd.s32 $0xFFFFC000;
	s6 =	sld [smem:$0x7F5]  }
0x44d: {  	[tilespmem:s1], [sflag:$0x2] =	stream.linear.gather [hbm4b:s18+s2], $0x4000, $0x38;
	[tilespmem:$0x1D600] =	vst v63  }
0x44e: {  	_ = 	snop  }
0x44f: {  	[tilespmem:s4], [sflag:$0x9] =	stream.linear.gather [hbm4b:s6+s2], $0x80, $0x38;
	[tilespmem:$0x1D600] =	vst v63  }
0x450: {  	_ =	swait.ge [sflag:s19], $0x4000  }
0x451: {  	[sflag:s19] =	ssyncset.done $0x0  }
0x452: {  	[sflag:s19] =	ssyncadd.s32 $0xFFFFC000  }
0x453: {  	_ =	swait.ge [sflag:s24], $0x80  }
0x454: {  	[sflag:s24] =	ssyncset.done $0x0  }
0x455: {  	s6 =	simm.s32 $0xC380;
	s19 =	simm.s32 $0x180;
	[sflag:s24] =	ssyncadd.s32 $0xFFFFFF80  }
0x456: {  	[spmem:s22] =	stream.indirect.scatter.add.f32 [tilespmem:s6], [sflag:$0x12], $0x80, s19, s4, $0xb8;
	[tilespmem:$0x1D600] =	vst v63  }
0x457: {  	_ =	swait.ge [sflag:s25], $0x4000  }
0x458: {  	s24 =	sld [smem:$0x7F6]  }
0x459: {  	[sflag:s25] =	ssyncset.done $0x0  }
0x45a: {  	s1 =	sld [smem:$0x7F7];
	[sflag:s25] =	ssyncadd.s32 $0xFFFFC000  }
0x45b: {  	[tilespmem:s7], [sflag:$0x3] =	stream.linear.gather [hbm4b:s24+s2], $0x4000, $0x38;
	[tilespmem:$0x1D600] =	vst v63  }
0x45c: {  	_ = 	snop  }
0x45d: {  	[tilespmem:s23], [sflag:$0xA] =	stream.linear.gather [hbm4b:s1+s2], $0x80, $0x38;
	[tilespmem:$0x1D600] =	vst v63  }
0x45e: {  	_ =	swait.ge [sflag:s9], $0x4000  }
0x45f: {  	[sflag:s9] =	ssyncset.done $0x0  }
0x460: {  	[sflag:s9] =	ssyncadd.s32 $0xFFFFC000  }
0x461: {  	_ =	swait.ge [sflag:s26], $0x80  }
0x462: {  	[sflag:s26] =	ssyncset.done $0x0  }
0x463: {  	s17 =	simm.s32 $0x10380;
	s20 =	simm.s32 $0x200;
	[sflag:s26] =	ssyncadd.s32 $0xFFFFFF80  }
0x464: {  	[spmem:s22] =	stream.indirect.scatter.add.f32 [tilespmem:s17], [sflag:$0x13], $0x80, s20, s4, $0xb8;
	[tilespmem:$0x1D600] =	vst v63  }
0x465: {  	_ =	swait.ge [sflag:s29], $0x4000  }
0x466: {  	s5 =	sld [smem:$0x7F8]  }
0x467: {  	s6 =	simm.s32 @!p1 $0x0;
	[sflag:s29] =	ssyncset.done $0x0  }
0x468: {  	s1 =	simm.s32 @!p1 $0xC380;
	s7 =	sld [smem:$0x7F9];
	[sflag:s29] =	ssyncadd.s32 $0xFFFFC000  }
0x469: {  	[tilespmem:s1], [sflag:$0x4] =	stream.linear.gather @!p1 [hbm4b:s5+s6], $0x4000, $0x38;
	[tilespmem:$0x1D600] =	vst v63  }
0x46a: {  	s17 =	simm.s32 @!p1 $0x180  }
0x46b: {  	[tilespmem:s17], [sflag:$0xB] =	stream.linear.gather @!p1 [hbm4b:s7+s6], $0x80, $0x38;
	[tilespmem:$0x1D600] =	vst v63  }
0x46c: {  	_ =	swait.ge [sflag:s8], $0x4000  }
0x46d: {  	[sflag:s8] =	ssyncset.done $0x0  }
0x46e: {  	s9 =	simm.s32 $0xD;
	[sflag:s8] =	ssyncadd.s32 $0xFFFFC000  }
0x46f: {  	_ =	swait.ge [sflag:s9], $0x80  }
0x470: {  	s25 =	simm.s32 $0x14380;
	[sflag:s9] =	ssyncset.done $0x0  }
0x471: {  	s26 =	simm.s32 $0x280;
	s20 =	simm.s32 $0x13;
	[sflag:s9] =	ssyncadd.s32 $0xFFFFFF80  }
0x472: {  	[spmem:s22] =	stream.indirect.scatter.add.f32 [tilespmem:s25], [sflag:$0x14], $0x80, s26, s4, $0xb8;
	[tilespmem:$0x1D600] =	vst v63  }
0x473: {  	_ =	swait.ge [sflag:s20], $0x4000  }
0x474: {  	[sflag:s20] =	ssyncset.done $0x0  }
0x475: {  	s29 =	simm.s32 $0x7;
	[sflag:s20] =	ssyncadd.s32 $0xFFFFC000  }
0x476: {  	_ =	swait.ge [sflag:s29], $0x4000  }
0x477: {  	[sflag:s29] =	ssyncset.done $0x0  }
0x478: {  	[sflag:s29] =	ssyncadd.s32 $0xFFFFC000  }
0x479: {  	_ =	swait.ge [sflag:s3], $0x80  }
0x47a: {  	[sflag:s3] =	ssyncset.done $0x0  }
0x47b: {  	s28 =	simm.s32 $0x300;
	s29 =	simm.s32 $0x18380;
	[sflag:s3] =	ssyncadd.s32 $0xFFFFFF80  }
0x47c: {  	[spmem:s22] =	stream.indirect.scatter.add.f32 [tilespmem:s29], [sflag:$0x15], $0x80, s28, s4, $0xb8;
	[tilespmem:$0x1D600] =	vst v63  }
0x47d: {  	_ =	swait.ge [sflag:s30], $0x4000  }
0x47e: {  	[sflag:s30] =	ssyncset.done $0x0  }
0x47f: {  	[sflag:s30] =	ssyncadd.s32 $0xFFFFC000  }
0x480: {  	_ =	swait.ge [sflag:s16], $0x4000  }
0x481: {  	[sflag:s16] =	ssyncset.done $0x0  }
0x482: {  	[sflag:s16] =	ssyncadd.s32 $0xFFFFC000  }
0x483: {  	_ =	swait.ge [sflag:s15], $0x80  }
0x484: {  	[sflag:s15] =	ssyncset.done $0x0  }
0x485: {  	s21 =	simm.s32 $0x380;
	[sflag:s15] =	ssyncadd.s32 $0xFFFFFF80  }
0x486: {  	[spmem:s22] =	stream.indirect.scatter.add.f32 [tilespmem:s21], [sflag:$0xF], $0x80, s2, s4, $0xb8;
	[tilespmem:$0x1D600] =	vst v63  }
0x487: {  	_ =	swait.ge [sflag:s31], $0x4000  }
0x488: {  	[sflag:s31] =	ssyncset.done $0x0  }
0x489: {  	[sflag:s31] =	ssyncadd.s32 $0xFFFFC000  }
0x48a: {  	_ =	swait.ge [sflag:s14], $0x4000  }
0x48b: {  	[sflag:s14] =	ssyncset.done $0x0  }
0x48c: {  	[sflag:s14] =	ssyncadd.s32 $0xFFFFC000  }
0x48d: {  	_ =	swait.ge [sflag:s13], $0x80  }
0x48e: {  	[sflag:s13] =	ssyncset.done $0x0  }
0x48f: {  	s18 =	simm.s32 $0x4380;
	[sflag:s13] =	ssyncadd.s32 $0xFFFFFF80  }
0x490: {  	[spmem:s22] =	stream.indirect.scatter.add.f32 [tilespmem:s18], [sflag:$0x10], $0x80, s4, s4, $0xb8;
	[tilespmem:$0x1D600] =	vst v63  }
0x491: {  	_ =	swait.ge [sflag:s12], $0x4000  }
0x492: {  	[sflag:s12] =	ssyncset.done $0x0  }
0x493: {  	[sflag:s12] =	ssyncadd.s32 $0xFFFFC000  }
0x494: {  	_ =	swait.ge [sflag:s11], $0x4000  }
0x495: {  	[sflag:s11] =	ssyncset.done $0x0  }
0x496: {  	[sflag:s11] =	ssyncadd.s32 $0xFFFFC000  }
0x497: {  	_ =	swait.ge [sflag:s10], $0x80  }
0x498: {  	[sflag:s10] =	ssyncset.done $0x0  }
0x499: {  	s0 =	simm.s32 $0x10;
	s24 =	simm.s32 $0x8380;
	[sflag:s10] =	ssyncadd.s32 $0xFFFFFF80  }
0x49a: {  	[spmem:s22] =	stream.indirect.scatter.add.f32 [tilespmem:s24], [sflag:$0x11], $0x80, s23, s4, $0xb8;
	[tilespmem:$0x1D600] =	vst v63  }
0x49b: {  	_ =	swait.ge [sflag:s0], $0x4000  }
0x49c: {  	[sflag:s0] =	ssyncset.done $0x0  }
0x49d: {  	[sflag:s0] =	ssyncadd.s32 $0xFFFFC000;
	s0 =	simm.s32 @p1 $0x11  }
0x49e: {  	_ =	swait.ge @p1 [sflag:s0], $0x4000  }
0x49f: {  	s2 =	sld [smem:$0x7FA]  }
0x4a0: {  	s5 =	simm.s32 @!p2 $0x1C380;
	[sflag:s0] =	ssyncset.done @p1 $0x0  }
0x4a1: {  	s4 =	simm.s32 @!p2 $0x17;
	[sflag:s0] =	ssyncadd.s32 @p1 $0xFFFFC000;
	s0 =	simm.s32 @!p2 $0x0  }
0x4a2: {  	[tilespmem:s5], [sflag:$0x17] =	stream.linear.gather @!p2 [hbm4b:s2+s0], $0x20, $0x38;
	[tilespmem:$0x1D600] =	vst v63  }
0x4a3: {  	_ =	swait.ge @!p2 [sflag:s4], $0x20  }
0x4a4: {  	s2 =	sld [smem:$0x7FB]  }
0x4a5: {  	[sflag:s4] =	ssyncset.done @!p2 $0x0  }
0x4a6: {  	s6 =	simm.s32 @!p2 $0x1C400;
	[sflag:s4] =	ssyncadd.s32 @!p2 $0xFFFFFFE0  }
0x4a7: {  	[tilespmem:s6], [sflag:$0x16] =	stream.linear.gather @!p2 [hbm4b:s2+s0], $0x1000, $0x38;
	[tilespmem:$0x1D600] =	vst v63  }
0x4a8: {  	s0 =	simm.s32 @!p2 $0x16  }
0x4a9: {  	_ =	swait.ge @!p2 [sflag:s0], $0x1000  }
0x4aa: {  	[sflag:s0] =	ssyncset.done @!p2 $0x0  }
0x4ab: {  	[sflag:s0] =	ssyncadd.s32 @!p2 $0xFFFFF000;
	s0 =	simm.s32 @!p2 $0x20  }
0x4ac: {  	[spmem:s22] =	stream.indirect.scatter.add.f32 @!p2 [tilespmem:s6], [sflag:$0x17], $0x80, s5, s0, $0xb8;
	[tilespmem:$0x1D600] =	vst v63  }
0x4ad: {  	_ =	swait.ge @!p2 [sflag:s4], $0x1000  }
0x4ae: {  	[sflag:s4] =	ssyncset.done @!p2 $0x0  }
0x4af: {  	s0 =	simm.s32 @!p1 $0x4;
	[sflag:s4] =	ssyncadd.s32 @!p2 $0xFFFFF000  }
0x4b0: {  	_ =	swait.ge @!p1 [sflag:s0], $0x4000  }
0x4b1: {  	[sflag:s0] =	ssyncset.done @!p1 $0x0  }
0x4b2: {  	[sflag:s0] =	ssyncadd.s32 @!p1 $0xFFFFC000;
	s0 =	simm.s32 @!p1 $0xB  }
0x4b3: {  	_ =	swait.ge @!p1 [sflag:s0], $0x80  }
0x4b4: {  	[sflag:s0] =	ssyncset.done @!p1 $0x0  }
0x4b5: {  	[sflag:s0] =	ssyncadd.s32 @!p1 $0xFFFFFF80;
	s0 =	simm.s32 @!p1 $0x80  }
0x4b6: {  	[spmem:s22] =	stream.indirect.scatter.add.f32 @!p1 [tilespmem:s1], [sflag:$0x12], $0x80, s17, s0, $0xb8;
	[tilespmem:$0x1D600] =	vst v63  }
0x4b7: {  	s0 =	simm.s32 @!p1 $0x11  }
0x4b8: {  	_ =	swait.ge @!p1 [sflag:s0], $0x4000  }
0x4b9: {  	[sflag:s0] =	ssyncset.done @!p1 $0x0  }
0x4ba: {  	[sflag:s0] =	ssyncadd.s32 @!p1 $0xFFFFC000;
	s0 =	simm.s32 @!p1 $0x12  }
0x4bb: {  	_ =	swait.ge @!p1 [sflag:s0], $0x4000  }
0x4bc: {  	[sflag:s0] =	ssyncset.done @!p1 $0x0  }
0x4bd: {  	[sflag:s0] =	ssyncadd.s32 @!p1 $0xFFFFC000  }
0x4be: {  	[bflag:$0x0] =	sbarrier.arrive $0xFFFF  }
0x4bf: {  	s0 =	sld [smem:$0x7FC]  }
0x4c0: {  	s2 =	sld [smem:$0x7FD];
	_ =	sdelay $0x1  }
0x4c1: {  	s1 =	simm.s32 @!p0 $0x1C17  }
0x4c2: {  	[hbm:s0], [sflag:s1] =	dma.local @!p0 [spmem:s2], $0x400  }
0x4c3: {  	s0 =	simm.s32 @!p0 $0x17  }
0x4c4: {  	_ =	swait.ge @!p0 [sflag:s0], $0x400  }
0x4c5: {  	[sflag:s0] =	ssyncset.done @!p0 $0x0  }
0x4c6: {  	[sflag:s0] =	ssyncadd.s32 @!p0 $0xFFFFFC00  }
0x4c7: {  	_ =	sfence.sel $0x180000  }
0x4c8: {  	[bflag:$0x0] =	sbarrier.arrive $0xFFFF  }
0x4c9: {  	_ =	strace $0x90000047  }
0x4ca: {  	[bflag:$0x2] =	sbarrier.arrive $0xFFFF  }
0x4cb: {  	s0 =	rddreg [dreg:$0x5]  }
0x4cc: {  	s0 =	sadd.s32 @!p0 $0x100000, s0  }
0x4cd: {  	[sflag:s0] =	ssyncadd.tile.s32 @!p0 $0x1;
	_ =	shalt  }
.LBB2_1:
.Ltmp3:
0x4ce: {  	(pc) =	sbr.rel .LBB2_6-.Ltmp3, $2  }
0x4cf: {  	_ =	sdelay $0x2  }
0x4d0: {  	s3 =	simm.s32 $0x200  }
.LBB2_7:
.Ltmp4:
0x4d1: {  	(pc) =	sbr.rel .LBB2_6-.Ltmp4, $4  }
0x4d2: {  	s9 =	simm.s32 $0x8380  }
0x4d3: {  	s1 =	simm.s32 $0x100;
	s19 =	simm.s32 $0x4380;
	s23 =	simm.s32 $0x380  }
0x4d4: {  	s29 =	simm.s32 $0x18380;
	s31 =	simm.s32 $0x10380;
	s18 =	simm.s32 $0x7  }
0x4d5: {  	s20 =	simm.s32 $0x13;
	s28 =	simm.s32 $0xD;
	s30 =	simm.s32 $0x180  }
.Lfunc_end2:
_tile_overlayer_lowered:
.L_overlay_start_2:
0x4d6: {  	(tag) =	ssettag $0x2  }
0x4d7: {  	s0 =	rddreg [dreg:$0x0];
	s2 =	stileid.u32  }
0x4d8: {  	s1 =	rddreg [dreg:$0x1];
	p0 =	sne.s32 s2, $0x0  }
0x4d9: {  	s3 =	rddreg [dreg:$0x2];
	[bflag:$0x3] =	sbarrier.arrive $0xFFFF;
	s2 =	simm.s32 @!p0 $0x1C17  }
0x4da: {  	[timem:s3], [sflag:s2] =	dma.local @!p0 [hbm:s0], s1  }
0x4db: {  	s0 =	simm.s32 @!p0 $0x17  }
0x4dc: {  	_ =	swait.ge @!p0 [sflag:s0], s1  }
0x4dd: {  	s1 =	ssub.s32 @!p0 $0x0, s1;
	[sflag:s0] =	ssyncset.done @!p0 $0x0  }
0x4de: {  	[sflag:s0] =	ssyncadd.s32 @!p0 s1  }
0x4df: {  	[bflag:$0x3] =	sbarrier.arrive $0xFFFF  }
0x4e0: {  	_ =	shalt  }

</sc_bundles>
